<compile_context>
chip_gen: v7x
topology: tpu7x:2x2x1
jax: 0.10.2.dev20260603
libtpu: 0.0.44.dev20260713+nightly
codegen_flags: <defaults>
</compile_context>

<pallas_src>
import functools

import jax
import jax.numpy as jnp
from jax import lax
from jax.experimental import pallas as pl
from jax.experimental.pallas import tpu as pltpu
from jax.experimental.pallas import tpu_sc as plsc

_NC = 2
_NS = 16


def _to_linear_rows(emb):
    V, D = emb.shape
    embT = emb.T
    BN = 12800
    grid = ((V + BN - 1) // BN,)

    def body(in_ref, o_ref):
        tt = in_ref[...].T
        o_ref[...] = jnp.concatenate([tt, tt], axis=1)

    return pl.pallas_call(
        body,
        grid=grid,
        in_specs=[pl.BlockSpec((D, BN), lambda i: (0, i))],
        out_specs=pl.BlockSpec((BN, 2 * D), lambda i: (i, 0)),
        out_shape=jax.ShapeDtypeStruct((V, 2 * D), jnp.float32),
    )(embT)


def _gather_concat(idx, emb):
    F, B = idx.shape
    V, D = emb.shape
    nw = _NC * _NS
    bpw = B // nw

    mesh = plsc.VectorSubcoreMesh(core_axis_name="c", subcore_axis_name="s")

    K = 5

    @functools.partial(
        pl.kernel,
        out_type=jax.ShapeDtypeStruct((F // 2, B, 2 * D), emb.dtype),
        mesh=mesh,
        scratch_types=[
            pltpu.VMEM((F, bpw), jnp.int32),
        ] + [pltpu.VMEM((bpw, D), emb.dtype) for _ in range(K)]
          + [pltpu.SemaphoreType.DMA for _ in range(2 * K)],
        compiler_params=pltpu.CompilerParams(use_tc_tiling_on_sc=False),
    )
    def gk(idx_hbm, emb_hbm, out_hbm, idx_v, *rest):
        bufs = rest[:K]
        gsem = rest[K:2 * K]
        ssem = rest[2 * K:3 * K]
        wid = lax.axis_index("s") * _NC + lax.axis_index("c")
        base = wid * bpw
        pltpu.sync_copy(idx_hbm.at[:, pl.ds(base, bpw)], idx_v)
        gcp = [None] * K
        scp = [None] * K

        def _store(fd):
            kd = fd % K
            gcp[kd].wait()
            scp[kd] = pltpu.async_copy(
                bufs[kd],
                out_hbm.at[fd // 2, pl.ds(base, bpw), pl.ds((fd % 2) * D, D)],
                ssem[kd],
            )

        for f in range(F):
            k = f % K
            if scp[k] is not None:
                scp[k].wait()
            gcp[k] = pltpu.async_copy(emb_hbm.at[idx_v.at[f]], bufs[k], gsem[k])
            if f - (K - 1) >= 0:
                _store(f - (K - 1))
        for fd in range(max(F - (K - 1), 0), F):
            _store(fd)
        for k in range(K):
            if scp[k] is not None:
                scp[k].wait()

    return gk(idx, emb)


def _mlp(x3, W0, b0, W1, b1, W2, b2, W3, b3, block_m=1024):
    S, B, C = x3.shape

    def body(x_ref, w0_ref, b0_ref, w1_ref, b1_ref, w2_ref, b2_ref,
             w3_ref, b3_ref, o_ref):
        f32 = jnp.float32
        x = x_ref[...].astype(jnp.bfloat16)
        ps = [jnp.dot(x[c], w0_ref[c], preferred_element_type=f32)
              for c in range(S)]
        while len(ps) > 1:
            ps = [a + b for a, b in zip(ps[::2], ps[1::2])] + (
                [ps[-1]] if len(ps) % 2 else [])
        h = ps[0] + b0_ref[...]
        h = jnp.maximum(h, 0.0).astype(jnp.bfloat16)
        h = jnp.dot(h, w1_ref[...], preferred_element_type=f32) + b1_ref[...]
        h = jnp.maximum(h, 0.0).astype(jnp.bfloat16)
        h = jnp.dot(h, w2_ref[...], preferred_element_type=f32) + b2_ref[...]
        h = jnp.maximum(h, 0.0).astype(jnp.bfloat16)
        o_ref[...] = jnp.dot(h, w3_ref[...], preferred_element_type=f32) + b3_ref[...]

    def _full(w):
        return pl.BlockSpec(w.shape, lambda i: (0,) * w.ndim)

    bf16 = jnp.bfloat16
    w03 = W0.reshape(S, C, W0.shape[1]).astype(bf16)
    W1, W2, W3 = W1.astype(bf16), W2.astype(bf16), W3.astype(bf16)
    return pl.pallas_call(
        body,
        grid=(B // block_m,),
        in_specs=[
            pl.BlockSpec((S, block_m, C), lambda i: (0, i, 0)),
            _full(w03), _full(b0), _full(W1), _full(b1),
            _full(W2), _full(b2), _full(W3), _full(b3),
        ],
        out_specs=pl.BlockSpec((block_m, 1), lambda i: (i, 0)),
        out_shape=jax.ShapeDtypeStruct((B, 1), jnp.float32),
    )(x3, w03, b0, W1, b1, W2, b2, W3, b3)


def kernel(idx, emb, W0, b0, W1, b1, W2, b2, W3, b3):
    idx = idx.astype(jnp.int32) * 2
    emb_lin = _to_linear_rows(emb).reshape(2 * emb.shape[0], emb.shape[1])
    B = idx.shape[1]
    nh = 1
    bh = B // nh
    biases = (b0.reshape(1, -1), b1.reshape(1, -1),
              b2.reshape(1, -1), b3.reshape(1, -1))
    xs = [_gather_concat(idx[:, k * bh:(k + 1) * bh], emb_lin)
          for k in range(nh)]
    outs = [_mlp(x3, W0, biases[0], W1, biases[1], W2, biases[2],
                 W3, biases[3], block_m=bh // 4)
            for x3 in xs]
    return jnp.concatenate(outs, axis=0)

# --- scband reference (transcript-rebuilt; emitter-appended) ---
"""Pipeline reference for scband-dnn-2680059593351 (READ-ONLY COPY).

The authoritative reference and input builder live on the scoring server;
editing this copy changes nothing except your own understanding.
"""

import jax, jax.numpy as jnp
import numpy as np

B, F, V, D = 4096, 26, 100000, 64
HIDDEN = [1024, 512, 256, 1]

def setup_inputs(seed: int = 0):
    key = jax.random.key(seed)
    ks = jax.random.split(key, 2 + 2 * len(HIDDEN))
    # idx[i] corresponds to the squeezed [B] indices of sparse field f_i
    idx = jax.random.randint(ks[0], (F, B), 0, V)
    emb = jax.random.normal(ks[1], (V, D), dtype=jnp.float32) * 0.05
    inp = {"idx": idx, "emb": emb}
    dims = [F * D] + HIDDEN
    for i in range(len(HIDDEN)):
        inp[f"W{i}"] = jax.random.normal(ks[2 + 2 * i], (dims[i], dims[i + 1]), dtype=jnp.float32) * (1.0 / np.sqrt(dims[i]))
        inp[f"b{i}"] = jnp.zeros((dims[i + 1],), dtype=jnp.float32)
    return inp

def reference(idx, emb, W0, b0, W1, b1, W2, b2, W3, b3):
    # embedding_lookup: shared table lookup per field, squeeze to [B, D]
    e = jnp.take(emb, idx, axis=0)              # [F, B, D]
    # concat_embedding: concat fields along last axis -> [B, F*D]
    x = jnp.transpose(e, (1, 0, 2)).reshape(e.shape[1], -1)
    # MLP: relu on all but last layer, linear output
    layers = [(W0, b0), (W1, b1), (W2, b2), (W3, b3)]
    h = x
    for i, (W, b) in enumerate(layers):
        h = h @ W + b
        if i < len(layers) - 1:
            h = jax.nn.relu(h)
    return h

if __name__ == "__main__":
    import jax
    _d = setup_inputs()
    print(jax.jit(kernel)(*tuple(_d.values())))

</pallas_src>

<mosaic_0001>
#map = affine_map<(d0, d1) -> (0, 0)>
#map1 = affine_map<(d0, d1) -> (0, 0, 0)>
module attributes {stable_mosaic.version = 14 : i64} {
  func.func @gk(%arg0: i32, %arg1: i32, %arg2: memref<26x4096xi32, #tpu.memory_space<hbm>>, %arg3: memref<200000x64xf32, #tpu.memory_space<hbm>>, %arg4: memref<13x4096x128xf32, #tpu.memory_space<hbm>>, %arg5: memref<26x128xi32, #tpu.memory_space<vmem>>, %arg6: memref<128x64xf32, #tpu.memory_space<vmem>>, %arg7: memref<128x64xf32, #tpu.memory_space<vmem>>, %arg8: memref<128x64xf32, #tpu.memory_space<vmem>>, %arg9: memref<128x64xf32, #tpu.memory_space<vmem>>, %arg10: memref<128x64xf32, #tpu.memory_space<vmem>>, %arg11: memref<!tpu.dma_semaphore, #tpu.memory_space<semaphore_mem>>, %arg12: memref<!tpu.dma_semaphore, #tpu.memory_space<semaphore_mem>>, %arg13: memref<!tpu.dma_semaphore, #tpu.memory_space<semaphore_mem>>, %arg14: memref<!tpu.dma_semaphore, #tpu.memory_space<semaphore_mem>>, %arg15: memref<!tpu.dma_semaphore, #tpu.memory_space<semaphore_mem>>, %arg16: memref<!tpu.dma_semaphore, #tpu.memory_space<semaphore_mem>>, %arg17: memref<!tpu.dma_semaphore, #tpu.memory_space<semaphore_mem>>, %arg18: memref<!tpu.dma_semaphore, #tpu.memory_space<semaphore_mem>>, %arg19: memref<!tpu.dma_semaphore, #tpu.memory_space<semaphore_mem>>, %arg20: memref<!tpu.dma_semaphore, #tpu.memory_space<semaphore_mem>>) attributes {dimension_semantics = [#tpu.dimension_semantics<core_parallel>, #tpu.dimension_semantics<subcore_parallel>], iteration_bounds = array<i64: 2, 16>, scalar_prefetch = 0 : i64, scratch_operands = 16 : i64, tpu.core_type = #tpu.core_type<sc_vector_subcore>, window_params = [{transform_indices = #map}, {transform_indices = #map}, {transform_indices = #map1}]} {
    %mul3A = arith.constant 2 : i32
    %mul3A_0 = arith.muli %arg1, %mul3A : i32
    %add3A = arith.addi %mul3A_0, %arg0 : i32
    %mul3A_1 = arith.constant 128 : i32
    %mul3A_2 = arith.muli %add3A, %mul3A_1 : i32
    "tpu.region"() ({
      %run_scoped3A = tpu.sem_alloc : memref<!tpu.dma_semaphore, #tpu.memory_space<semaphore_mem>>
      %dma_start3A_729 = arith.constant 0 : i32
      %dma_start3A_730 = tpu.memref_slice %arg2[%dma_start3A_729, %mul3A_2] : memref<26x4096xi32, #tpu.memory_space<hbm>> -> memref<26x128xi32, #tpu.memory_space<hbm>>
      %dma_start3A_731 = arith.constant 0 : i32
      %dma_start3A_732 = tpu.memref_slice %arg2[%dma_start3A_731, %mul3A_2] : memref<26x4096xi32, #tpu.memory_space<hbm>> -> memref<26x128xi32, #tpu.memory_space<hbm>>
      tpu.enqueue_dma source(%dma_start3A_732 : memref<26x128xi32, #tpu.memory_space<hbm>>) target(%arg5 : memref<26x128xi32, #tpu.memory_space<vmem>>) target_semaphore(%run_scoped3A : memref<!tpu.dma_semaphore, #tpu.memory_space<semaphore_mem>>)
      %dma_wait3A_733 = arith.constant 0 : i32
      %dma_wait3A_734 = tpu.memref_slice %arg2[%dma_wait3A_733, %mul3A_2] : memref<26x4096xi32, #tpu.memory_space<hbm>> -> memref<26x128xi32, #tpu.memory_space<hbm>>
      %dma_wait3A_735 = arith.constant 0 : i32
      %dma_wait3A_736 = tpu.memref_slice %arg2[%dma_wait3A_735, %mul3A_2] : memref<26x4096xi32, #tpu.memory_space<hbm>> -> memref<26x128xi32, #tpu.memory_space<hbm>>
      tpu.wait_dma2 semaphore(%run_scoped3A : memref<!tpu.dma_semaphore, #tpu.memory_space<semaphore_mem>>) src(%dma_wait3A_736 : memref<26x128xi32, #tpu.memory_space<hbm>>) dst(%arg5 : memref<26x128xi32, #tpu.memory_space<vmem>>)
      tpu.yield
    }) : () -> ()
    %dma_start3A = arith.constant 0 : i32
    %dma_start3A_3 = arith.constant 0 : i32
    %dma_start3A_4 = tpu.memref_slice %arg5[%dma_start3A, %dma_start3A_3] : memref<26x128xi32, #tpu.memory_space<vmem>> -> memref<1x128xi32, #tpu.memory_space<vmem>>
    %dma_start3A_5 = tpu.memref_squeeze %dma_start3A_4 : memref<1x128xi32, #tpu.memory_space<vmem>> -> memref<128xi32, #tpu.memory_space<vmem>>
    %dma_start3A_6 = arith.constant 0 : i32
    %dma_start3A_7 = arith.constant 0 : i32
    %dma_start3A_8 = tpu.memref_slice %arg3[%dma_start3A_6, %dma_start3A_7] : memref<200000x64xf32, #tpu.memory_space<hbm>> -> memref<200000x64xf32, #tpu.memory_space<hbm>>
    tpu.enqueue_indirect_dma source(%dma_start3A_8 : memref<200000x64xf32, #tpu.memory_space<hbm>>) target(%arg6 : memref<128x64xf32, #tpu.memory_space<vmem>>) offsets(%dma_start3A_5 : memref<128xi32, #tpu.memory_space<vmem>>) semaphore(%arg11 : memref<!tpu.dma_semaphore, #tpu.memory_space<semaphore_mem>>)
    %dma_start3A_9 = arith.constant 1 : i32
    %dma_start3A_10 = arith.constant 0 : i32
    %dma_start3A_11 = tpu.memref_slice %arg5[%dma_start3A_9, %dma_start3A_10] : memref<26x128xi32, #tpu.memory_space<vmem>> -> memref<1x128xi32, #tpu.memory_space<vmem>>
    %dma_start3A_12 = tpu.memref_squeeze %dma_start3A_11 : memref<1x128xi32, #tpu.memory_space<vmem>> -> memref<128xi32, #tpu.memory_space<vmem>>
    %dma_start3A_13 = arith.constant 0 : i32
    %dma_start3A_14 = arith.constant 0 : i32
    %dma_start3A_15 = tpu.memref_slice %arg3[%dma_start3A_13, %dma_start3A_14] : memref<200000x64xf32, #tpu.memory_space<hbm>> -> memref<200000x64xf32, #tpu.memory_space<hbm>>
    tpu.enqueue_indirect_dma source(%dma_start3A_15 : memref<200000x64xf32, #tpu.memory_space<hbm>>) target(%arg7 : memref<128x64xf32, #tpu.memory_space<vmem>>) offsets(%dma_start3A_12 : memref<128xi32, #tpu.memory_space<vmem>>) semaphore(%arg12 : memref<!tpu.dma_semaphore, #tpu.memory_space<semaphore_mem>>)
    %dma_start3A_16 = arith.constant 2 : i32
    %dma_start3A_17 = arith.constant 0 : i32
    %dma_start3A_18 = tpu.memref_slice %arg5[%dma_start3A_16, %dma_start3A_17] : memref<26x128xi32, #tpu.memory_space<vmem>> -> memref<1x128xi32, #tpu.memory_space<vmem>>
    %dma_start3A_19 = tpu.memref_squeeze %dma_start3A_18 : memref<1x128xi32, #tpu.memory_space<vmem>> -> memref<128xi32, #tpu.memory_space<vmem>>
    %dma_start3A_20 = arith.constant 0 : i32
    %dma_start3A_21 = arith.constant 0 : i32
    %dma_start3A_22 = tpu.memref_slice %arg3[%dma_start3A_20, %dma_start3A_21] : memref<200000x64xf32, #tpu.memory_space<hbm>> -> memref<200000x64xf32, #tpu.memory_space<hbm>>
    tpu.enqueue_indirect_dma source(%dma_start3A_22 : memref<200000x64xf32, #tpu.memory_space<hbm>>) target(%arg8 : memref<128x64xf32, #tpu.memory_space<vmem>>) offsets(%dma_start3A_19 : memref<128xi32, #tpu.memory_space<vmem>>) semaphore(%arg13 : memref<!tpu.dma_semaphore, #tpu.memory_space<semaphore_mem>>)
    %dma_start3A_23 = arith.constant 3 : i32
    %dma_start3A_24 = arith.constant 0 : i32
    %dma_start3A_25 = tpu.memref_slice %arg5[%dma_start3A_23, %dma_start3A_24] : memref<26x128xi32, #tpu.memory_space<vmem>> -> memref<1x128xi32, #tpu.memory_space<vmem>>
    %dma_start3A_26 = tpu.memref_squeeze %dma_start3A_25 : memref<1x128xi32, #tpu.memory_space<vmem>> -> memref<128xi32, #tpu.memory_space<vmem>>
    %dma_start3A_27 = arith.constant 0 : i32
    %dma_start3A_28 = arith.constant 0 : i32
    %dma_start3A_29 = tpu.memref_slice %arg3[%dma_start3A_27, %dma_start3A_28] : memref<200000x64xf32, #tpu.memory_space<hbm>> -> memref<200000x64xf32, #tpu.memory_space<hbm>>
    tpu.enqueue_indirect_dma source(%dma_start3A_29 : memref<200000x64xf32, #tpu.memory_space<hbm>>) target(%arg9 : memref<128x64xf32, #tpu.memory_space<vmem>>) offsets(%dma_start3A_26 : memref<128xi32, #tpu.memory_space<vmem>>) semaphore(%arg14 : memref<!tpu.dma_semaphore, #tpu.memory_space<semaphore_mem>>)
    %dma_start3A_30 = arith.constant 4 : i32
    %dma_start3A_31 = arith.constant 0 : i32
    %dma_start3A_32 = tpu.memref_slice %arg5[%dma_start3A_30, %dma_start3A_31] : memref<26x128xi32, #tpu.memory_space<vmem>> -> memref<1x128xi32, #tpu.memory_space<vmem>>
    %dma_start3A_33 = tpu.memref_squeeze %dma_start3A_32 : memref<1x128xi32, #tpu.memory_space<vmem>> -> memref<128xi32, #tpu.memory_space<vmem>>
    %dma_start3A_34 = arith.constant 0 : i32
    %dma_start3A_35 = arith.constant 0 : i32
    %dma_start3A_36 = tpu.memref_slice %arg3[%dma_start3A_34, %dma_start3A_35] : memref<200000x64xf32, #tpu.memory_space<hbm>> -> memref<200000x64xf32, #tpu.memory_space<hbm>>
    tpu.enqueue_indirect_dma source(%dma_start3A_36 : memref<200000x64xf32, #tpu.memory_space<hbm>>) target(%arg10 : memref<128x64xf32, #tpu.memory_space<vmem>>) offsets(%dma_start3A_33 : memref<128xi32, #tpu.memory_space<vmem>>) semaphore(%arg15 : memref<!tpu.dma_semaphore, #tpu.memory_space<semaphore_mem>>)
    %dma_wait3A = arith.constant 0 : i32
    %dma_wait3A_37 = arith.constant 0 : i32
    %dma_wait3A_38 = tpu.memref_slice %arg5[%dma_wait3A, %dma_wait3A_37] : memref<26x128xi32, #tpu.memory_space<vmem>> -> memref<1x128xi32, #tpu.memory_space<vmem>>
    %dma_wait3A_39 = tpu.memref_squeeze %dma_wait3A_38 : memref<1x128xi32, #tpu.memory_space<vmem>> -> memref<128xi32, #tpu.memory_space<vmem>>
    %dma_wait3A_40 = arith.constant 0 : i32
    %dma_wait3A_41 = arith.constant 0 : i32
    %dma_wait3A_42 = tpu.memref_slice %arg3[%dma_wait3A_40, %dma_wait3A_41] : memref<200000x64xf32, #tpu.memory_space<hbm>> -> memref<200000x64xf32, #tpu.memory_space<hbm>>
    tpu.wait_indirect_dma semaphore(%arg11 : memref<!tpu.dma_semaphore, #tpu.memory_space<semaphore_mem>>) src(%dma_wait3A_42 : memref<200000x64xf32, #tpu.memory_space<hbm>>) dst(%arg6 : memref<128x64xf32, #tpu.memory_space<vmem>>)
    %dma_start3A_43 = arith.constant 0 : i32
    %dma_start3A_44 = arith.constant 0 : i32
    %dma_start3A_45 = tpu.memref_slice %arg4[%dma_start3A_43, %mul3A_2, %dma_start3A_44] : memref<13x4096x128xf32, #tpu.memory_space<hbm>> -> memref<1x128x64xf32, #tpu.memory_space<hbm>>
    %dma_start3A_46 = tpu.memref_squeeze %dma_start3A_45 : memref<1x128x64xf32, #tpu.memory_space<hbm>> -> memref<128x64xf32, #tpu.memory_space<hbm>>
    %dma_start3A_47 = arith.constant 0 : i32
    %dma_start3A_48 = tpu.memref_slice %arg4[%dma_start3A_43, %mul3A_2, %dma_start3A_47] : memref<13x4096x128xf32, #tpu.memory_space<hbm>> -> memref<1x128x64xf32, #tpu.memory_space<hbm>>
    %dma_start3A_49 = tpu.memref_squeeze %dma_start3A_48 : memref<1x128x64xf32, #tpu.memory_space<hbm>> -> memref<128x64xf32, #tpu.memory_space<hbm>>
    tpu.enqueue_dma source(%arg6 : memref<128x64xf32, #tpu.memory_space<vmem>>) target(%dma_start3A_49 : memref<128x64xf32, #tpu.memory_space<hbm>>) target_semaphore(%arg16 : memref<!tpu.dma_semaphore, #tpu.memory_space<semaphore_mem>>)
    %dma_wait3A_50 = arith.constant 0 : i32
    %dma_wait3A_51 = arith.constant 0 : i32
    %dma_wait3A_52 = tpu.memref_slice %arg4[%dma_wait3A_50, %mul3A_2, %dma_wait3A_51] : memref<13x4096x128xf32, #tpu.memory_space<hbm>> -> memref<1x128x64xf32, #tpu.memory_space<hbm>>
    %dma_wait3A_53 = tpu.memref_squeeze %dma_wait3A_52 : memref<1x128x64xf32, #tpu.memory_space<hbm>> -> memref<128x64xf32, #tpu.memory_space<hbm>>
    %dma_wait3A_54 = arith.constant 0 : i32
    %dma_wait3A_55 = tpu.memref_slice %arg4[%dma_wait3A_50, %mul3A_2, %dma_wait3A_54] : memref<13x4096x128xf32, #tpu.memory_space<hbm>> -> memref<1x128x64xf32, #tpu.memory_space<hbm>>
    %dma_wait3A_56 = tpu.memref_squeeze %dma_wait3A_55 : memref<1x128x64xf32, #tpu.memory_space<hbm>> -> memref<128x64xf32, #tpu.memory_space<hbm>>
    tpu.wait_dma2 semaphore(%arg16 : memref<!tpu.dma_semaphore, #tpu.memory_space<semaphore_mem>>) src(%arg6 : memref<128x64xf32, #tpu.memory_space<vmem>>) dst(%dma_wait3A_56 : memref<128x64xf32, #tpu.memory_space<hbm>>)
    %dma_start3A_57 = arith.constant 5 : i32
    %dma_start3A_58 = arith.constant 0 : i32
    %dma_start3A_59 = tpu.memref_slice %arg5[%dma_start3A_57, %dma_start3A_58] : memref<26x128xi32, #tpu.memory_space<vmem>> -> memref<1x128xi32, #tpu.memory_space<vmem>>
    %dma_start3A_60 = tpu.memref_squeeze %dma_start3A_59 : memref<1x128xi32, #tpu.memory_space<vmem>> -> memref<128xi32, #tpu.memory_space<vmem>>
    %dma_start3A_61 = arith.constant 0 : i32
    %dma_start3A_62 = arith.constant 0 : i32
    %dma_start3A_63 = tpu.memref_slice %arg3[%dma_start3A_61, %dma_start3A_62] : memref<200000x64xf32, #tpu.memory_space<hbm>> -> memref<200000x64xf32, #tpu.memory_space<hbm>>
    tpu.enqueue_indirect_dma source(%dma_start3A_63 : memref<200000x64xf32, #tpu.memory_space<hbm>>) target(%arg6 : memref<128x64xf32, #tpu.memory_space<vmem>>) offsets(%dma_start3A_60 : memref<128xi32, #tpu.memory_space<vmem>>) semaphore(%arg11 : memref<!tpu.dma_semaphore, #tpu.memory_space<semaphore_mem>>)
    %dma_wait3A_64 = arith.constant 1 : i32
    %dma_wait3A_65 = arith.constant 0 : i32
    %dma_wait3A_66 = tpu.memref_slice %arg5[%dma_wait3A_64, %dma_wait3A_65] : memref<26x128xi32, #tpu.memory_space<vmem>> -> memref<1x128xi32, #tpu.memory_space<vmem>>
    %dma_wait3A_67 = tpu.memref_squeeze %dma_wait3A_66 : memref<1x128xi32, #tpu.memory_space<vmem>> -> memref<128xi32, #tpu.memory_space<vmem>>
    %dma_wait3A_68 = arith.constant 0 : i32
    %dma_wait3A_69 = arith.constant 0 : i32
    %dma_wait3A_70 = tpu.memref_slice %arg3[%dma_wait3A_68, %dma_wait3A_69] : memref<200000x64xf32, #tpu.memory_space<hbm>> -> memref<200000x64xf32, #tpu.memory_space<hbm>>
    tpu.wait_indirect_dma semaphore(%arg12 : memref<!tpu.dma_semaphore, #tpu.memory_space<semaphore_mem>>) src(%dma_wait3A_70 : memref<200000x64xf32, #tpu.memory_space<hbm>>) dst(%arg7 : memref<128x64xf32, #tpu.memory_space<vmem>>)
    %dma_start3A_71 = arith.constant 0 : i32
    %dma_start3A_72 = arith.constant 64 : i32
    %dma_start3A_73 = tpu.memref_slice %arg4[%dma_start3A_71, %mul3A_2, %dma_start3A_72] : memref<13x4096x128xf32, #tpu.memory_space<hbm>> -> memref<1x128x64xf32, #tpu.memory_space<hbm>>
    %dma_start3A_74 = tpu.memref_squeeze %dma_start3A_73 : memref<1x128x64xf32, #tpu.memory_space<hbm>> -> memref<128x64xf32, #tpu.memory_space<hbm>>
    %dma_start3A_75 = arith.constant 64 : i32
    %dma_start3A_76 = tpu.memref_slice %arg4[%dma_start3A_71, %mul3A_2, %dma_start3A_75] : memref<13x4096x128xf32, #tpu.memory_space<hbm>> -> memref<1x128x64xf32, #tpu.memory_space<hbm>>
    %dma_start3A_77 = tpu.memref_squeeze %dma_start3A_76 : memref<1x128x64xf32, #tpu.memory_space<hbm>> -> memref<128x64xf32, #tpu.memory_space<hbm>>
    tpu.enqueue_dma source(%arg7 : memref<128x64xf32, #tpu.memory_space<vmem>>) target(%dma_start3A_77 : memref<128x64xf32, #tpu.memory_space<hbm>>) target_semaphore(%arg17 : memref<!tpu.dma_semaphore, #tpu.memory_space<semaphore_mem>>)
    %dma_wait3A_78 = arith.constant 0 : i32
    %dma_wait3A_79 = arith.constant 64 : i32
    %dma_wait3A_80 = tpu.memref_slice %arg4[%dma_wait3A_78, %mul3A_2, %dma_wait3A_79] : memref<13x4096x128xf32, #tpu.memory_space<hbm>> -> memref<1x128x64xf32, #tpu.memory_space<hbm>>
    %dma_wait3A_81 = tpu.memref_squeeze %dma_wait3A_80 : memref<1x128x64xf32, #tpu.memory_space<hbm>> -> memref<128x64xf32, #tpu.memory_space<hbm>>
    %dma_wait3A_82 = arith.constant 64 : i32
    %dma_wait3A_83 = tpu.memref_slice %arg4[%dma_wait3A_78, %mul3A_2, %dma_wait3A_82] : memref<13x4096x128xf32, #tpu.memory_space<hbm>> -> memref<1x128x64xf32, #tpu.memory_space<hbm>>
    %dma_wait3A_84 = tpu.memref_squeeze %dma_wait3A_83 : memref<1x128x64xf32, #tpu.memory_space<hbm>> -> memref<128x64xf32, #tpu.memory_space<hbm>>
    tpu.wait_dma2 semaphore(%arg17 : memref<!tpu.dma_semaphore, #tpu.memory_space<semaphore_mem>>) src(%arg7 : memref<128x64xf32, #tpu.memory_space<vmem>>) dst(%dma_wait3A_84 : memref<128x64xf32, #tpu.memory_space<hbm>>)
    %dma_start3A_85 = arith.constant 6 : i32
    %dma_start3A_86 = arith.constant 0 : i32
    %dma_start3A_87 = tpu.memref_slice %arg5[%dma_start3A_85, %dma_start3A_86] : memref<26x128xi32, #tpu.memory_space<vmem>> -> memref<1x128xi32, #tpu.memory_space<vmem>>
    %dma_start3A_88 = tpu.memref_squeeze %dma_start3A_87 : memref<1x128xi32, #tpu.memory_space<vmem>> -> memref<128xi32, #tpu.memory_space<vmem>>
    %dma_start3A_89 = arith.constant 0 : i32
    %dma_start3A_90 = arith.constant 0 : i32
    %dma_start3A_91 = tpu.memref_slice %arg3[%dma_start3A_89, %dma_start3A_90] : memref<200000x64xf32, #tpu.memory_space<hbm>> -> memref<200000x64xf32, #tpu.memory_space<hbm>>
    tpu.enqueue_indirect_dma source(%dma_start3A_91 : memref<200000x64xf32, #tpu.memory_space<hbm>>) target(%arg7 : memref<128x64xf32, #tpu.memory_space<vmem>>) offsets(%dma_start3A_88 : memref<128xi32, #tpu.memory_space<vmem>>) semaphore(%arg12 : memref<!tpu.dma_semaphore, #tpu.memory_space<semaphore_mem>>)
    %dma_wait3A_92 = arith.constant 2 : i32
    %dma_wait3A_93 = arith.constant 0 : i32
    %dma_wait3A_94 = tpu.memref_slice %arg5[%dma_wait3A_92, %dma_wait3A_93] : memref<26x128xi32, #tpu.memory_space<vmem>> -> memref<1x128xi32, #tpu.memory_space<vmem>>
    %dma_wait3A_95 = tpu.memref_squeeze %dma_wait3A_94 : memref<1x128xi32, #tpu.memory_space<vmem>> -> memref<128xi32, #tpu.memory_space<vmem>>
    %dma_wait3A_96 = arith.constant 0 : i32
    %dma_wait3A_97 = arith.constant 0 : i32
    %dma_wait3A_98 = tpu.memref_slice %arg3[%dma_wait3A_96, %dma_wait3A_97] : memref<200000x64xf32, #tpu.memory_space<hbm>> -> memref<200000x64xf32, #tpu.memory_space<hbm>>
    tpu.wait_indirect_dma semaphore(%arg13 : memref<!tpu.dma_semaphore, #tpu.memory_space<semaphore_mem>>) src(%dma_wait3A_98 : memref<200000x64xf32, #tpu.memory_space<hbm>>) dst(%arg8 : memref<128x64xf32, #tpu.memory_space<vmem>>)
    %dma_start3A_99 = arith.constant 1 : i32
    %dma_start3A_100 = arith.constant 0 : i32
    %dma_start3A_101 = tpu.memref_slice %arg4[%dma_start3A_99, %mul3A_2, %dma_start3A_100] : memref<13x4096x128xf32, #tpu.memory_space<hbm>> -> memref<1x128x64xf32, #tpu.memory_space<hbm>>
    %dma_start3A_102 = tpu.memref_squeeze %dma_start3A_101 : memref<1x128x64xf32, #tpu.memory_space<hbm>> -> memref<128x64xf32, #tpu.memory_space<hbm>>
    %dma_start3A_103 = arith.constant 0 : i32
    %dma_start3A_104 = tpu.memref_slice %arg4[%dma_start3A_99, %mul3A_2, %dma_start3A_103] : memref<13x4096x128xf32, #tpu.memory_space<hbm>> -> memref<1x128x64xf32, #tpu.memory_space<hbm>>
    %dma_start3A_105 = tpu.memref_squeeze %dma_start3A_104 : memref<1x128x64xf32, #tpu.memory_space<hbm>> -> memref<128x64xf32, #tpu.memory_space<hbm>>
    tpu.enqueue_dma source(%arg8 : memref<128x64xf32, #tpu.memory_space<vmem>>) target(%dma_start3A_105 : memref<128x64xf32, #tpu.memory_space<hbm>>) target_semaphore(%arg18 : memref<!tpu.dma_semaphore, #tpu.memory_space<semaphore_mem>>)
    %dma_wait3A_106 = arith.constant 1 : i32
    %dma_wait3A_107 = arith.constant 0 : i32
    %dma_wait3A_108 = tpu.memref_slice %arg4[%dma_wait3A_106, %mul3A_2, %dma_wait3A_107] : memref<13x4096x128xf32, #tpu.memory_space<hbm>> -> memref<1x128x64xf32, #tpu.memory_space<hbm>>
    %dma_wait3A_109 = tpu.memref_squeeze %dma_wait3A_108 : memref<1x128x64xf32, #tpu.memory_space<hbm>> -> memref<128x64xf32, #tpu.memory_space<hbm>>
    %dma_wait3A_110 = arith.constant 0 : i32
    %dma_wait3A_111 = tpu.memref_slice %arg4[%dma_wait3A_106, %mul3A_2, %dma_wait3A_110] : memref<13x4096x128xf32, #tpu.memory_space<hbm>> -> memref<1x128x64xf32, #tpu.memory_space<hbm>>
    %dma_wait3A_112 = tpu.memref_squeeze %dma_wait3A_111 : memref<1x128x64xf32, #tpu.memory_space<hbm>> -> memref<128x64xf32, #tpu.memory_space<hbm>>
    tpu.wait_dma2 semaphore(%arg18 : memref<!tpu.dma_semaphore, #tpu.memory_space<semaphore_mem>>) src(%arg8 : memref<128x64xf32, #tpu.memory_space<vmem>>) dst(%dma_wait3A_112 : memref<128x64xf32, #tpu.memory_space<hbm>>)
    %dma_start3A_113 = arith.constant 7 : i32
    %dma_start3A_114 = arith.constant 0 : i32
    %dma_start3A_115 = tpu.memref_slice %arg5[%dma_start3A_113, %dma_start3A_114] : memref<26x128xi32, #tpu.memory_space<vmem>> -> memref<1x128xi32, #tpu.memory_space<vmem>>
    %dma_start3A_116 = tpu.memref_squeeze %dma_start3A_115 : memref<1x128xi32, #tpu.memory_space<vmem>> -> memref<128xi32, #tpu.memory_space<vmem>>
    %dma_start3A_117 = arith.constant 0 : i32
    %dma_start3A_118 = arith.constant 0 : i32
    %dma_start3A_119 = tpu.memref_slice %arg3[%dma_start3A_117, %dma_start3A_118] : memref<200000x64xf32, #tpu.memory_space<hbm>> -> memref<200000x64xf32, #tpu.memory_space<hbm>>
    tpu.enqueue_indirect_dma source(%dma_start3A_119 : memref<200000x64xf32, #tpu.memory_space<hbm>>) target(%arg8 : memref<128x64xf32, #tpu.memory_space<vmem>>) offsets(%dma_start3A_116 : memref<128xi32, #tpu.memory_space<vmem>>) semaphore(%arg13 : memref<!tpu.dma_semaphore, #tpu.memory_space<semaphore_mem>>)
    %dma_wait3A_120 = arith.constant 3 : i32
    %dma_wait3A_121 = arith.constant 0 : i32
    %dma_wait3A_122 = tpu.memref_slice %arg5[%dma_wait3A_120, %dma_wait3A_121] : memref<26x128xi32, #tpu.memory_space<vmem>> -> memref<1x128xi32, #tpu.memory_space<vmem>>
    %dma_wait3A_123 = tpu.memref_squeeze %dma_wait3A_122 : memref<1x128xi32, #tpu.memory_space<vmem>> -> memref<128xi32, #tpu.memory_space<vmem>>
    %dma_wait3A_124 = arith.constant 0 : i32
    %dma_wait3A_125 = arith.constant 0 : i32
    %dma_wait3A_126 = tpu.memref_slice %arg3[%dma_wait3A_124, %dma_wait3A_125] : memref<200000x64xf32, #tpu.memory_space<hbm>> -> memref<200000x64xf32, #tpu.memory_space<hbm>>
    tpu.wait_indirect_dma semaphore(%arg14 : memref<!tpu.dma_semaphore, #tpu.memory_space<semaphore_mem>>) src(%dma_wait3A_126 : memref<200000x64xf32, #tpu.memory_space<hbm>>) dst(%arg9 : memref<128x64xf32, #tpu.memory_space<vmem>>)
    %dma_start3A_127 = arith.constant 1 : i32
    %dma_start3A_128 = arith.constant 64 : i32
    %dma_start3A_129 = tpu.memref_slice %arg4[%dma_start3A_127, %mul3A_2, %dma_start3A_128] : memref<13x4096x128xf32, #tpu.memory_space<hbm>> -> memref<1x128x64xf32, #tpu.memory_space<hbm>>
    %dma_start3A_130 = tpu.memref_squeeze %dma_start3A_129 : memref<1x128x64xf32, #tpu.memory_space<hbm>> -> memref<128x64xf32, #tpu.memory_space<hbm>>
    %dma_start3A_131 = arith.constant 64 : i32
    %dma_start3A_132 = tpu.memref_slice %arg4[%dma_start3A_127, %mul3A_2, %dma_start3A_131] : memref<13x4096x128xf32, #tpu.memory_space<hbm>> -> memref<1x128x64xf32, #tpu.memory_space<hbm>>
    %dma_start3A_133 = tpu.memref_squeeze %dma_start3A_132 : memref<1x128x64xf32, #tpu.memory_space<hbm>> -> memref<128x64xf32, #tpu.memory_space<hbm>>
    tpu.enqueue_dma source(%arg9 : memref<128x64xf32, #tpu.memory_space<vmem>>) target(%dma_start3A_133 : memref<128x64xf32, #tpu.memory_space<hbm>>) target_semaphore(%arg19 : memref<!tpu.dma_semaphore, #tpu.memory_space<semaphore_mem>>)
    %dma_wait3A_134 = arith.constant 1 : i32
    %dma_wait3A_135 = arith.constant 64 : i32
    %dma_wait3A_136 = tpu.memref_slice %arg4[%dma_wait3A_134, %mul3A_2, %dma_wait3A_135] : memref<13x4096x128xf32, #tpu.memory_space<hbm>> -> memref<1x128x64xf32, #tpu.memory_space<hbm>>
    %dma_wait3A_137 = tpu.memref_squeeze %dma_wait3A_136 : memref<1x128x64xf32, #tpu.memory_space<hbm>> -> memref<128x64xf32, #tpu.memory_space<hbm>>
    %dma_wait3A_138 = arith.constant 64 : i32
    %dma_wait3A_139 = tpu.memref_slice %arg4[%dma_wait3A_134, %mul3A_2, %dma_wait3A_138] : memref<13x4096x128xf32, #tpu.memory_space<hbm>> -> memref<1x128x64xf32, #tpu.memory_space<hbm>>
    %dma_wait3A_140 = tpu.memref_squeeze %dma_wait3A_139 : memref<1x128x64xf32, #tpu.memory_space<hbm>> -> memref<128x64xf32, #tpu.memory_space<hbm>>
    tpu.wait_dma2 semaphore(%arg19 : memref<!tpu.dma_semaphore, #tpu.memory_space<semaphore_mem>>) src(%arg9 : memref<128x64xf32, #tpu.memory_space<vmem>>) dst(%dma_wait3A_140 : memref<128x64xf32, #tpu.memory_space<hbm>>)
    %dma_start3A_141 = arith.constant 8 : i32
    %dma_start3A_142 = arith.constant 0 : i32
    %dma_start3A_143 = tpu.memref_slice %arg5[%dma_start3A_141, %dma_start3A_142] : memref<26x128xi32, #tpu.memory_space<vmem>> -> memref<1x128xi32, #tpu.memory_space<vmem>>
    %dma_start3A_144 = tpu.memref_squeeze %dma_start3A_143 : memref<1x128xi32, #tpu.memory_space<vmem>> -> memref<128xi32, #tpu.memory_space<vmem>>
    %dma_start3A_145 = arith.constant 0 : i32
    %dma_start3A_146 = arith.constant 0 : i32
    %dma_start3A_147 = tpu.memref_slice %arg3[%dma_start3A_145, %dma_start3A_146] : memref<200000x64xf32, #tpu.memory_space<hbm>> -> memref<200000x64xf32, #tpu.memory_space<hbm>>
    tpu.enqueue_indirect_dma source(%dma_start3A_147 : memref<200000x64xf32, #tpu.memory_space<hbm>>) target(%arg9 : memref<128x64xf32, #tpu.memory_space<vmem>>) offsets(%dma_start3A_144 : memref<128xi32, #tpu.memory_space<vmem>>) semaphore(%arg14 : memref<!tpu.dma_semaphore, #tpu.memory_space<semaphore_mem>>)
    %dma_wait3A_148 = arith.constant 4 : i32
    %dma_wait3A_149 = arith.constant 0 : i32
    %dma_wait3A_150 = tpu.memref_slice %arg5[%dma_wait3A_148, %dma_wait3A_149] : memref<26x128xi32, #tpu.memory_space<vmem>> -> memref<1x128xi32, #tpu.memory_space<vmem>>
    %dma_wait3A_151 = tpu.memref_squeeze %dma_wait3A_150 : memref<1x128xi32, #tpu.memory_space<vmem>> -> memref<128xi32, #tpu.memory_space<vmem>>
    %dma_wait3A_152 = arith.constant 0 : i32
    %dma_wait3A_153 = arith.constant 0 : i32
    %dma_wait3A_154 = tpu.memref_slice %arg3[%dma_wait3A_152, %dma_wait3A_153] : memref<200000x64xf32, #tpu.memory_space<hbm>> -> memref<200000x64xf32, #tpu.memory_space<hbm>>
    tpu.wait_indirect_dma semaphore(%arg15 : memref<!tpu.dma_semaphore, #tpu.memory_space<semaphore_mem>>) src(%dma_wait3A_154 : memref<200000x64xf32, #tpu.memory_space<hbm>>) dst(%arg10 : memref<128x64xf32, #tpu.memory_space<vmem>>)
    %dma_start3A_155 = arith.constant 2 : i32
    %dma_start3A_156 = arith.constant 0 : i32
    %dma_start3A_157 = tpu.memref_slice %arg4[%dma_start3A_155, %mul3A_2, %dma_start3A_156] : memref<13x4096x128xf32, #tpu.memory_space<hbm>> -> memref<1x128x64xf32, #tpu.memory_space<hbm>>
    %dma_start3A_158 = tpu.memref_squeeze %dma_start3A_157 : memref<1x128x64xf32, #tpu.memory_space<hbm>> -> memref<128x64xf32, #tpu.memory_space<hbm>>
    %dma_start3A_159 = arith.constant 0 : i32
    %dma_start3A_160 = tpu.memref_slice %arg4[%dma_start3A_155, %mul3A_2, %dma_start3A_159] : memref<13x4096x128xf32, #tpu.memory_space<hbm>> -> memref<1x128x64xf32, #tpu.memory_space<hbm>>
    %dma_start3A_161 = tpu.memref_squeeze %dma_start3A_160 : memref<1x128x64xf32, #tpu.memory_space<hbm>> -> memref<128x64xf32, #tpu.memory_space<hbm>>
    tpu.enqueue_dma source(%arg10 : memref<128x64xf32, #tpu.memory_space<vmem>>) target(%dma_start3A_161 : memref<128x64xf32, #tpu.memory_space<hbm>>) target_semaphore(%arg20 : memref<!tpu.dma_semaphore, #tpu.memory_space<semaphore_mem>>)
    %dma_wait3A_162 = arith.constant 2 : i32
    %dma_wait3A_163 = arith.constant 0 : i32
    %dma_wait3A_164 = tpu.memref_slice %arg4[%dma_wait3A_162, %mul3A_2, %dma_wait3A_163] : memref<13x4096x128xf32, #tpu.memory_space<hbm>> -> memref<1x128x64xf32, #tpu.memory_space<hbm>>
    %dma_wait3A_165 = tpu.memref_squeeze %dma_wait3A_164 : memref<1x128x64xf32, #tpu.memory_space<hbm>> -> memref<128x64xf32, #tpu.memory_space<hbm>>
    %dma_wait3A_166 = arith.constant 0 : i32
    %dma_wait3A_167 = tpu.memref_slice %arg4[%dma_wait3A_162, %mul3A_2, %dma_wait3A_166] : memref<13x4096x128xf32, #tpu.memory_space<hbm>> -> memref<1x128x64xf32, #tpu.memory_space<hbm>>
    %dma_wait3A_168 = tpu.memref_squeeze %dma_wait3A_167 : memref<1x128x64xf32, #tpu.memory_space<hbm>> -> memref<128x64xf32, #tpu.memory_space<hbm>>
    tpu.wait_dma2 semaphore(%arg20 : memref<!tpu.dma_semaphore, #tpu.memory_space<semaphore_mem>>) src(%arg10 : memref<128x64xf32, #tpu.memory_space<vmem>>) dst(%dma_wait3A_168 : memref<128x64xf32, #tpu.memory_space<hbm>>)
    %dma_start3A_169 = arith.constant 9 : i32
    %dma_start3A_170 = arith.constant 0 : i32
    %dma_start3A_171 = tpu.memref_slice %arg5[%dma_start3A_169, %dma_start3A_170] : memref<26x128xi32, #tpu.memory_space<vmem>> -> memref<1x128xi32, #tpu.memory_space<vmem>>
    %dma_start3A_172 = tpu.memref_squeeze %dma_start3A_171 : memref<1x128xi32, #tpu.memory_space<vmem>> -> memref<128xi32, #tpu.memory_space<vmem>>
    %dma_start3A_173 = arith.constant 0 : i32
    %dma_start3A_174 = arith.constant 0 : i32
    %dma_start3A_175 = tpu.memref_slice %arg3[%dma_start3A_173, %dma_start3A_174] : memref<200000x64xf32, #tpu.memory_space<hbm>> -> memref<200000x64xf32, #tpu.memory_space<hbm>>
    tpu.enqueue_indirect_dma source(%dma_start3A_175 : memref<200000x64xf32, #tpu.memory_space<hbm>>) target(%arg10 : memref<128x64xf32, #tpu.memory_space<vmem>>) offsets(%dma_start3A_172 : memref<128xi32, #tpu.memory_space<vmem>>) semaphore(%arg15 : memref<!tpu.dma_semaphore, #tpu.memory_space<semaphore_mem>>)
    %dma_wait3A_176 = arith.constant 5 : i32
    %dma_wait3A_177 = arith.constant 0 : i32
    %dma_wait3A_178 = tpu.memref_slice %arg5[%dma_wait3A_176, %dma_wait3A_177] : memref<26x128xi32, #tpu.memory_space<vmem>> -> memref<1x128xi32, #tpu.memory_space<vmem>>
    %dma_wait3A_179 = tpu.memref_squeeze %dma_wait3A_178 : memref<1x128xi32, #tpu.memory_space<vmem>> -> memref<128xi32, #tpu.memory_space<vmem>>
    %dma_wait3A_180 = arith.constant 0 : i32
    %dma_wait3A_181 = arith.constant 0 : i32
    %dma_wait3A_182 = tpu.memref_slice %arg3[%dma_wait3A_180, %dma_wait3A_181] : memref<200000x64xf32, #tpu.memory_space<hbm>> -> memref<200000x64xf32, #tpu.memory_space<hbm>>
    tpu.wait_indirect_dma semaphore(%arg11 : memref<!tpu.dma_semaphore, #tpu.memory_space<semaphore_mem>>) src(%dma_wait3A_182 : memref<200000x64xf32, #tpu.memory_space<hbm>>) dst(%arg6 : memref<128x64xf32, #tpu.memory_space<vmem>>)
    %dma_start3A_183 = arith.constant 2 : i32
    %dma_start3A_184 = arith.constant 64 : i32
    %dma_start3A_185 = tpu.memref_slice %arg4[%dma_start3A_183, %mul3A_2, %dma_start3A_184] : memref<13x4096x128xf32, #tpu.memory_space<hbm>> -> memref<1x128x64xf32, #tpu.memory_space<hbm>>
    %dma_start3A_186 = tpu.memref_squeeze %dma_start3A_185 : memref<1x128x64xf32, #tpu.memory_space<hbm>> -> memref<128x64xf32, #tpu.memory_space<hbm>>
    %dma_start3A_187 = arith.constant 64 : i32
    %dma_start3A_188 = tpu.memref_slice %arg4[%dma_start3A_183, %mul3A_2, %dma_start3A_187] : memref<13x4096x128xf32, #tpu.memory_space<hbm>> -> memref<1x128x64xf32, #tpu.memory_space<hbm>>
    %dma_start3A_189 = tpu.memref_squeeze %dma_start3A_188 : memref<1x128x64xf32, #tpu.memory_space<hbm>> -> memref<128x64xf32, #tpu.memory_space<hbm>>
    tpu.enqueue_dma source(%arg6 : memref<128x64xf32, #tpu.memory_space<vmem>>) target(%dma_start3A_189 : memref<128x64xf32, #tpu.memory_space<hbm>>) target_semaphore(%arg16 : memref<!tpu.dma_semaphore, #tpu.memory_space<semaphore_mem>>)
    %dma_wait3A_190 = arith.constant 2 : i32
    %dma_wait3A_191 = arith.constant 64 : i32
    %dma_wait3A_192 = tpu.memref_slice %arg4[%dma_wait3A_190, %mul3A_2, %dma_wait3A_191] : memref<13x4096x128xf32, #tpu.memory_space<hbm>> -> memref<1x128x64xf32, #tpu.memory_space<hbm>>
    %dma_wait3A_193 = tpu.memref_squeeze %dma_wait3A_192 : memref<1x128x64xf32, #tpu.memory_space<hbm>> -> memref<128x64xf32, #tpu.memory_space<hbm>>
    %dma_wait3A_194 = arith.constant 64 : i32
    %dma_wait3A_195 = tpu.memref_slice %arg4[%dma_wait3A_190, %mul3A_2, %dma_wait3A_194] : memref<13x4096x128xf32, #tpu.memory_space<hbm>> -> memref<1x128x64xf32, #tpu.memory_space<hbm>>
    %dma_wait3A_196 = tpu.memref_squeeze %dma_wait3A_195 : memref<1x128x64xf32, #tpu.memory_space<hbm>> -> memref<128x64xf32, #tpu.memory_space<hbm>>
    tpu.wait_dma2 semaphore(%arg16 : memref<!tpu.dma_semaphore, #tpu.memory_space<semaphore_mem>>) src(%arg6 : memref<128x64xf32, #tpu.memory_space<vmem>>) dst(%dma_wait3A_196 : memref<128x64xf32, #tpu.memory_space<hbm>>)
    %dma_start3A_197 = arith.constant 10 : i32
    %dma_start3A_198 = arith.constant 0 : i32
    %dma_start3A_199 = tpu.memref_slice %arg5[%dma_start3A_197, %dma_start3A_198] : memref<26x128xi32, #tpu.memory_space<vmem>> -> memref<1x128xi32, #tpu.memory_space<vmem>>
    %dma_start3A_200 = tpu.memref_squeeze %dma_start3A_199 : memref<1x128xi32, #tpu.memory_space<vmem>> -> memref<128xi32, #tpu.memory_space<vmem>>
    %dma_start3A_201 = arith.constant 0 : i32
    %dma_start3A_202 = arith.constant 0 : i32
    %dma_start3A_203 = tpu.memref_slice %arg3[%dma_start3A_201, %dma_start3A_202] : memref<200000x64xf32, #tpu.memory_space<hbm>> -> memref<200000x64xf32, #tpu.memory_space<hbm>>
    tpu.enqueue_indirect_dma source(%dma_start3A_203 : memref<200000x64xf32, #tpu.memory_space<hbm>>) target(%arg6 : memref<128x64xf32, #tpu.memory_space<vmem>>) offsets(%dma_start3A_200 : memref<128xi32, #tpu.memory_space<vmem>>) semaphore(%arg11 : memref<!tpu.dma_semaphore, #tpu.memory_space<semaphore_mem>>)
    %dma_wait3A_204 = arith.constant 6 : i32
    %dma_wait3A_205 = arith.constant 0 : i32
    %dma_wait3A_206 = tpu.memref_slice %arg5[%dma_wait3A_204, %dma_wait3A_205] : memref<26x128xi32, #tpu.memory_space<vmem>> -> memref<1x128xi32, #tpu.memory_space<vmem>>
    %dma_wait3A_207 = tpu.memref_squeeze %dma_wait3A_206 : memref<1x128xi32, #tpu.memory_space<vmem>> -> memref<128xi32, #tpu.memory_space<vmem>>
    %dma_wait3A_208 = arith.constant 0 : i32
    %dma_wait3A_209 = arith.constant 0 : i32
    %dma_wait3A_210 = tpu.memref_slice %arg3[%dma_wait3A_208, %dma_wait3A_209] : memref<200000x64xf32, #tpu.memory_space<hbm>> -> memref<200000x64xf32, #tpu.memory_space<hbm>>
    tpu.wait_indirect_dma semaphore(%arg12 : memref<!tpu.dma_semaphore, #tpu.memory_space<semaphore_mem>>) src(%dma_wait3A_210 : memref<200000x64xf32, #tpu.memory_space<hbm>>) dst(%arg7 : memref<128x64xf32, #tpu.memory_space<vmem>>)
    %dma_start3A_211 = arith.constant 3 : i32
    %dma_start3A_212 = arith.constant 0 : i32
    %dma_start3A_213 = tpu.memref_slice %arg4[%dma_start3A_211, %mul3A_2, %dma_start3A_212] : memref<13x4096x128xf32, #tpu.memory_space<hbm>> -> memref<1x128x64xf32, #tpu.memory_space<hbm>>
    %dma_start3A_214 = tpu.memref_squeeze %dma_start3A_213 : memref<1x128x64xf32, #tpu.memory_space<hbm>> -> memref<128x64xf32, #tpu.memory_space<hbm>>
    %dma_start3A_215 = arith.constant 0 : i32
    %dma_start3A_216 = tpu.memref_slice %arg4[%dma_start3A_211, %mul3A_2, %dma_start3A_215] : memref<13x4096x128xf32, #tpu.memory_space<hbm>> -> memref<1x128x64xf32, #tpu.memory_space<hbm>>
    %dma_start3A_217 = tpu.memref_squeeze %dma_start3A_216 : memref<1x128x64xf32, #tpu.memory_space<hbm>> -> memref<128x64xf32, #tpu.memory_space<hbm>>
    tpu.enqueue_dma source(%arg7 : memref<128x64xf32, #tpu.memory_space<vmem>>) target(%dma_start3A_217 : memref<128x64xf32, #tpu.memory_space<hbm>>) target_semaphore(%arg17 : memref<!tpu.dma_semaphore, #tpu.memory_space<semaphore_mem>>)
    %dma_wait3A_218 = arith.constant 3 : i32
    %dma_wait3A_219 = arith.constant 0 : i32
    %dma_wait3A_220 = tpu.memref_slice %arg4[%dma_wait3A_218, %mul3A_2, %dma_wait3A_219] : memref<13x4096x128xf32, #tpu.memory_space<hbm>> -> memref<1x128x64xf32, #tpu.memory_space<hbm>>
    %dma_wait3A_221 = tpu.memref_squeeze %dma_wait3A_220 : memref<1x128x64xf32, #tpu.memory_space<hbm>> -> memref<128x64xf32, #tpu.memory_space<hbm>>
    %dma_wait3A_222 = arith.constant 0 : i32
    %dma_wait3A_223 = tpu.memref_slice %arg4[%dma_wait3A_218, %mul3A_2, %dma_wait3A_222] : memref<13x4096x128xf32, #tpu.memory_space<hbm>> -> memref<1x128x64xf32, #tpu.memory_space<hbm>>
    %dma_wait3A_224 = tpu.memref_squeeze %dma_wait3A_223 : memref<1x128x64xf32, #tpu.memory_space<hbm>> -> memref<128x64xf32, #tpu.memory_space<hbm>>
    tpu.wait_dma2 semaphore(%arg17 : memref<!tpu.dma_semaphore, #tpu.memory_space<semaphore_mem>>) src(%arg7 : memref<128x64xf32, #tpu.memory_space<vmem>>) dst(%dma_wait3A_224 : memref<128x64xf32, #tpu.memory_space<hbm>>)
    %dma_start3A_225 = arith.constant 11 : i32
    %dma_start3A_226 = arith.constant 0 : i32
    %dma_start3A_227 = tpu.memref_slice %arg5[%dma_start3A_225, %dma_start3A_226] : memref<26x128xi32, #tpu.memory_space<vmem>> -> memref<1x128xi32, #tpu.memory_space<vmem>>
    %dma_start3A_228 = tpu.memref_squeeze %dma_start3A_227 : memref<1x128xi32, #tpu.memory_space<vmem>> -> memref<128xi32, #tpu.memory_space<vmem>>
    %dma_start3A_229 = arith.constant 0 : i32
    %dma_start3A_230 = arith.constant 0 : i32
    %dma_start3A_231 = tpu.memref_slice %arg3[%dma_start3A_229, %dma_start3A_230] : memref<200000x64xf32, #tpu.memory_space<hbm>> -> memref<200000x64xf32, #tpu.memory_space<hbm>>
    tpu.enqueue_indirect_dma source(%dma_start3A_231 : memref<200000x64xf32, #tpu.memory_space<hbm>>) target(%arg7 : memref<128x64xf32, #tpu.memory_space<vmem>>) offsets(%dma_start3A_228 : memref<128xi32, #tpu.memory_space<vmem>>) semaphore(%arg12 : memref<!tpu.dma_semaphore, #tpu.memory_space<semaphore_mem>>)
    %dma_wait3A_232 = arith.constant 7 : i32
    %dma_wait3A_233 = arith.constant 0 : i32
    %dma_wait3A_234 = tpu.memref_slice %arg5[%dma_wait3A_232, %dma_wait3A_233] : memref<26x128xi32, #tpu.memory_space<vmem>> -> memref<1x128xi32, #tpu.memory_space<vmem>>
    %dma_wait3A_235 = tpu.memref_squeeze %dma_wait3A_234 : memref<1x128xi32, #tpu.memory_space<vmem>> -> memref<128xi32, #tpu.memory_space<vmem>>
    %dma_wait3A_236 = arith.constant 0 : i32
    %dma_wait3A_237 = arith.constant 0 : i32
    %dma_wait3A_238 = tpu.memref_slice %arg3[%dma_wait3A_236, %dma_wait3A_237] : memref<200000x64xf32, #tpu.memory_space<hbm>> -> memref<200000x64xf32, #tpu.memory_space<hbm>>
    tpu.wait_indirect_dma semaphore(%arg13 : memref<!tpu.dma_semaphore, #tpu.memory_space<semaphore_mem>>) src(%dma_wait3A_238 : memref<200000x64xf32, #tpu.memory_space<hbm>>) dst(%arg8 : memref<128x64xf32, #tpu.memory_space<vmem>>)
    %dma_start3A_239 = arith.constant 3 : i32
    %dma_start3A_240 = arith.constant 64 : i32
    %dma_start3A_241 = tpu.memref_slice %arg4[%dma_start3A_239, %mul3A_2, %dma_start3A_240] : memref<13x4096x128xf32, #tpu.memory_space<hbm>> -> memref<1x128x64xf32, #tpu.memory_space<hbm>>
    %dma_start3A_242 = tpu.memref_squeeze %dma_start3A_241 : memref<1x128x64xf32, #tpu.memory_space<hbm>> -> memref<128x64xf32, #tpu.memory_space<hbm>>
    %dma_start3A_243 = arith.constant 64 : i32
    %dma_start3A_244 = tpu.memref_slice %arg4[%dma_start3A_239, %mul3A_2, %dma_start3A_243] : memref<13x4096x128xf32, #tpu.memory_space<hbm>> -> memref<1x128x64xf32, #tpu.memory_space<hbm>>
    %dma_start3A_245 = tpu.memref_squeeze %dma_start3A_244 : memref<1x128x64xf32, #tpu.memory_space<hbm>> -> memref<128x64xf32, #tpu.memory_space<hbm>>
    tpu.enqueue_dma source(%arg8 : memref<128x64xf32, #tpu.memory_space<vmem>>) target(%dma_start3A_245 : memref<128x64xf32, #tpu.memory_space<hbm>>) target_semaphore(%arg18 : memref<!tpu.dma_semaphore, #tpu.memory_space<semaphore_mem>>)
    %dma_wait3A_246 = arith.constant 3 : i32
    %dma_wait3A_247 = arith.constant 64 : i32
    %dma_wait3A_248 = tpu.memref_slice %arg4[%dma_wait3A_246, %mul3A_2, %dma_wait3A_247] : memref<13x4096x128xf32, #tpu.memory_space<hbm>> -> memref<1x128x64xf32, #tpu.memory_space<hbm>>
    %dma_wait3A_249 = tpu.memref_squeeze %dma_wait3A_248 : memref<1x128x64xf32, #tpu.memory_space<hbm>> -> memref<128x64xf32, #tpu.memory_space<hbm>>
    %dma_wait3A_250 = arith.constant 64 : i32
    %dma_wait3A_251 = tpu.memref_slice %arg4[%dma_wait3A_246, %mul3A_2, %dma_wait3A_250] : memref<13x4096x128xf32, #tpu.memory_space<hbm>> -> memref<1x128x64xf32, #tpu.memory_space<hbm>>
    %dma_wait3A_252 = tpu.memref_squeeze %dma_wait3A_251 : memref<1x128x64xf32, #tpu.memory_space<hbm>> -> memref<128x64xf32, #tpu.memory_space<hbm>>
    tpu.wait_dma2 semaphore(%arg18 : memref<!tpu.dma_semaphore, #tpu.memory_space<semaphore_mem>>) src(%arg8 : memref<128x64xf32, #tpu.memory_space<vmem>>) dst(%dma_wait3A_252 : memref<128x64xf32, #tpu.memory_space<hbm>>)
    %dma_start3A_253 = arith.constant 12 : i32
    %dma_start3A_254 = arith.constant 0 : i32
    %dma_start3A_255 = tpu.memref_slice %arg5[%dma_start3A_253, %dma_start3A_254] : memref<26x128xi32, #tpu.memory_space<vmem>> -> memref<1x128xi32, #tpu.memory_space<vmem>>
    %dma_start3A_256 = tpu.memref_squeeze %dma_start3A_255 : memref<1x128xi32, #tpu.memory_space<vmem>> -> memref<128xi32, #tpu.memory_space<vmem>>
    %dma_start3A_257 = arith.constant 0 : i32
    %dma_start3A_258 = arith.constant 0 : i32
    %dma_start3A_259 = tpu.memref_slice %arg3[%dma_start3A_257, %dma_start3A_258] : memref<200000x64xf32, #tpu.memory_space<hbm>> -> memref<200000x64xf32, #tpu.memory_space<hbm>>
    tpu.enqueue_indirect_dma source(%dma_start3A_259 : memref<200000x64xf32, #tpu.memory_space<hbm>>) target(%arg8 : memref<128x64xf32, #tpu.memory_space<vmem>>) offsets(%dma_start3A_256 : memref<128xi32, #tpu.memory_space<vmem>>) semaphore(%arg13 : memref<!tpu.dma_semaphore, #tpu.memory_space<semaphore_mem>>)
    %dma_wait3A_260 = arith.constant 8 : i32
    %dma_wait3A_261 = arith.constant 0 : i32
    %dma_wait3A_262 = tpu.memref_slice %arg5[%dma_wait3A_260, %dma_wait3A_261] : memref<26x128xi32, #tpu.memory_space<vmem>> -> memref<1x128xi32, #tpu.memory_space<vmem>>
    %dma_wait3A_263 = tpu.memref_squeeze %dma_wait3A_262 : memref<1x128xi32, #tpu.memory_space<vmem>> -> memref<128xi32, #tpu.memory_space<vmem>>
    %dma_wait3A_264 = arith.constant 0 : i32
    %dma_wait3A_265 = arith.constant 0 : i32
    %dma_wait3A_266 = tpu.memref_slice %arg3[%dma_wait3A_264, %dma_wait3A_265] : memref<200000x64xf32, #tpu.memory_space<hbm>> -> memref<200000x64xf32, #tpu.memory_space<hbm>>
    tpu.wait_indirect_dma semaphore(%arg14 : memref<!tpu.dma_semaphore, #tpu.memory_space<semaphore_mem>>) src(%dma_wait3A_266 : memref<200000x64xf32, #tpu.memory_space<hbm>>) dst(%arg9 : memref<128x64xf32, #tpu.memory_space<vmem>>)
    %dma_start3A_267 = arith.constant 4 : i32
    %dma_start3A_268 = arith.constant 0 : i32
    %dma_start3A_269 = tpu.memref_slice %arg4[%dma_start3A_267, %mul3A_2, %dma_start3A_268] : memref<13x4096x128xf32, #tpu.memory_space<hbm>> -> memref<1x128x64xf32, #tpu.memory_space<hbm>>
    %dma_start3A_270 = tpu.memref_squeeze %dma_start3A_269 : memref<1x128x64xf32, #tpu.memory_space<hbm>> -> memref<128x64xf32, #tpu.memory_space<hbm>>
    %dma_start3A_271 = arith.constant 0 : i32
    %dma_start3A_272 = tpu.memref_slice %arg4[%dma_start3A_267, %mul3A_2, %dma_start3A_271] : memref<13x4096x128xf32, #tpu.memory_space<hbm>> -> memref<1x128x64xf32, #tpu.memory_space<hbm>>
    %dma_start3A_273 = tpu.memref_squeeze %dma_start3A_272 : memref<1x128x64xf32, #tpu.memory_space<hbm>> -> memref<128x64xf32, #tpu.memory_space<hbm>>
    tpu.enqueue_dma source(%arg9 : memref<128x64xf32, #tpu.memory_space<vmem>>) target(%dma_start3A_273 : memref<128x64xf32, #tpu.memory_space<hbm>>) target_semaphore(%arg19 : memref<!tpu.dma_semaphore, #tpu.memory_space<semaphore_mem>>)
    %dma_wait3A_274 = arith.constant 4 : i32
    %dma_wait3A_275 = arith.constant 0 : i32
    %dma_wait3A_276 = tpu.memref_slice %arg4[%dma_wait3A_274, %mul3A_2, %dma_wait3A_275] : memref<13x4096x128xf32, #tpu.memory_space<hbm>> -> memref<1x128x64xf32, #tpu.memory_space<hbm>>
    %dma_wait3A_277 = tpu.memref_squeeze %dma_wait3A_276 : memref<1x128x64xf32, #tpu.memory_space<hbm>> -> memref<128x64xf32, #tpu.memory_space<hbm>>
    %dma_wait3A_278 = arith.constant 0 : i32
    %dma_wait3A_279 = tpu.memref_slice %arg4[%dma_wait3A_274, %mul3A_2, %dma_wait3A_278] : memref<13x4096x128xf32, #tpu.memory_space<hbm>> -> memref<1x128x64xf32, #tpu.memory_space<hbm>>
    %dma_wait3A_280 = tpu.memref_squeeze %dma_wait3A_279 : memref<1x128x64xf32, #tpu.memory_space<hbm>> -> memref<128x64xf32, #tpu.memory_space<hbm>>
    tpu.wait_dma2 semaphore(%arg19 : memref<!tpu.dma_semaphore, #tpu.memory_space<semaphore_mem>>) src(%arg9 : memref<128x64xf32, #tpu.memory_space<vmem>>) dst(%dma_wait3A_280 : memref<128x64xf32, #tpu.memory_space<hbm>>)
    %dma_start3A_281 = arith.constant 13 : i32
    %dma_start3A_282 = arith.constant 0 : i32
    %dma_start3A_283 = tpu.memref_slice %arg5[%dma_start3A_281, %dma_start3A_282] : memref<26x128xi32, #tpu.memory_space<vmem>> -> memref<1x128xi32, #tpu.memory_space<vmem>>
    %dma_start3A_284 = tpu.memref_squeeze %dma_start3A_283 : memref<1x128xi32, #tpu.memory_space<vmem>> -> memref<128xi32, #tpu.memory_space<vmem>>
    %dma_start3A_285 = arith.constant 0 : i32
    %dma_start3A_286 = arith.constant 0 : i32
    %dma_start3A_287 = tpu.memref_slice %arg3[%dma_start3A_285, %dma_start3A_286] : memref<200000x64xf32, #tpu.memory_space<hbm>> -> memref<200000x64xf32, #tpu.memory_space<hbm>>
    tpu.enqueue_indirect_dma source(%dma_start3A_287 : memref<200000x64xf32, #tpu.memory_space<hbm>>) target(%arg9 : memref<128x64xf32, #tpu.memory_space<vmem>>) offsets(%dma_start3A_284 : memref<128xi32, #tpu.memory_space<vmem>>) semaphore(%arg14 : memref<!tpu.dma_semaphore, #tpu.memory_space<semaphore_mem>>)
    %dma_wait3A_288 = arith.constant 9 : i32
    %dma_wait3A_289 = arith.constant 0 : i32
    %dma_wait3A_290 = tpu.memref_slice %arg5[%dma_wait3A_288, %dma_wait3A_289] : memref<26x128xi32, #tpu.memory_space<vmem>> -> memref<1x128xi32, #tpu.memory_space<vmem>>
    %dma_wait3A_291 = tpu.memref_squeeze %dma_wait3A_290 : memref<1x128xi32, #tpu.memory_space<vmem>> -> memref<128xi32, #tpu.memory_space<vmem>>
    %dma_wait3A_292 = arith.constant 0 : i32
    %dma_wait3A_293 = arith.constant 0 : i32
    %dma_wait3A_294 = tpu.memref_slice %arg3[%dma_wait3A_292, %dma_wait3A_293] : memref<200000x64xf32, #tpu.memory_space<hbm>> -> memref<200000x64xf32, #tpu.memory_space<hbm>>
    tpu.wait_indirect_dma semaphore(%arg15 : memref<!tpu.dma_semaphore, #tpu.memory_space<semaphore_mem>>) src(%dma_wait3A_294 : memref<200000x64xf32, #tpu.memory_space<hbm>>) dst(%arg10 : memref<128x64xf32, #tpu.memory_space<vmem>>)
    %dma_start3A_295 = arith.constant 4 : i32
    %dma_start3A_296 = arith.constant 64 : i32
    %dma_start3A_297 = tpu.memref_slice %arg4[%dma_start3A_295, %mul3A_2, %dma_start3A_296] : memref<13x4096x128xf32, #tpu.memory_space<hbm>> -> memref<1x128x64xf32, #tpu.memory_space<hbm>>
    %dma_start3A_298 = tpu.memref_squeeze %dma_start3A_297 : memref<1x128x64xf32, #tpu.memory_space<hbm>> -> memref<128x64xf32, #tpu.memory_space<hbm>>
    %dma_start3A_299 = arith.constant 64 : i32
    %dma_start3A_300 = tpu.memref_slice %arg4[%dma_start3A_295, %mul3A_2, %dma_start3A_299] : memref<13x4096x128xf32, #tpu.memory_space<hbm>> -> memref<1x128x64xf32, #tpu.memory_space<hbm>>
    %dma_start3A_301 = tpu.memref_squeeze %dma_start3A_300 : memref<1x128x64xf32, #tpu.memory_space<hbm>> -> memref<128x64xf32, #tpu.memory_space<hbm>>
    tpu.enqueue_dma source(%arg10 : memref<128x64xf32, #tpu.memory_space<vmem>>) target(%dma_start3A_301 : memref<128x64xf32, #tpu.memory_space<hbm>>) target_semaphore(%arg20 : memref<!tpu.dma_semaphore, #tpu.memory_space<semaphore_mem>>)
    %dma_wait3A_302 = arith.constant 4 : i32
    %dma_wait3A_303 = arith.constant 64 : i32
    %dma_wait3A_304 = tpu.memref_slice %arg4[%dma_wait3A_302, %mul3A_2, %dma_wait3A_303] : memref<13x4096x128xf32, #tpu.memory_space<hbm>> -> memref<1x128x64xf32, #tpu.memory_space<hbm>>
    %dma_wait3A_305 = tpu.memref_squeeze %dma_wait3A_304 : memref<1x128x64xf32, #tpu.memory_space<hbm>> -> memref<128x64xf32, #tpu.memory_space<hbm>>
    %dma_wait3A_306 = arith.constant 64 : i32
    %dma_wait3A_307 = tpu.memref_slice %arg4[%dma_wait3A_302, %mul3A_2, %dma_wait3A_306] : memref<13x4096x128xf32, #tpu.memory_space<hbm>> -> memref<1x128x64xf32, #tpu.memory_space<hbm>>
    %dma_wait3A_308 = tpu.memref_squeeze %dma_wait3A_307 : memref<1x128x64xf32, #tpu.memory_space<hbm>> -> memref<128x64xf32, #tpu.memory_space<hbm>>
    tpu.wait_dma2 semaphore(%arg20 : memref<!tpu.dma_semaphore, #tpu.memory_space<semaphore_mem>>) src(%arg10 : memref<128x64xf32, #tpu.memory_space<vmem>>) dst(%dma_wait3A_308 : memref<128x64xf32, #tpu.memory_space<hbm>>)
    %dma_start3A_309 = arith.constant 14 : i32
    %dma_start3A_310 = arith.constant 0 : i32
    %dma_start3A_311 = tpu.memref_slice %arg5[%dma_start3A_309, %dma_start3A_310] : memref<26x128xi32, #tpu.memory_space<vmem>> -> memref<1x128xi32, #tpu.memory_space<vmem>>
    %dma_start3A_312 = tpu.memref_squeeze %dma_start3A_311 : memref<1x128xi32, #tpu.memory_space<vmem>> -> memref<128xi32, #tpu.memory_space<vmem>>
    %dma_start3A_313 = arith.constant 0 : i32
    %dma_start3A_314 = arith.constant 0 : i32
    %dma_start3A_315 = tpu.memref_slice %arg3[%dma_start3A_313, %dma_start3A_314] : memref<200000x64xf32, #tpu.memory_space<hbm>> -> memref<200000x64xf32, #tpu.memory_space<hbm>>
    tpu.enqueue_indirect_dma source(%dma_start3A_315 : memref<200000x64xf32, #tpu.memory_space<hbm>>) target(%arg10 : memref<128x64xf32, #tpu.memory_space<vmem>>) offsets(%dma_start3A_312 : memref<128xi32, #tpu.memory_space<vmem>>) semaphore(%arg15 : memref<!tpu.dma_semaphore, #tpu.memory_space<semaphore_mem>>)
    %dma_wait3A_316 = arith.constant 10 : i32
    %dma_wait3A_317 = arith.constant 0 : i32
    %dma_wait3A_318 = tpu.memref_slice %arg5[%dma_wait3A_316, %dma_wait3A_317] : memref<26x128xi32, #tpu.memory_space<vmem>> -> memref<1x128xi32, #tpu.memory_space<vmem>>
    %dma_wait3A_319 = tpu.memref_squeeze %dma_wait3A_318 : memref<1x128xi32, #tpu.memory_space<vmem>> -> memref<128xi32, #tpu.memory_space<vmem>>
    %dma_wait3A_320 = arith.constant 0 : i32
    %dma_wait3A_321 = arith.constant 0 : i32
    %dma_wait3A_322 = tpu.memref_slice %arg3[%dma_wait3A_320, %dma_wait3A_321] : memref<200000x64xf32, #tpu.memory_space<hbm>> -> memref<200000x64xf32, #tpu.memory_space<hbm>>
    tpu.wait_indirect_dma semaphore(%arg11 : memref<!tpu.dma_semaphore, #tpu.memory_space<semaphore_mem>>) src(%dma_wait3A_322 : memref<200000x64xf32, #tpu.memory_space<hbm>>) dst(%arg6 : memref<128x64xf32, #tpu.memory_space<vmem>>)
    %dma_start3A_323 = arith.constant 5 : i32
    %dma_start3A_324 = arith.constant 0 : i32
    %dma_start3A_325 = tpu.memref_slice %arg4[%dma_start3A_323, %mul3A_2, %dma_start3A_324] : memref<13x4096x128xf32, #tpu.memory_space<hbm>> -> memref<1x128x64xf32, #tpu.memory_space<hbm>>
    %dma_start3A_326 = tpu.memref_squeeze %dma_start3A_325 : memref<1x128x64xf32, #tpu.memory_space<hbm>> -> memref<128x64xf32, #tpu.memory_space<hbm>>
    %dma_start3A_327 = arith.constant 0 : i32
    %dma_start3A_328 = tpu.memref_slice %arg4[%dma_start3A_323, %mul3A_2, %dma_start3A_327] : memref<13x4096x128xf32, #tpu.memory_space<hbm>> -> memref<1x128x64xf32, #tpu.memory_space<hbm>>
    %dma_start3A_329 = tpu.memref_squeeze %dma_start3A_328 : memref<1x128x64xf32, #tpu.memory_space<hbm>> -> memref<128x64xf32, #tpu.memory_space<hbm>>
    tpu.enqueue_dma source(%arg6 : memref<128x64xf32, #tpu.memory_space<vmem>>) target(%dma_start3A_329 : memref<128x64xf32, #tpu.memory_space<hbm>>) target_semaphore(%arg16 : memref<!tpu.dma_semaphore, #tpu.memory_space<semaphore_mem>>)
    %dma_wait3A_330 = arith.constant 5 : i32
    %dma_wait3A_331 = arith.constant 0 : i32
    %dma_wait3A_332 = tpu.memref_slice %arg4[%dma_wait3A_330, %mul3A_2, %dma_wait3A_331] : memref<13x4096x128xf32, #tpu.memory_space<hbm>> -> memref<1x128x64xf32, #tpu.memory_space<hbm>>
    %dma_wait3A_333 = tpu.memref_squeeze %dma_wait3A_332 : memref<1x128x64xf32, #tpu.memory_space<hbm>> -> memref<128x64xf32, #tpu.memory_space<hbm>>
    %dma_wait3A_334 = arith.constant 0 : i32
    %dma_wait3A_335 = tpu.memref_slice %arg4[%dma_wait3A_330, %mul3A_2, %dma_wait3A_334] : memref<13x4096x128xf32, #tpu.memory_space<hbm>> -> memref<1x128x64xf32, #tpu.memory_space<hbm>>
    %dma_wait3A_336 = tpu.memref_squeeze %dma_wait3A_335 : memref<1x128x64xf32, #tpu.memory_space<hbm>> -> memref<128x64xf32, #tpu.memory_space<hbm>>
    tpu.wait_dma2 semaphore(%arg16 : memref<!tpu.dma_semaphore, #tpu.memory_space<semaphore_mem>>) src(%arg6 : memref<128x64xf32, #tpu.memory_space<vmem>>) dst(%dma_wait3A_336 : memref<128x64xf32, #tpu.memory_space<hbm>>)
    %dma_start3A_337 = arith.constant 15 : i32
    %dma_start3A_338 = arith.constant 0 : i32
    %dma_start3A_339 = tpu.memref_slice %arg5[%dma_start3A_337, %dma_start3A_338] : memref<26x128xi32, #tpu.memory_space<vmem>> -> memref<1x128xi32, #tpu.memory_space<vmem>>
    %dma_start3A_340 = tpu.memref_squeeze %dma_start3A_339 : memref<1x128xi32, #tpu.memory_space<vmem>> -> memref<128xi32, #tpu.memory_space<vmem>>
    %dma_start3A_341 = arith.constant 0 : i32
    %dma_start3A_342 = arith.constant 0 : i32
    %dma_start3A_343 = tpu.memref_slice %arg3[%dma_start3A_341, %dma_start3A_342] : memref<200000x64xf32, #tpu.memory_space<hbm>> -> memref<200000x64xf32, #tpu.memory_space<hbm>>
    tpu.enqueue_indirect_dma source(%dma_start3A_343 : memref<200000x64xf32, #tpu.memory_space<hbm>>) target(%arg6 : memref<128x64xf32, #tpu.memory_space<vmem>>) offsets(%dma_start3A_340 : memref<128xi32, #tpu.memory_space<vmem>>) semaphore(%arg11 : memref<!tpu.dma_semaphore, #tpu.memory_space<semaphore_mem>>)
    %dma_wait3A_344 = arith.constant 11 : i32
    %dma_wait3A_345 = arith.constant 0 : i32
    %dma_wait3A_346 = tpu.memref_slice %arg5[%dma_wait3A_344, %dma_wait3A_345] : memref<26x128xi32, #tpu.memory_space<vmem>> -> memref<1x128xi32, #tpu.memory_space<vmem>>
    %dma_wait3A_347 = tpu.memref_squeeze %dma_wait3A_346 : memref<1x128xi32, #tpu.memory_space<vmem>> -> memref<128xi32, #tpu.memory_space<vmem>>
    %dma_wait3A_348 = arith.constant 0 : i32
    %dma_wait3A_349 = arith.constant 0 : i32
    %dma_wait3A_350 = tpu.memref_slice %arg3[%dma_wait3A_348, %dma_wait3A_349] : memref<200000x64xf32, #tpu.memory_space<hbm>> -> memref<200000x64xf32, #tpu.memory_space<hbm>>
    tpu.wait_indirect_dma semaphore(%arg12 : memref<!tpu.dma_semaphore, #tpu.memory_space<semaphore_mem>>) src(%dma_wait3A_350 : memref<200000x64xf32, #tpu.memory_space<hbm>>) dst(%arg7 : memref<128x64xf32, #tpu.memory_space<vmem>>)
    %dma_start3A_351 = arith.constant 5 : i32
    %dma_start3A_352 = arith.constant 64 : i32
    %dma_start3A_353 = tpu.memref_slice %arg4[%dma_start3A_351, %mul3A_2, %dma_start3A_352] : memref<13x4096x128xf32, #tpu.memory_space<hbm>> -> memref<1x128x64xf32, #tpu.memory_space<hbm>>
    %dma_start3A_354 = tpu.memref_squeeze %dma_start3A_353 : memref<1x128x64xf32, #tpu.memory_space<hbm>> -> memref<128x64xf32, #tpu.memory_space<hbm>>
    %dma_start3A_355 = arith.constant 64 : i32
    %dma_start3A_356 = tpu.memref_slice %arg4[%dma_start3A_351, %mul3A_2, %dma_start3A_355] : memref<13x4096x128xf32, #tpu.memory_space<hbm>> -> memref<1x128x64xf32, #tpu.memory_space<hbm>>
    %dma_start3A_357 = tpu.memref_squeeze %dma_start3A_356 : memref<1x128x64xf32, #tpu.memory_space<hbm>> -> memref<128x64xf32, #tpu.memory_space<hbm>>
    tpu.enqueue_dma source(%arg7 : memref<128x64xf32, #tpu.memory_space<vmem>>) target(%dma_start3A_357 : memref<128x64xf32, #tpu.memory_space<hbm>>) target_semaphore(%arg17 : memref<!tpu.dma_semaphore, #tpu.memory_space<semaphore_mem>>)
    %dma_wait3A_358 = arith.constant 5 : i32
    %dma_wait3A_359 = arith.constant 64 : i32
    %dma_wait3A_360 = tpu.memref_slice %arg4[%dma_wait3A_358, %mul3A_2, %dma_wait3A_359] : memref<13x4096x128xf32, #tpu.memory_space<hbm>> -> memref<1x128x64xf32, #tpu.memory_space<hbm>>
    %dma_wait3A_361 = tpu.memref_squeeze %dma_wait3A_360 : memref<1x128x64xf32, #tpu.memory_space<hbm>> -> memref<128x64xf32, #tpu.memory_space<hbm>>
    %dma_wait3A_362 = arith.constant 64 : i32
    %dma_wait3A_363 = tpu.memref_slice %arg4[%dma_wait3A_358, %mul3A_2, %dma_wait3A_362] : memref<13x4096x128xf32, #tpu.memory_space<hbm>> -> memref<1x128x64xf32, #tpu.memory_space<hbm>>
    %dma_wait3A_364 = tpu.memref_squeeze %dma_wait3A_363 : memref<1x128x64xf32, #tpu.memory_space<hbm>> -> memref<128x64xf32, #tpu.memory_space<hbm>>
    tpu.wait_dma2 semaphore(%arg17 : memref<!tpu.dma_semaphore, #tpu.memory_space<semaphore_mem>>) src(%arg7 : memref<128x64xf32, #tpu.memory_space<vmem>>) dst(%dma_wait3A_364 : memref<128x64xf32, #tpu.memory_space<hbm>>)
    %dma_start3A_365 = arith.constant 16 : i32
    %dma_start3A_366 = arith.constant 0 : i32
    %dma_start3A_367 = tpu.memref_slice %arg5[%dma_start3A_365, %dma_start3A_366] : memref<26x128xi32, #tpu.memory_space<vmem>> -> memref<1x128xi32, #tpu.memory_space<vmem>>
    %dma_start3A_368 = tpu.memref_squeeze %dma_start3A_367 : memref<1x128xi32, #tpu.memory_space<vmem>> -> memref<128xi32, #tpu.memory_space<vmem>>
    %dma_start3A_369 = arith.constant 0 : i32
    %dma_start3A_370 = arith.constant 0 : i32
    %dma_start3A_371 = tpu.memref_slice %arg3[%dma_start3A_369, %dma_start3A_370] : memref<200000x64xf32, #tpu.memory_space<hbm>> -> memref<200000x64xf32, #tpu.memory_space<hbm>>
    tpu.enqueue_indirect_dma source(%dma_start3A_371 : memref<200000x64xf32, #tpu.memory_space<hbm>>) target(%arg7 : memref<128x64xf32, #tpu.memory_space<vmem>>) offsets(%dma_start3A_368 : memref<128xi32, #tpu.memory_space<vmem>>) semaphore(%arg12 : memref<!tpu.dma_semaphore, #tpu.memory_space<semaphore_mem>>)
    %dma_wait3A_372 = arith.constant 12 : i32
    %dma_wait3A_373 = arith.constant 0 : i32
    %dma_wait3A_374 = tpu.memref_slice %arg5[%dma_wait3A_372, %dma_wait3A_373] : memref<26x128xi32, #tpu.memory_space<vmem>> -> memref<1x128xi32, #tpu.memory_space<vmem>>
    %dma_wait3A_375 = tpu.memref_squeeze %dma_wait3A_374 : memref<1x128xi32, #tpu.memory_space<vmem>> -> memref<128xi32, #tpu.memory_space<vmem>>
    %dma_wait3A_376 = arith.constant 0 : i32
    %dma_wait3A_377 = arith.constant 0 : i32
    %dma_wait3A_378 = tpu.memref_slice %arg3[%dma_wait3A_376, %dma_wait3A_377] : memref<200000x64xf32, #tpu.memory_space<hbm>> -> memref<200000x64xf32, #tpu.memory_space<hbm>>
    tpu.wait_indirect_dma semaphore(%arg13 : memref<!tpu.dma_semaphore, #tpu.memory_space<semaphore_mem>>) src(%dma_wait3A_378 : memref<200000x64xf32, #tpu.memory_space<hbm>>) dst(%arg8 : memref<128x64xf32, #tpu.memory_space<vmem>>)
    %dma_start3A_379 = arith.constant 6 : i32
    %dma_start3A_380 = arith.constant 0 : i32
    %dma_start3A_381 = tpu.memref_slice %arg4[%dma_start3A_379, %mul3A_2, %dma_start3A_380] : memref<13x4096x128xf32, #tpu.memory_space<hbm>> -> memref<1x128x64xf32, #tpu.memory_space<hbm>>
    %dma_start3A_382 = tpu.memref_squeeze %dma_start3A_381 : memref<1x128x64xf32, #tpu.memory_space<hbm>> -> memref<128x64xf32, #tpu.memory_space<hbm>>
    %dma_start3A_383 = arith.constant 0 : i32
    %dma_start3A_384 = tpu.memref_slice %arg4[%dma_start3A_379, %mul3A_2, %dma_start3A_383] : memref<13x4096x128xf32, #tpu.memory_space<hbm>> -> memref<1x128x64xf32, #tpu.memory_space<hbm>>
    %dma_start3A_385 = tpu.memref_squeeze %dma_start3A_384 : memref<1x128x64xf32, #tpu.memory_space<hbm>> -> memref<128x64xf32, #tpu.memory_space<hbm>>
    tpu.enqueue_dma source(%arg8 : memref<128x64xf32, #tpu.memory_space<vmem>>) target(%dma_start3A_385 : memref<128x64xf32, #tpu.memory_space<hbm>>) target_semaphore(%arg18 : memref<!tpu.dma_semaphore, #tpu.memory_space<semaphore_mem>>)
    %dma_wait3A_386 = arith.constant 6 : i32
    %dma_wait3A_387 = arith.constant 0 : i32
    %dma_wait3A_388 = tpu.memref_slice %arg4[%dma_wait3A_386, %mul3A_2, %dma_wait3A_387] : memref<13x4096x128xf32, #tpu.memory_space<hbm>> -> memref<1x128x64xf32, #tpu.memory_space<hbm>>
    %dma_wait3A_389 = tpu.memref_squeeze %dma_wait3A_388 : memref<1x128x64xf32, #tpu.memory_space<hbm>> -> memref<128x64xf32, #tpu.memory_space<hbm>>
    %dma_wait3A_390 = arith.constant 0 : i32
    %dma_wait3A_391 = tpu.memref_slice %arg4[%dma_wait3A_386, %mul3A_2, %dma_wait3A_390] : memref<13x4096x128xf32, #tpu.memory_space<hbm>> -> memref<1x128x64xf32, #tpu.memory_space<hbm>>
    %dma_wait3A_392 = tpu.memref_squeeze %dma_wait3A_391 : memref<1x128x64xf32, #tpu.memory_space<hbm>> -> memref<128x64xf32, #tpu.memory_space<hbm>>
    tpu.wait_dma2 semaphore(%arg18 : memref<!tpu.dma_semaphore, #tpu.memory_space<semaphore_mem>>) src(%arg8 : memref<128x64xf32, #tpu.memory_space<vmem>>) dst(%dma_wait3A_392 : memref<128x64xf32, #tpu.memory_space<hbm>>)
    %dma_start3A_393 = arith.constant 17 : i32
    %dma_start3A_394 = arith.constant 0 : i32
    %dma_start3A_395 = tpu.memref_slice %arg5[%dma_start3A_393, %dma_start3A_394] : memref<26x128xi32, #tpu.memory_space<vmem>> -> memref<1x128xi32, #tpu.memory_space<vmem>>
    %dma_start3A_396 = tpu.memref_squeeze %dma_start3A_395 : memref<1x128xi32, #tpu.memory_space<vmem>> -> memref<128xi32, #tpu.memory_space<vmem>>
    %dma_start3A_397 = arith.constant 0 : i32
    %dma_start3A_398 = arith.constant 0 : i32
    %dma_start3A_399 = tpu.memref_slice %arg3[%dma_start3A_397, %dma_start3A_398] : memref<200000x64xf32, #tpu.memory_space<hbm>> -> memref<200000x64xf32, #tpu.memory_space<hbm>>
    tpu.enqueue_indirect_dma source(%dma_start3A_399 : memref<200000x64xf32, #tpu.memory_space<hbm>>) target(%arg8 : memref<128x64xf32, #tpu.memory_space<vmem>>) offsets(%dma_start3A_396 : memref<128xi32, #tpu.memory_space<vmem>>) semaphore(%arg13 : memref<!tpu.dma_semaphore, #tpu.memory_space<semaphore_mem>>)
    %dma_wait3A_400 = arith.constant 13 : i32
    %dma_wait3A_401 = arith.constant 0 : i32
    %dma_wait3A_402 = tpu.memref_slice %arg5[%dma_wait3A_400, %dma_wait3A_401] : memref<26x128xi32, #tpu.memory_space<vmem>> -> memref<1x128xi32, #tpu.memory_space<vmem>>
    %dma_wait3A_403 = tpu.memref_squeeze %dma_wait3A_402 : memref<1x128xi32, #tpu.memory_space<vmem>> -> memref<128xi32, #tpu.memory_space<vmem>>
    %dma_wait3A_404 = arith.constant 0 : i32
    %dma_wait3A_405 = arith.constant 0 : i32
    %dma_wait3A_406 = tpu.memref_slice %arg3[%dma_wait3A_404, %dma_wait3A_405] : memref<200000x64xf32, #tpu.memory_space<hbm>> -> memref<200000x64xf32, #tpu.memory_space<hbm>>
    tpu.wait_indirect_dma semaphore(%arg14 : memref<!tpu.dma_semaphore, #tpu.memory_space<semaphore_mem>>) src(%dma_wait3A_406 : memref<200000x64xf32, #tpu.memory_space<hbm>>) dst(%arg9 : memref<128x64xf32, #tpu.memory_space<vmem>>)
    %dma_start3A_407 = arith.constant 6 : i32
    %dma_start3A_408 = arith.constant 64 : i32
    %dma_start3A_409 = tpu.memref_slice %arg4[%dma_start3A_407, %mul3A_2, %dma_start3A_408] : memref<13x4096x128xf32, #tpu.memory_space<hbm>> -> memref<1x128x64xf32, #tpu.memory_space<hbm>>
    %dma_start3A_410 = tpu.memref_squeeze %dma_start3A_409 : memref<1x128x64xf32, #tpu.memory_space<hbm>> -> memref<128x64xf32, #tpu.memory_space<hbm>>
    %dma_start3A_411 = arith.constant 64 : i32
    %dma_start3A_412 = tpu.memref_slice %arg4[%dma_start3A_407, %mul3A_2, %dma_start3A_411] : memref<13x4096x128xf32, #tpu.memory_space<hbm>> -> memref<1x128x64xf32, #tpu.memory_space<hbm>>
    %dma_start3A_413 = tpu.memref_squeeze %dma_start3A_412 : memref<1x128x64xf32, #tpu.memory_space<hbm>> -> memref<128x64xf32, #tpu.memory_space<hbm>>
    tpu.enqueue_dma source(%arg9 : memref<128x64xf32, #tpu.memory_space<vmem>>) target(%dma_start3A_413 : memref<128x64xf32, #tpu.memory_space<hbm>>) target_semaphore(%arg19 : memref<!tpu.dma_semaphore, #tpu.memory_space<semaphore_mem>>)
    %dma_wait3A_414 = arith.constant 6 : i32
    %dma_wait3A_415 = arith.constant 64 : i32
    %dma_wait3A_416 = tpu.memref_slice %arg4[%dma_wait3A_414, %mul3A_2, %dma_wait3A_415] : memref<13x4096x128xf32, #tpu.memory_space<hbm>> -> memref<1x128x64xf32, #tpu.memory_space<hbm>>
    %dma_wait3A_417 = tpu.memref_squeeze %dma_wait3A_416 : memref<1x128x64xf32, #tpu.memory_space<hbm>> -> memref<128x64xf32, #tpu.memory_space<hbm>>
    %dma_wait3A_418 = arith.constant 64 : i32
    %dma_wait3A_419 = tpu.memref_slice %arg4[%dma_wait3A_414, %mul3A_2, %dma_wait3A_418] : memref<13x4096x128xf32, #tpu.memory_space<hbm>> -> memref<1x128x64xf32, #tpu.memory_space<hbm>>
    %dma_wait3A_420 = tpu.memref_squeeze %dma_wait3A_419 : memref<1x128x64xf32, #tpu.memory_space<hbm>> -> memref<128x64xf32, #tpu.memory_space<hbm>>
    tpu.wait_dma2 semaphore(%arg19 : memref<!tpu.dma_semaphore, #tpu.memory_space<semaphore_mem>>) src(%arg9 : memref<128x64xf32, #tpu.memory_space<vmem>>) dst(%dma_wait3A_420 : memref<128x64xf32, #tpu.memory_space<hbm>>)
    %dma_start3A_421 = arith.constant 18 : i32
    %dma_start3A_422 = arith.constant 0 : i32
    %dma_start3A_423 = tpu.memref_slice %arg5[%dma_start3A_421, %dma_start3A_422] : memref<26x128xi32, #tpu.memory_space<vmem>> -> memref<1x128xi32, #tpu.memory_space<vmem>>
    %dma_start3A_424 = tpu.memref_squeeze %dma_start3A_423 : memref<1x128xi32, #tpu.memory_space<vmem>> -> memref<128xi32, #tpu.memory_space<vmem>>
    %dma_start3A_425 = arith.constant 0 : i32
    %dma_start3A_426 = arith.constant 0 : i32
    %dma_start3A_427 = tpu.memref_slice %arg3[%dma_start3A_425, %dma_start3A_426] : memref<200000x64xf32, #tpu.memory_space<hbm>> -> memref<200000x64xf32, #tpu.memory_space<hbm>>
    tpu.enqueue_indirect_dma source(%dma_start3A_427 : memref<200000x64xf32, #tpu.memory_space<hbm>>) target(%arg9 : memref<128x64xf32, #tpu.memory_space<vmem>>) offsets(%dma_start3A_424 : memref<128xi32, #tpu.memory_space<vmem>>) semaphore(%arg14 : memref<!tpu.dma_semaphore, #tpu.memory_space<semaphore_mem>>)
    %dma_wait3A_428 = arith.constant 14 : i32
    %dma_wait3A_429 = arith.constant 0 : i32
    %dma_wait3A_430 = tpu.memref_slice %arg5[%dma_wait3A_428, %dma_wait3A_429] : memref<26x128xi32, #tpu.memory_space<vmem>> -> memref<1x128xi32, #tpu.memory_space<vmem>>
    %dma_wait3A_431 = tpu.memref_squeeze %dma_wait3A_430 : memref<1x128xi32, #tpu.memory_space<vmem>> -> memref<128xi32, #tpu.memory_space<vmem>>
    %dma_wait3A_432 = arith.constant 0 : i32
    %dma_wait3A_433 = arith.constant 0 : i32
    %dma_wait3A_434 = tpu.memref_slice %arg3[%dma_wait3A_432, %dma_wait3A_433] : memref<200000x64xf32, #tpu.memory_space<hbm>> -> memref<200000x64xf32, #tpu.memory_space<hbm>>
    tpu.wait_indirect_dma semaphore(%arg15 : memref<!tpu.dma_semaphore, #tpu.memory_space<semaphore_mem>>) src(%dma_wait3A_434 : memref<200000x64xf32, #tpu.memory_space<hbm>>) dst(%arg10 : memref<128x64xf32, #tpu.memory_space<vmem>>)
    %dma_start3A_435 = arith.constant 7 : i32
    %dma_start3A_436 = arith.constant 0 : i32
    %dma_start3A_437 = tpu.memref_slice %arg4[%dma_start3A_435, %mul3A_2, %dma_start3A_436] : memref<13x4096x128xf32, #tpu.memory_space<hbm>> -> memref<1x128x64xf32, #tpu.memory_space<hbm>>
    %dma_start3A_438 = tpu.memref_squeeze %dma_start3A_437 : memref<1x128x64xf32, #tpu.memory_space<hbm>> -> memref<128x64xf32, #tpu.memory_space<hbm>>
    %dma_start3A_439 = arith.constant 0 : i32
    %dma_start3A_440 = tpu.memref_slice %arg4[%dma_start3A_435, %mul3A_2, %dma_start3A_439] : memref<13x4096x128xf32, #tpu.memory_space<hbm>> -> memref<1x128x64xf32, #tpu.memory_space<hbm>>
    %dma_start3A_441 = tpu.memref_squeeze %dma_start3A_440 : memref<1x128x64xf32, #tpu.memory_space<hbm>> -> memref<128x64xf32, #tpu.memory_space<hbm>>
    tpu.enqueue_dma source(%arg10 : memref<128x64xf32, #tpu.memory_space<vmem>>) target(%dma_start3A_441 : memref<128x64xf32, #tpu.memory_space<hbm>>) target_semaphore(%arg20 : memref<!tpu.dma_semaphore, #tpu.memory_space<semaphore_mem>>)
    %dma_wait3A_442 = arith.constant 7 : i32
    %dma_wait3A_443 = arith.constant 0 : i32
    %dma_wait3A_444 = tpu.memref_slice %arg4[%dma_wait3A_442, %mul3A_2, %dma_wait3A_443] : memref<13x4096x128xf32, #tpu.memory_space<hbm>> -> memref<1x128x64xf32, #tpu.memory_space<hbm>>
    %dma_wait3A_445 = tpu.memref_squeeze %dma_wait3A_444 : memref<1x128x64xf32, #tpu.memory_space<hbm>> -> memref<128x64xf32, #tpu.memory_space<hbm>>
    %dma_wait3A_446 = arith.constant 0 : i32
    %dma_wait3A_447 = tpu.memref_slice %arg4[%dma_wait3A_442, %mul3A_2, %dma_wait3A_446] : memref<13x4096x128xf32, #tpu.memory_space<hbm>> -> memref<1x128x64xf32, #tpu.memory_space<hbm>>
    %dma_wait3A_448 = tpu.memref_squeeze %dma_wait3A_447 : memref<1x128x64xf32, #tpu.memory_space<hbm>> -> memref<128x64xf32, #tpu.memory_space<hbm>>
    tpu.wait_dma2 semaphore(%arg20 : memref<!tpu.dma_semaphore, #tpu.memory_space<semaphore_mem>>) src(%arg10 : memref<128x64xf32, #tpu.memory_space<vmem>>) dst(%dma_wait3A_448 : memref<128x64xf32, #tpu.memory_space<hbm>>)
    %dma_start3A_449 = arith.constant 19 : i32
    %dma_start3A_450 = arith.constant 0 : i32
    %dma_start3A_451 = tpu.memref_slice %arg5[%dma_start3A_449, %dma_start3A_450] : memref<26x128xi32, #tpu.memory_space<vmem>> -> memref<1x128xi32, #tpu.memory_space<vmem>>
    %dma_start3A_452 = tpu.memref_squeeze %dma_start3A_451 : memref<1x128xi32, #tpu.memory_space<vmem>> -> memref<128xi32, #tpu.memory_space<vmem>>
    %dma_start3A_453 = arith.constant 0 : i32
    %dma_start3A_454 = arith.constant 0 : i32
    %dma_start3A_455 = tpu.memref_slice %arg3[%dma_start3A_453, %dma_start3A_454] : memref<200000x64xf32, #tpu.memory_space<hbm>> -> memref<200000x64xf32, #tpu.memory_space<hbm>>
    tpu.enqueue_indirect_dma source(%dma_start3A_455 : memref<200000x64xf32, #tpu.memory_space<hbm>>) target(%arg10 : memref<128x64xf32, #tpu.memory_space<vmem>>) offsets(%dma_start3A_452 : memref<128xi32, #tpu.memory_space<vmem>>) semaphore(%arg15 : memref<!tpu.dma_semaphore, #tpu.memory_space<semaphore_mem>>)
    %dma_wait3A_456 = arith.constant 15 : i32
    %dma_wait3A_457 = arith.constant 0 : i32
    %dma_wait3A_458 = tpu.memref_slice %arg5[%dma_wait3A_456, %dma_wait3A_457] : memref<26x128xi32, #tpu.memory_space<vmem>> -> memref<1x128xi32, #tpu.memory_space<vmem>>
    %dma_wait3A_459 = tpu.memref_squeeze %dma_wait3A_458 : memref<1x128xi32, #tpu.memory_space<vmem>> -> memref<128xi32, #tpu.memory_space<vmem>>
    %dma_wait3A_460 = arith.constant 0 : i32
    %dma_wait3A_461 = arith.constant 0 : i32
    %dma_wait3A_462 = tpu.memref_slice %arg3[%dma_wait3A_460, %dma_wait3A_461] : memref<200000x64xf32, #tpu.memory_space<hbm>> -> memref<200000x64xf32, #tpu.memory_space<hbm>>
    tpu.wait_indirect_dma semaphore(%arg11 : memref<!tpu.dma_semaphore, #tpu.memory_space<semaphore_mem>>) src(%dma_wait3A_462 : memref<200000x64xf32, #tpu.memory_space<hbm>>) dst(%arg6 : memref<128x64xf32, #tpu.memory_space<vmem>>)
    %dma_start3A_463 = arith.constant 7 : i32
    %dma_start3A_464 = arith.constant 64 : i32
    %dma_start3A_465 = tpu.memref_slice %arg4[%dma_start3A_463, %mul3A_2, %dma_start3A_464] : memref<13x4096x128xf32, #tpu.memory_space<hbm>> -> memref<1x128x64xf32, #tpu.memory_space<hbm>>
    %dma_start3A_466 = tpu.memref_squeeze %dma_start3A_465 : memref<1x128x64xf32, #tpu.memory_space<hbm>> -> memref<128x64xf32, #tpu.memory_space<hbm>>
    %dma_start3A_467 = arith.constant 64 : i32
    %dma_start3A_468 = tpu.memref_slice %arg4[%dma_start3A_463, %mul3A_2, %dma_start3A_467] : memref<13x4096x128xf32, #tpu.memory_space<hbm>> -> memref<1x128x64xf32, #tpu.memory_space<hbm>>
    %dma_start3A_469 = tpu.memref_squeeze %dma_start3A_468 : memref<1x128x64xf32, #tpu.memory_space<hbm>> -> memref<128x64xf32, #tpu.memory_space<hbm>>
    tpu.enqueue_dma source(%arg6 : memref<128x64xf32, #tpu.memory_space<vmem>>) target(%dma_start3A_469 : memref<128x64xf32, #tpu.memory_space<hbm>>) target_semaphore(%arg16 : memref<!tpu.dma_semaphore, #tpu.memory_space<semaphore_mem>>)
    %dma_wait3A_470 = arith.constant 7 : i32
    %dma_wait3A_471 = arith.constant 64 : i32
    %dma_wait3A_472 = tpu.memref_slice %arg4[%dma_wait3A_470, %mul3A_2, %dma_wait3A_471] : memref<13x4096x128xf32, #tpu.memory_space<hbm>> -> memref<1x128x64xf32, #tpu.memory_space<hbm>>
    %dma_wait3A_473 = tpu.memref_squeeze %dma_wait3A_472 : memref<1x128x64xf32, #tpu.memory_space<hbm>> -> memref<128x64xf32, #tpu.memory_space<hbm>>
    %dma_wait3A_474 = arith.constant 64 : i32
    %dma_wait3A_475 = tpu.memref_slice %arg4[%dma_wait3A_470, %mul3A_2, %dma_wait3A_474] : memref<13x4096x128xf32, #tpu.memory_space<hbm>> -> memref<1x128x64xf32, #tpu.memory_space<hbm>>
    %dma_wait3A_476 = tpu.memref_squeeze %dma_wait3A_475 : memref<1x128x64xf32, #tpu.memory_space<hbm>> -> memref<128x64xf32, #tpu.memory_space<hbm>>
    tpu.wait_dma2 semaphore(%arg16 : memref<!tpu.dma_semaphore, #tpu.memory_space<semaphore_mem>>) src(%arg6 : memref<128x64xf32, #tpu.memory_space<vmem>>) dst(%dma_wait3A_476 : memref<128x64xf32, #tpu.memory_space<hbm>>)
    %dma_start3A_477 = arith.constant 20 : i32
    %dma_start3A_478 = arith.constant 0 : i32
    %dma_start3A_479 = tpu.memref_slice %arg5[%dma_start3A_477, %dma_start3A_478] : memref<26x128xi32, #tpu.memory_space<vmem>> -> memref<1x128xi32, #tpu.memory_space<vmem>>
    %dma_start3A_480 = tpu.memref_squeeze %dma_start3A_479 : memref<1x128xi32, #tpu.memory_space<vmem>> -> memref<128xi32, #tpu.memory_space<vmem>>
    %dma_start3A_481 = arith.constant 0 : i32
    %dma_start3A_482 = arith.constant 0 : i32
    %dma_start3A_483 = tpu.memref_slice %arg3[%dma_start3A_481, %dma_start3A_482] : memref<200000x64xf32, #tpu.memory_space<hbm>> -> memref<200000x64xf32, #tpu.memory_space<hbm>>
    tpu.enqueue_indirect_dma source(%dma_start3A_483 : memref<200000x64xf32, #tpu.memory_space<hbm>>) target(%arg6 : memref<128x64xf32, #tpu.memory_space<vmem>>) offsets(%dma_start3A_480 : memref<128xi32, #tpu.memory_space<vmem>>) semaphore(%arg11 : memref<!tpu.dma_semaphore, #tpu.memory_space<semaphore_mem>>)
    %dma_wait3A_484 = arith.constant 16 : i32
    %dma_wait3A_485 = arith.constant 0 : i32
    %dma_wait3A_486 = tpu.memref_slice %arg5[%dma_wait3A_484, %dma_wait3A_485] : memref<26x128xi32, #tpu.memory_space<vmem>> -> memref<1x128xi32, #tpu.memory_space<vmem>>
    %dma_wait3A_487 = tpu.memref_squeeze %dma_wait3A_486 : memref<1x128xi32, #tpu.memory_space<vmem>> -> memref<128xi32, #tpu.memory_space<vmem>>
    %dma_wait3A_488 = arith.constant 0 : i32
    %dma_wait3A_489 = arith.constant 0 : i32
    %dma_wait3A_490 = tpu.memref_slice %arg3[%dma_wait3A_488, %dma_wait3A_489] : memref<200000x64xf32, #tpu.memory_space<hbm>> -> memref<200000x64xf32, #tpu.memory_space<hbm>>
    tpu.wait_indirect_dma semaphore(%arg12 : memref<!tpu.dma_semaphore, #tpu.memory_space<semaphore_mem>>) src(%dma_wait3A_490 : memref<200000x64xf32, #tpu.memory_space<hbm>>) dst(%arg7 : memref<128x64xf32, #tpu.memory_space<vmem>>)
    %dma_start3A_491 = arith.constant 8 : i32
    %dma_start3A_492 = arith.constant 0 : i32
    %dma_start3A_493 = tpu.memref_slice %arg4[%dma_start3A_491, %mul3A_2, %dma_start3A_492] : memref<13x4096x128xf32, #tpu.memory_space<hbm>> -> memref<1x128x64xf32, #tpu.memory_space<hbm>>
    %dma_start3A_494 = tpu.memref_squeeze %dma_start3A_493 : memref<1x128x64xf32, #tpu.memory_space<hbm>> -> memref<128x64xf32, #tpu.memory_space<hbm>>
    %dma_start3A_495 = arith.constant 0 : i32
    %dma_start3A_496 = tpu.memref_slice %arg4[%dma_start3A_491, %mul3A_2, %dma_start3A_495] : memref<13x4096x128xf32, #tpu.memory_space<hbm>> -> memref<1x128x64xf32, #tpu.memory_space<hbm>>
    %dma_start3A_497 = tpu.memref_squeeze %dma_start3A_496 : memref<1x128x64xf32, #tpu.memory_space<hbm>> -> memref<128x64xf32, #tpu.memory_space<hbm>>
    tpu.enqueue_dma source(%arg7 : memref<128x64xf32, #tpu.memory_space<vmem>>) target(%dma_start3A_497 : memref<128x64xf32, #tpu.memory_space<hbm>>) target_semaphore(%arg17 : memref<!tpu.dma_semaphore, #tpu.memory_space<semaphore_mem>>)
    %dma_wait3A_498 = arith.constant 8 : i32
    %dma_wait3A_499 = arith.constant 0 : i32
    %dma_wait3A_500 = tpu.memref_slice %arg4[%dma_wait3A_498, %mul3A_2, %dma_wait3A_499] : memref<13x4096x128xf32, #tpu.memory_space<hbm>> -> memref<1x128x64xf32, #tpu.memory_space<hbm>>
    %dma_wait3A_501 = tpu.memref_squeeze %dma_wait3A_500 : memref<1x128x64xf32, #tpu.memory_space<hbm>> -> memref<128x64xf32, #tpu.memory_space<hbm>>
    %dma_wait3A_502 = arith.constant 0 : i32
    %dma_wait3A_503 = tpu.memref_slice %arg4[%dma_wait3A_498, %mul3A_2, %dma_wait3A_502] : memref<13x4096x128xf32, #tpu.memory_space<hbm>> -> memref<1x128x64xf32, #tpu.memory_space<hbm>>
    %dma_wait3A_504 = tpu.memref_squeeze %dma_wait3A_503 : memref<1x128x64xf32, #tpu.memory_space<hbm>> -> memref<128x64xf32, #tpu.memory_space<hbm>>
    tpu.wait_dma2 semaphore(%arg17 : memref<!tpu.dma_semaphore, #tpu.memory_space<semaphore_mem>>) src(%arg7 : memref<128x64xf32, #tpu.memory_space<vmem>>) dst(%dma_wait3A_504 : memref<128x64xf32, #tpu.memory_space<hbm>>)
    %dma_start3A_505 = arith.constant 21 : i32
    %dma_start3A_506 = arith.constant 0 : i32
    %dma_start3A_507 = tpu.memref_slice %arg5[%dma_start3A_505, %dma_start3A_506] : memref<26x128xi32, #tpu.memory_space<vmem>> -> memref<1x128xi32, #tpu.memory_space<vmem>>
    %dma_start3A_508 = tpu.memref_squeeze %dma_start3A_507 : memref<1x128xi32, #tpu.memory_space<vmem>> -> memref<128xi32, #tpu.memory_space<vmem>>
    %dma_start3A_509 = arith.constant 0 : i32
    %dma_start3A_510 = arith.constant 0 : i32
    %dma_start3A_511 = tpu.memref_slice %arg3[%dma_start3A_509, %dma_start3A_510] : memref<200000x64xf32, #tpu.memory_space<hbm>> -> memref<200000x64xf32, #tpu.memory_space<hbm>>
    tpu.enqueue_indirect_dma source(%dma_start3A_511 : memref<200000x64xf32, #tpu.memory_space<hbm>>) target(%arg7 : memref<128x64xf32, #tpu.memory_space<vmem>>) offsets(%dma_start3A_508 : memref<128xi32, #tpu.memory_space<vmem>>) semaphore(%arg12 : memref<!tpu.dma_semaphore, #tpu.memory_space<semaphore_mem>>)
    %dma_wait3A_512 = arith.constant 17 : i32
    %dma_wait3A_513 = arith.constant 0 : i32
    %dma_wait3A_514 = tpu.memref_slice %arg5[%dma_wait3A_512, %dma_wait3A_513] : memref<26x128xi32, #tpu.memory_space<vmem>> -> memref<1x128xi32, #tpu.memory_space<vmem>>
    %dma_wait3A_515 = tpu.memref_squeeze %dma_wait3A_514 : memref<1x128xi32, #tpu.memory_space<vmem>> -> memref<128xi32, #tpu.memory_space<vmem>>
    %dma_wait3A_516 = arith.constant 0 : i32
    %dma_wait3A_517 = arith.constant 0 : i32
    %dma_wait3A_518 = tpu.memref_slice %arg3[%dma_wait3A_516, %dma_wait3A_517] : memref<200000x64xf32, #tpu.memory_space<hbm>> -> memref<200000x64xf32, #tpu.memory_space<hbm>>
    tpu.wait_indirect_dma semaphore(%arg13 : memref<!tpu.dma_semaphore, #tpu.memory_space<semaphore_mem>>) src(%dma_wait3A_518 : memref<200000x64xf32, #tpu.memory_space<hbm>>) dst(%arg8 : memref<128x64xf32, #tpu.memory_space<vmem>>)
    %dma_start3A_519 = arith.constant 8 : i32
    %dma_start3A_520 = arith.constant 64 : i32
    %dma_start3A_521 = tpu.memref_slice %arg4[%dma_start3A_519, %mul3A_2, %dma_start3A_520] : memref<13x4096x128xf32, #tpu.memory_space<hbm>> -> memref<1x128x64xf32, #tpu.memory_space<hbm>>
    %dma_start3A_522 = tpu.memref_squeeze %dma_start3A_521 : memref<1x128x64xf32, #tpu.memory_space<hbm>> -> memref<128x64xf32, #tpu.memory_space<hbm>>
    %dma_start3A_523 = arith.constant 64 : i32
    %dma_start3A_524 = tpu.memref_slice %arg4[%dma_start3A_519, %mul3A_2, %dma_start3A_523] : memref<13x4096x128xf32, #tpu.memory_space<hbm>> -> memref<1x128x64xf32, #tpu.memory_space<hbm>>
    %dma_start3A_525 = tpu.memref_squeeze %dma_start3A_524 : memref<1x128x64xf32, #tpu.memory_space<hbm>> -> memref<128x64xf32, #tpu.memory_space<hbm>>
    tpu.enqueue_dma source(%arg8 : memref<128x64xf32, #tpu.memory_space<vmem>>) target(%dma_start3A_525 : memref<128x64xf32, #tpu.memory_space<hbm>>) target_semaphore(%arg18 : memref<!tpu.dma_semaphore, #tpu.memory_space<semaphore_mem>>)
    %dma_wait3A_526 = arith.constant 8 : i32
    %dma_wait3A_527 = arith.constant 64 : i32
    %dma_wait3A_528 = tpu.memref_slice %arg4[%dma_wait3A_526, %mul3A_2, %dma_wait3A_527] : memref<13x4096x128xf32, #tpu.memory_space<hbm>> -> memref<1x128x64xf32, #tpu.memory_space<hbm>>
    %dma_wait3A_529 = tpu.memref_squeeze %dma_wait3A_528 : memref<1x128x64xf32, #tpu.memory_space<hbm>> -> memref<128x64xf32, #tpu.memory_space<hbm>>
    %dma_wait3A_530 = arith.constant 64 : i32
    %dma_wait3A_531 = tpu.memref_slice %arg4[%dma_wait3A_526, %mul3A_2, %dma_wait3A_530] : memref<13x4096x128xf32, #tpu.memory_space<hbm>> -> memref<1x128x64xf32, #tpu.memory_space<hbm>>
    %dma_wait3A_532 = tpu.memref_squeeze %dma_wait3A_531 : memref<1x128x64xf32, #tpu.memory_space<hbm>> -> memref<128x64xf32, #tpu.memory_space<hbm>>
    tpu.wait_dma2 semaphore(%arg18 : memref<!tpu.dma_semaphore, #tpu.memory_space<semaphore_mem>>) src(%arg8 : memref<128x64xf32, #tpu.memory_space<vmem>>) dst(%dma_wait3A_532 : memref<128x64xf32, #tpu.memory_space<hbm>>)
    %dma_start3A_533 = arith.constant 22 : i32
    %dma_start3A_534 = arith.constant 0 : i32
    %dma_start3A_535 = tpu.memref_slice %arg5[%dma_start3A_533, %dma_start3A_534] : memref<26x128xi32, #tpu.memory_space<vmem>> -> memref<1x128xi32, #tpu.memory_space<vmem>>
    %dma_start3A_536 = tpu.memref_squeeze %dma_start3A_535 : memref<1x128xi32, #tpu.memory_space<vmem>> -> memref<128xi32, #tpu.memory_space<vmem>>
    %dma_start3A_537 = arith.constant 0 : i32
    %dma_start3A_538 = arith.constant 0 : i32
    %dma_start3A_539 = tpu.memref_slice %arg3[%dma_start3A_537, %dma_start3A_538] : memref<200000x64xf32, #tpu.memory_space<hbm>> -> memref<200000x64xf32, #tpu.memory_space<hbm>>
    tpu.enqueue_indirect_dma source(%dma_start3A_539 : memref<200000x64xf32, #tpu.memory_space<hbm>>) target(%arg8 : memref<128x64xf32, #tpu.memory_space<vmem>>) offsets(%dma_start3A_536 : memref<128xi32, #tpu.memory_space<vmem>>) semaphore(%arg13 : memref<!tpu.dma_semaphore, #tpu.memory_space<semaphore_mem>>)
    %dma_wait3A_540 = arith.constant 18 : i32
    %dma_wait3A_541 = arith.constant 0 : i32
    %dma_wait3A_542 = tpu.memref_slice %arg5[%dma_wait3A_540, %dma_wait3A_541] : memref<26x128xi32, #tpu.memory_space<vmem>> -> memref<1x128xi32, #tpu.memory_space<vmem>>
    %dma_wait3A_543 = tpu.memref_squeeze %dma_wait3A_542 : memref<1x128xi32, #tpu.memory_space<vmem>> -> memref<128xi32, #tpu.memory_space<vmem>>
    %dma_wait3A_544 = arith.constant 0 : i32
    %dma_wait3A_545 = arith.constant 0 : i32
    %dma_wait3A_546 = tpu.memref_slice %arg3[%dma_wait3A_544, %dma_wait3A_545] : memref<200000x64xf32, #tpu.memory_space<hbm>> -> memref<200000x64xf32, #tpu.memory_space<hbm>>
    tpu.wait_indirect_dma semaphore(%arg14 : memref<!tpu.dma_semaphore, #tpu.memory_space<semaphore_mem>>) src(%dma_wait3A_546 : memref<200000x64xf32, #tpu.memory_space<hbm>>) dst(%arg9 : memref<128x64xf32, #tpu.memory_space<vmem>>)
    %dma_start3A_547 = arith.constant 9 : i32
    %dma_start3A_548 = arith.constant 0 : i32
    %dma_start3A_549 = tpu.memref_slice %arg4[%dma_start3A_547, %mul3A_2, %dma_start3A_548] : memref<13x4096x128xf32, #tpu.memory_space<hbm>> -> memref<1x128x64xf32, #tpu.memory_space<hbm>>
    %dma_start3A_550 = tpu.memref_squeeze %dma_start3A_549 : memref<1x128x64xf32, #tpu.memory_space<hbm>> -> memref<128x64xf32, #tpu.memory_space<hbm>>
    %dma_start3A_551 = arith.constant 0 : i32
    %dma_start3A_552 = tpu.memref_slice %arg4[%dma_start3A_547, %mul3A_2, %dma_start3A_551] : memref<13x4096x128xf32, #tpu.memory_space<hbm>> -> memref<1x128x64xf32, #tpu.memory_space<hbm>>
    %dma_start3A_553 = tpu.memref_squeeze %dma_start3A_552 : memref<1x128x64xf32, #tpu.memory_space<hbm>> -> memref<128x64xf32, #tpu.memory_space<hbm>>
    tpu.enqueue_dma source(%arg9 : memref<128x64xf32, #tpu.memory_space<vmem>>) target(%dma_start3A_553 : memref<128x64xf32, #tpu.memory_space<hbm>>) target_semaphore(%arg19 : memref<!tpu.dma_semaphore, #tpu.memory_space<semaphore_mem>>)
    %dma_wait3A_554 = arith.constant 9 : i32
    %dma_wait3A_555 = arith.constant 0 : i32
    %dma_wait3A_556 = tpu.memref_slice %arg4[%dma_wait3A_554, %mul3A_2, %dma_wait3A_555] : memref<13x4096x128xf32, #tpu.memory_space<hbm>> -> memref<1x128x64xf32, #tpu.memory_space<hbm>>
    %dma_wait3A_557 = tpu.memref_squeeze %dma_wait3A_556 : memref<1x128x64xf32, #tpu.memory_space<hbm>> -> memref<128x64xf32, #tpu.memory_space<hbm>>
    %dma_wait3A_558 = arith.constant 0 : i32
    %dma_wait3A_559 = tpu.memref_slice %arg4[%dma_wait3A_554, %mul3A_2, %dma_wait3A_558] : memref<13x4096x128xf32, #tpu.memory_space<hbm>> -> memref<1x128x64xf32, #tpu.memory_space<hbm>>
    %dma_wait3A_560 = tpu.memref_squeeze %dma_wait3A_559 : memref<1x128x64xf32, #tpu.memory_space<hbm>> -> memref<128x64xf32, #tpu.memory_space<hbm>>
    tpu.wait_dma2 semaphore(%arg19 : memref<!tpu.dma_semaphore, #tpu.memory_space<semaphore_mem>>) src(%arg9 : memref<128x64xf32, #tpu.memory_space<vmem>>) dst(%dma_wait3A_560 : memref<128x64xf32, #tpu.memory_space<hbm>>)
    %dma_start3A_561 = arith.constant 23 : i32
    %dma_start3A_562 = arith.constant 0 : i32
    %dma_start3A_563 = tpu.memref_slice %arg5[%dma_start3A_561, %dma_start3A_562] : memref<26x128xi32, #tpu.memory_space<vmem>> -> memref<1x128xi32, #tpu.memory_space<vmem>>
    %dma_start3A_564 = tpu.memref_squeeze %dma_start3A_563 : memref<1x128xi32, #tpu.memory_space<vmem>> -> memref<128xi32, #tpu.memory_space<vmem>>
    %dma_start3A_565 = arith.constant 0 : i32
    %dma_start3A_566 = arith.constant 0 : i32
    %dma_start3A_567 = tpu.memref_slice %arg3[%dma_start3A_565, %dma_start3A_566] : memref<200000x64xf32, #tpu.memory_space<hbm>> -> memref<200000x64xf32, #tpu.memory_space<hbm>>
    tpu.enqueue_indirect_dma source(%dma_start3A_567 : memref<200000x64xf32, #tpu.memory_space<hbm>>) target(%arg9 : memref<128x64xf32, #tpu.memory_space<vmem>>) offsets(%dma_start3A_564 : memref<128xi32, #tpu.memory_space<vmem>>) semaphore(%arg14 : memref<!tpu.dma_semaphore, #tpu.memory_space<semaphore_mem>>)
    %dma_wait3A_568 = arith.constant 19 : i32
    %dma_wait3A_569 = arith.constant 0 : i32
    %dma_wait3A_570 = tpu.memref_slice %arg5[%dma_wait3A_568, %dma_wait3A_569] : memref<26x128xi32, #tpu.memory_space<vmem>> -> memref<1x128xi32, #tpu.memory_space<vmem>>
    %dma_wait3A_571 = tpu.memref_squeeze %dma_wait3A_570 : memref<1x128xi32, #tpu.memory_space<vmem>> -> memref<128xi32, #tpu.memory_space<vmem>>
    %dma_wait3A_572 = arith.constant 0 : i32
    %dma_wait3A_573 = arith.constant 0 : i32
    %dma_wait3A_574 = tpu.memref_slice %arg3[%dma_wait3A_572, %dma_wait3A_573] : memref<200000x64xf32, #tpu.memory_space<hbm>> -> memref<200000x64xf32, #tpu.memory_space<hbm>>
    tpu.wait_indirect_dma semaphore(%arg15 : memref<!tpu.dma_semaphore, #tpu.memory_space<semaphore_mem>>) src(%dma_wait3A_574 : memref<200000x64xf32, #tpu.memory_space<hbm>>) dst(%arg10 : memref<128x64xf32, #tpu.memory_space<vmem>>)
    %dma_start3A_575 = arith.constant 9 : i32
    %dma_start3A_576 = arith.constant 64 : i32
    %dma_start3A_577 = tpu.memref_slice %arg4[%dma_start3A_575, %mul3A_2, %dma_start3A_576] : memref<13x4096x128xf32, #tpu.memory_space<hbm>> -> memref<1x128x64xf32, #tpu.memory_space<hbm>>
    %dma_start3A_578 = tpu.memref_squeeze %dma_start3A_577 : memref<1x128x64xf32, #tpu.memory_space<hbm>> -> memref<128x64xf32, #tpu.memory_space<hbm>>
    %dma_start3A_579 = arith.constant 64 : i32
    %dma_start3A_580 = tpu.memref_slice %arg4[%dma_start3A_575, %mul3A_2, %dma_start3A_579] : memref<13x4096x128xf32, #tpu.memory_space<hbm>> -> memref<1x128x64xf32, #tpu.memory_space<hbm>>
    %dma_start3A_581 = tpu.memref_squeeze %dma_start3A_580 : memref<1x128x64xf32, #tpu.memory_space<hbm>> -> memref<128x64xf32, #tpu.memory_space<hbm>>
    tpu.enqueue_dma source(%arg10 : memref<128x64xf32, #tpu.memory_space<vmem>>) target(%dma_start3A_581 : memref<128x64xf32, #tpu.memory_space<hbm>>) target_semaphore(%arg20 : memref<!tpu.dma_semaphore, #tpu.memory_space<semaphore_mem>>)
    %dma_wait3A_582 = arith.constant 9 : i32
    %dma_wait3A_583 = arith.constant 64 : i32
    %dma_wait3A_584 = tpu.memref_slice %arg4[%dma_wait3A_582, %mul3A_2, %dma_wait3A_583] : memref<13x4096x128xf32, #tpu.memory_space<hbm>> -> memref<1x128x64xf32, #tpu.memory_space<hbm>>
    %dma_wait3A_585 = tpu.memref_squeeze %dma_wait3A_584 : memref<1x128x64xf32, #tpu.memory_space<hbm>> -> memref<128x64xf32, #tpu.memory_space<hbm>>
    %dma_wait3A_586 = arith.constant 64 : i32
    %dma_wait3A_587 = tpu.memref_slice %arg4[%dma_wait3A_582, %mul3A_2, %dma_wait3A_586] : memref<13x4096x128xf32, #tpu.memory_space<hbm>> -> memref<1x128x64xf32, #tpu.memory_space<hbm>>
    %dma_wait3A_588 = tpu.memref_squeeze %dma_wait3A_587 : memref<1x128x64xf32, #tpu.memory_space<hbm>> -> memref<128x64xf32, #tpu.memory_space<hbm>>
    tpu.wait_dma2 semaphore(%arg20 : memref<!tpu.dma_semaphore, #tpu.memory_space<semaphore_mem>>) src(%arg10 : memref<128x64xf32, #tpu.memory_space<vmem>>) dst(%dma_wait3A_588 : memref<128x64xf32, #tpu.memory_space<hbm>>)
    %dma_start3A_589 = arith.constant 24 : i32
    %dma_start3A_590 = arith.constant 0 : i32
    %dma_start3A_591 = tpu.memref_slice %arg5[%dma_start3A_589, %dma_start3A_590] : memref<26x128xi32, #tpu.memory_space<vmem>> -> memref<1x128xi32, #tpu.memory_space<vmem>>
    %dma_start3A_592 = tpu.memref_squeeze %dma_start3A_591 : memref<1x128xi32, #tpu.memory_space<vmem>> -> memref<128xi32, #tpu.memory_space<vmem>>
    %dma_start3A_593 = arith.constant 0 : i32
    %dma_start3A_594 = arith.constant 0 : i32
    %dma_start3A_595 = tpu.memref_slice %arg3[%dma_start3A_593, %dma_start3A_594] : memref<200000x64xf32, #tpu.memory_space<hbm>> -> memref<200000x64xf32, #tpu.memory_space<hbm>>
    tpu.enqueue_indirect_dma source(%dma_start3A_595 : memref<200000x64xf32, #tpu.memory_space<hbm>>) target(%arg10 : memref<128x64xf32, #tpu.memory_space<vmem>>) offsets(%dma_start3A_592 : memref<128xi32, #tpu.memory_space<vmem>>) semaphore(%arg15 : memref<!tpu.dma_semaphore, #tpu.memory_space<semaphore_mem>>)
    %dma_wait3A_596 = arith.constant 20 : i32
    %dma_wait3A_597 = arith.constant 0 : i32
    %dma_wait3A_598 = tpu.memref_slice %arg5[%dma_wait3A_596, %dma_wait3A_597] : memref<26x128xi32, #tpu.memory_space<vmem>> -> memref<1x128xi32, #tpu.memory_space<vmem>>
    %dma_wait3A_599 = tpu.memref_squeeze %dma_wait3A_598 : memref<1x128xi32, #tpu.memory_space<vmem>> -> memref<128xi32, #tpu.memory_space<vmem>>
    %dma_wait3A_600 = arith.constant 0 : i32
    %dma_wait3A_601 = arith.constant 0 : i32
    %dma_wait3A_602 = tpu.memref_slice %arg3[%dma_wait3A_600, %dma_wait3A_601] : memref<200000x64xf32, #tpu.memory_space<hbm>> -> memref<200000x64xf32, #tpu.memory_space<hbm>>
    tpu.wait_indirect_dma semaphore(%arg11 : memref<!tpu.dma_semaphore, #tpu.memory_space<semaphore_mem>>) src(%dma_wait3A_602 : memref<200000x64xf32, #tpu.memory_space<hbm>>) dst(%arg6 : memref<128x64xf32, #tpu.memory_space<vmem>>)
    %dma_start3A_603 = arith.constant 10 : i32
    %dma_start3A_604 = arith.constant 0 : i32
    %dma_start3A_605 = tpu.memref_slice %arg4[%dma_start3A_603, %mul3A_2, %dma_start3A_604] : memref<13x4096x128xf32, #tpu.memory_space<hbm>> -> memref<1x128x64xf32, #tpu.memory_space<hbm>>
    %dma_start3A_606 = tpu.memref_squeeze %dma_start3A_605 : memref<1x128x64xf32, #tpu.memory_space<hbm>> -> memref<128x64xf32, #tpu.memory_space<hbm>>
    %dma_start3A_607 = arith.constant 0 : i32
    %dma_start3A_608 = tpu.memref_slice %arg4[%dma_start3A_603, %mul3A_2, %dma_start3A_607] : memref<13x4096x128xf32, #tpu.memory_space<hbm>> -> memref<1x128x64xf32, #tpu.memory_space<hbm>>
    %dma_start3A_609 = tpu.memref_squeeze %dma_start3A_608 : memref<1x128x64xf32, #tpu.memory_space<hbm>> -> memref<128x64xf32, #tpu.memory_space<hbm>>
    tpu.enqueue_dma source(%arg6 : memref<128x64xf32, #tpu.memory_space<vmem>>) target(%dma_start3A_609 : memref<128x64xf32, #tpu.memory_space<hbm>>) target_semaphore(%arg16 : memref<!tpu.dma_semaphore, #tpu.memory_space<semaphore_mem>>)
    %dma_wait3A_610 = arith.constant 10 : i32
    %dma_wait3A_611 = arith.constant 0 : i32
    %dma_wait3A_612 = tpu.memref_slice %arg4[%dma_wait3A_610, %mul3A_2, %dma_wait3A_611] : memref<13x4096x128xf32, #tpu.memory_space<hbm>> -> memref<1x128x64xf32, #tpu.memory_space<hbm>>
    %dma_wait3A_613 = tpu.memref_squeeze %dma_wait3A_612 : memref<1x128x64xf32, #tpu.memory_space<hbm>> -> memref<128x64xf32, #tpu.memory_space<hbm>>
    %dma_wait3A_614 = arith.constant 0 : i32
    %dma_wait3A_615 = tpu.memref_slice %arg4[%dma_wait3A_610, %mul3A_2, %dma_wait3A_614] : memref<13x4096x128xf32, #tpu.memory_space<hbm>> -> memref<1x128x64xf32, #tpu.memory_space<hbm>>
    %dma_wait3A_616 = tpu.memref_squeeze %dma_wait3A_615 : memref<1x128x64xf32, #tpu.memory_space<hbm>> -> memref<128x64xf32, #tpu.memory_space<hbm>>
    tpu.wait_dma2 semaphore(%arg16 : memref<!tpu.dma_semaphore, #tpu.memory_space<semaphore_mem>>) src(%arg6 : memref<128x64xf32, #tpu.memory_space<vmem>>) dst(%dma_wait3A_616 : memref<128x64xf32, #tpu.memory_space<hbm>>)
    %dma_start3A_617 = arith.constant 25 : i32
    %dma_start3A_618 = arith.constant 0 : i32
    %dma_start3A_619 = tpu.memref_slice %arg5[%dma_start3A_617, %dma_start3A_618] : memref<26x128xi32, #tpu.memory_space<vmem>> -> memref<1x128xi32, #tpu.memory_space<vmem>>
    %dma_start3A_620 = tpu.memref_squeeze %dma_start3A_619 : memref<1x128xi32, #tpu.memory_space<vmem>> -> memref<128xi32, #tpu.memory_space<vmem>>
    %dma_start3A_621 = arith.constant 0 : i32
    %dma_start3A_622 = arith.constant 0 : i32
    %dma_start3A_623 = tpu.memref_slice %arg3[%dma_start3A_621, %dma_start3A_622] : memref<200000x64xf32, #tpu.memory_space<hbm>> -> memref<200000x64xf32, #tpu.memory_space<hbm>>
    tpu.enqueue_indirect_dma source(%dma_start3A_623 : memref<200000x64xf32, #tpu.memory_space<hbm>>) target(%arg6 : memref<128x64xf32, #tpu.memory_space<vmem>>) offsets(%dma_start3A_620 : memref<128xi32, #tpu.memory_space<vmem>>) semaphore(%arg11 : memref<!tpu.dma_semaphore, #tpu.memory_space<semaphore_mem>>)
    %dma_wait3A_624 = arith.constant 21 : i32
    %dma_wait3A_625 = arith.constant 0 : i32
    %dma_wait3A_626 = tpu.memref_slice %arg5[%dma_wait3A_624, %dma_wait3A_625] : memref<26x128xi32, #tpu.memory_space<vmem>> -> memref<1x128xi32, #tpu.memory_space<vmem>>
    %dma_wait3A_627 = tpu.memref_squeeze %dma_wait3A_626 : memref<1x128xi32, #tpu.memory_space<vmem>> -> memref<128xi32, #tpu.memory_space<vmem>>
    %dma_wait3A_628 = arith.constant 0 : i32
    %dma_wait3A_629 = arith.constant 0 : i32
    %dma_wait3A_630 = tpu.memref_slice %arg3[%dma_wait3A_628, %dma_wait3A_629] : memref<200000x64xf32, #tpu.memory_space<hbm>> -> memref<200000x64xf32, #tpu.memory_space<hbm>>
    tpu.wait_indirect_dma semaphore(%arg12 : memref<!tpu.dma_semaphore, #tpu.memory_space<semaphore_mem>>) src(%dma_wait3A_630 : memref<200000x64xf32, #tpu.memory_space<hbm>>) dst(%arg7 : memref<128x64xf32, #tpu.memory_space<vmem>>)
    %dma_start3A_631 = arith.constant 10 : i32
    %dma_start3A_632 = arith.constant 64 : i32
    %dma_start3A_633 = tpu.memref_slice %arg4[%dma_start3A_631, %mul3A_2, %dma_start3A_632] : memref<13x4096x128xf32, #tpu.memory_space<hbm>> -> memref<1x128x64xf32, #tpu.memory_space<hbm>>
    %dma_start3A_634 = tpu.memref_squeeze %dma_start3A_633 : memref<1x128x64xf32, #tpu.memory_space<hbm>> -> memref<128x64xf32, #tpu.memory_space<hbm>>
    %dma_start3A_635 = arith.constant 64 : i32
    %dma_start3A_636 = tpu.memref_slice %arg4[%dma_start3A_631, %mul3A_2, %dma_start3A_635] : memref<13x4096x128xf32, #tpu.memory_space<hbm>> -> memref<1x128x64xf32, #tpu.memory_space<hbm>>
    %dma_start3A_637 = tpu.memref_squeeze %dma_start3A_636 : memref<1x128x64xf32, #tpu.memory_space<hbm>> -> memref<128x64xf32, #tpu.memory_space<hbm>>
    tpu.enqueue_dma source(%arg7 : memref<128x64xf32, #tpu.memory_space<vmem>>) target(%dma_start3A_637 : memref<128x64xf32, #tpu.memory_space<hbm>>) target_semaphore(%arg17 : memref<!tpu.dma_semaphore, #tpu.memory_space<semaphore_mem>>)
    %dma_wait3A_638 = arith.constant 22 : i32
    %dma_wait3A_639 = arith.constant 0 : i32
    %dma_wait3A_640 = tpu.memref_slice %arg5[%dma_wait3A_638, %dma_wait3A_639] : memref<26x128xi32, #tpu.memory_space<vmem>> -> memref<1x128xi32, #tpu.memory_space<vmem>>
    %dma_wait3A_641 = tpu.memref_squeeze %dma_wait3A_640 : memref<1x128xi32, #tpu.memory_space<vmem>> -> memref<128xi32, #tpu.memory_space<vmem>>
    %dma_wait3A_642 = arith.constant 0 : i32
    %dma_wait3A_643 = arith.constant 0 : i32
    %dma_wait3A_644 = tpu.memref_slice %arg3[%dma_wait3A_642, %dma_wait3A_643] : memref<200000x64xf32, #tpu.memory_space<hbm>> -> memref<200000x64xf32, #tpu.memory_space<hbm>>
    tpu.wait_indirect_dma semaphore(%arg13 : memref<!tpu.dma_semaphore, #tpu.memory_space<semaphore_mem>>) src(%dma_wait3A_644 : memref<200000x64xf32, #tpu.memory_space<hbm>>) dst(%arg8 : memref<128x64xf32, #tpu.memory_space<vmem>>)
    %dma_start3A_645 = arith.constant 11 : i32
    %dma_start3A_646 = arith.constant 0 : i32
    %dma_start3A_647 = tpu.memref_slice %arg4[%dma_start3A_645, %mul3A_2, %dma_start3A_646] : memref<13x4096x128xf32, #tpu.memory_space<hbm>> -> memref<1x128x64xf32, #tpu.memory_space<hbm>>
    %dma_start3A_648 = tpu.memref_squeeze %dma_start3A_647 : memref<1x128x64xf32, #tpu.memory_space<hbm>> -> memref<128x64xf32, #tpu.memory_space<hbm>>
    %dma_start3A_649 = arith.constant 0 : i32
    %dma_start3A_650 = tpu.memref_slice %arg4[%dma_start3A_645, %mul3A_2, %dma_start3A_649] : memref<13x4096x128xf32, #tpu.memory_space<hbm>> -> memref<1x128x64xf32, #tpu.memory_space<hbm>>
    %dma_start3A_651 = tpu.memref_squeeze %dma_start3A_650 : memref<1x128x64xf32, #tpu.memory_space<hbm>> -> memref<128x64xf32, #tpu.memory_space<hbm>>
    tpu.enqueue_dma source(%arg8 : memref<128x64xf32, #tpu.memory_space<vmem>>) target(%dma_start3A_651 : memref<128x64xf32, #tpu.memory_space<hbm>>) target_semaphore(%arg18 : memref<!tpu.dma_semaphore, #tpu.memory_space<semaphore_mem>>)
    %dma_wait3A_652 = arith.constant 23 : i32
    %dma_wait3A_653 = arith.constant 0 : i32
    %dma_wait3A_654 = tpu.memref_slice %arg5[%dma_wait3A_652, %dma_wait3A_653] : memref<26x128xi32, #tpu.memory_space<vmem>> -> memref<1x128xi32, #tpu.memory_space<vmem>>
    %dma_wait3A_655 = tpu.memref_squeeze %dma_wait3A_654 : memref<1x128xi32, #tpu.memory_space<vmem>> -> memref<128xi32, #tpu.memory_space<vmem>>
    %dma_wait3A_656 = arith.constant 0 : i32
    %dma_wait3A_657 = arith.constant 0 : i32
    %dma_wait3A_658 = tpu.memref_slice %arg3[%dma_wait3A_656, %dma_wait3A_657] : memref<200000x64xf32, #tpu.memory_space<hbm>> -> memref<200000x64xf32, #tpu.memory_space<hbm>>
    tpu.wait_indirect_dma semaphore(%arg14 : memref<!tpu.dma_semaphore, #tpu.memory_space<semaphore_mem>>) src(%dma_wait3A_658 : memref<200000x64xf32, #tpu.memory_space<hbm>>) dst(%arg9 : memref<128x64xf32, #tpu.memory_space<vmem>>)
    %dma_start3A_659 = arith.constant 11 : i32
    %dma_start3A_660 = arith.constant 64 : i32
    %dma_start3A_661 = tpu.memref_slice %arg4[%dma_start3A_659, %mul3A_2, %dma_start3A_660] : memref<13x4096x128xf32, #tpu.memory_space<hbm>> -> memref<1x128x64xf32, #tpu.memory_space<hbm>>
    %dma_start3A_662 = tpu.memref_squeeze %dma_start3A_661 : memref<1x128x64xf32, #tpu.memory_space<hbm>> -> memref<128x64xf32, #tpu.memory_space<hbm>>
    %dma_start3A_663 = arith.constant 64 : i32
    %dma_start3A_664 = tpu.memref_slice %arg4[%dma_start3A_659, %mul3A_2, %dma_start3A_663] : memref<13x4096x128xf32, #tpu.memory_space<hbm>> -> memref<1x128x64xf32, #tpu.memory_space<hbm>>
    %dma_start3A_665 = tpu.memref_squeeze %dma_start3A_664 : memref<1x128x64xf32, #tpu.memory_space<hbm>> -> memref<128x64xf32, #tpu.memory_space<hbm>>
    tpu.enqueue_dma source(%arg9 : memref<128x64xf32, #tpu.memory_space<vmem>>) target(%dma_start3A_665 : memref<128x64xf32, #tpu.memory_space<hbm>>) target_semaphore(%arg19 : memref<!tpu.dma_semaphore, #tpu.memory_space<semaphore_mem>>)
    %dma_wait3A_666 = arith.constant 24 : i32
    %dma_wait3A_667 = arith.constant 0 : i32
    %dma_wait3A_668 = tpu.memref_slice %arg5[%dma_wait3A_666, %dma_wait3A_667] : memref<26x128xi32, #tpu.memory_space<vmem>> -> memref<1x128xi32, #tpu.memory_space<vmem>>
    %dma_wait3A_669 = tpu.memref_squeeze %dma_wait3A_668 : memref<1x128xi32, #tpu.memory_space<vmem>> -> memref<128xi32, #tpu.memory_space<vmem>>
    %dma_wait3A_670 = arith.constant 0 : i32
    %dma_wait3A_671 = arith.constant 0 : i32
    %dma_wait3A_672 = tpu.memref_slice %arg3[%dma_wait3A_670, %dma_wait3A_671] : memref<200000x64xf32, #tpu.memory_space<hbm>> -> memref<200000x64xf32, #tpu.memory_space<hbm>>
    tpu.wait_indirect_dma semaphore(%arg15 : memref<!tpu.dma_semaphore, #tpu.memory_space<semaphore_mem>>) src(%dma_wait3A_672 : memref<200000x64xf32, #tpu.memory_space<hbm>>) dst(%arg10 : memref<128x64xf32, #tpu.memory_space<vmem>>)
    %dma_start3A_673 = arith.constant 12 : i32
    %dma_start3A_674 = arith.constant 0 : i32
    %dma_start3A_675 = tpu.memref_slice %arg4[%dma_start3A_673, %mul3A_2, %dma_start3A_674] : memref<13x4096x128xf32, #tpu.memory_space<hbm>> -> memref<1x128x64xf32, #tpu.memory_space<hbm>>
    %dma_start3A_676 = tpu.memref_squeeze %dma_start3A_675 : memref<1x128x64xf32, #tpu.memory_space<hbm>> -> memref<128x64xf32, #tpu.memory_space<hbm>>
    %dma_start3A_677 = arith.constant 0 : i32
    %dma_start3A_678 = tpu.memref_slice %arg4[%dma_start3A_673, %mul3A_2, %dma_start3A_677] : memref<13x4096x128xf32, #tpu.memory_space<hbm>> -> memref<1x128x64xf32, #tpu.memory_space<hbm>>
    %dma_start3A_679 = tpu.memref_squeeze %dma_start3A_678 : memref<1x128x64xf32, #tpu.memory_space<hbm>> -> memref<128x64xf32, #tpu.memory_space<hbm>>
    tpu.enqueue_dma source(%arg10 : memref<128x64xf32, #tpu.memory_space<vmem>>) target(%dma_start3A_679 : memref<128x64xf32, #tpu.memory_space<hbm>>) target_semaphore(%arg20 : memref<!tpu.dma_semaphore, #tpu.memory_space<semaphore_mem>>)
    %dma_wait3A_680 = arith.constant 25 : i32
    %dma_wait3A_681 = arith.constant 0 : i32
    %dma_wait3A_682 = tpu.memref_slice %arg5[%dma_wait3A_680, %dma_wait3A_681] : memref<26x128xi32, #tpu.memory_space<vmem>> -> memref<1x128xi32, #tpu.memory_space<vmem>>
    %dma_wait3A_683 = tpu.memref_squeeze %dma_wait3A_682 : memref<1x128xi32, #tpu.memory_space<vmem>> -> memref<128xi32, #tpu.memory_space<vmem>>
    %dma_wait3A_684 = arith.constant 0 : i32
    %dma_wait3A_685 = arith.constant 0 : i32
    %dma_wait3A_686 = tpu.memref_slice %arg3[%dma_wait3A_684, %dma_wait3A_685] : memref<200000x64xf32, #tpu.memory_space<hbm>> -> memref<200000x64xf32, #tpu.memory_space<hbm>>
    tpu.wait_indirect_dma semaphore(%arg11 : memref<!tpu.dma_semaphore, #tpu.memory_space<semaphore_mem>>) src(%dma_wait3A_686 : memref<200000x64xf32, #tpu.memory_space<hbm>>) dst(%arg6 : memref<128x64xf32, #tpu.memory_space<vmem>>)
    %dma_start3A_687 = arith.constant 12 : i32
    %dma_start3A_688 = arith.constant 64 : i32
    %dma_start3A_689 = tpu.memref_slice %arg4[%dma_start3A_687, %mul3A_2, %dma_start3A_688] : memref<13x4096x128xf32, #tpu.memory_space<hbm>> -> memref<1x128x64xf32, #tpu.memory_space<hbm>>
    %dma_start3A_690 = tpu.memref_squeeze %dma_start3A_689 : memref<1x128x64xf32, #tpu.memory_space<hbm>> -> memref<128x64xf32, #tpu.memory_space<hbm>>
    %dma_start3A_691 = arith.constant 64 : i32
    %dma_start3A_692 = tpu.memref_slice %arg4[%dma_start3A_687, %mul3A_2, %dma_start3A_691] : memref<13x4096x128xf32, #tpu.memory_space<hbm>> -> memref<1x128x64xf32, #tpu.memory_space<hbm>>
    %dma_start3A_693 = tpu.memref_squeeze %dma_start3A_692 : memref<1x128x64xf32, #tpu.memory_space<hbm>> -> memref<128x64xf32, #tpu.memory_space<hbm>>
    tpu.enqueue_dma source(%arg6 : memref<128x64xf32, #tpu.memory_space<vmem>>) target(%dma_start3A_693 : memref<128x64xf32, #tpu.memory_space<hbm>>) target_semaphore(%arg16 : memref<!tpu.dma_semaphore, #tpu.memory_space<semaphore_mem>>)
    %dma_wait3A_694 = arith.constant 12 : i32
    %dma_wait3A_695 = arith.constant 64 : i32
    %dma_wait3A_696 = tpu.memref_slice %arg4[%dma_wait3A_694, %mul3A_2, %dma_wait3A_695] : memref<13x4096x128xf32, #tpu.memory_space<hbm>> -> memref<1x128x64xf32, #tpu.memory_space<hbm>>
    %dma_wait3A_697 = tpu.memref_squeeze %dma_wait3A_696 : memref<1x128x64xf32, #tpu.memory_space<hbm>> -> memref<128x64xf32, #tpu.memory_space<hbm>>
    %dma_wait3A_698 = arith.constant 64 : i32
    %dma_wait3A_699 = tpu.memref_slice %arg4[%dma_wait3A_694, %mul3A_2, %dma_wait3A_698] : memref<13x4096x128xf32, #tpu.memory_space<hbm>> -> memref<1x128x64xf32, #tpu.memory_space<hbm>>
    %dma_wait3A_700 = tpu.memref_squeeze %dma_wait3A_699 : memref<1x128x64xf32, #tpu.memory_space<hbm>> -> memref<128x64xf32, #tpu.memory_space<hbm>>
    tpu.wait_dma2 semaphore(%arg16 : memref<!tpu.dma_semaphore, #tpu.memory_space<semaphore_mem>>) src(%arg6 : memref<128x64xf32, #tpu.memory_space<vmem>>) dst(%dma_wait3A_700 : memref<128x64xf32, #tpu.memory_space<hbm>>)
    %dma_wait3A_701 = arith.constant 10 : i32
    %dma_wait3A_702 = arith.constant 64 : i32
    %dma_wait3A_703 = tpu.memref_slice %arg4[%dma_wait3A_701, %mul3A_2, %dma_wait3A_702] : memref<13x4096x128xf32, #tpu.memory_space<hbm>> -> memref<1x128x64xf32, #tpu.memory_space<hbm>>
    %dma_wait3A_704 = tpu.memref_squeeze %dma_wait3A_703 : memref<1x128x64xf32, #tpu.memory_space<hbm>> -> memref<128x64xf32, #tpu.memory_space<hbm>>
    %dma_wait3A_705 = arith.constant 64 : i32
    %dma_wait3A_706 = tpu.memref_slice %arg4[%dma_wait3A_701, %mul3A_2, %dma_wait3A_705] : memref<13x4096x128xf32, #tpu.memory_space<hbm>> -> memref<1x128x64xf32, #tpu.memory_space<hbm>>
    %dma_wait3A_707 = tpu.memref_squeeze %dma_wait3A_706 : memref<1x128x64xf32, #tpu.memory_space<hbm>> -> memref<128x64xf32, #tpu.memory_space<hbm>>
    tpu.wait_dma2 semaphore(%arg17 : memref<!tpu.dma_semaphore, #tpu.memory_space<semaphore_mem>>) src(%arg7 : memref<128x64xf32, #tpu.memory_space<vmem>>) dst(%dma_wait3A_707 : memref<128x64xf32, #tpu.memory_space<hbm>>)
    %dma_wait3A_708 = arith.constant 11 : i32
    %dma_wait3A_709 = arith.constant 0 : i32
    %dma_wait3A_710 = tpu.memref_slice %arg4[%dma_wait3A_708, %mul3A_2, %dma_wait3A_709] : memref<13x4096x128xf32, #tpu.memory_space<hbm>> -> memref<1x128x64xf32, #tpu.memory_space<hbm>>
    %dma_wait3A_711 = tpu.memref_squeeze %dma_wait3A_710 : memref<1x128x64xf32, #tpu.memory_space<hbm>> -> memref<128x64xf32, #tpu.memory_space<hbm>>
    %dma_wait3A_712 = arith.constant 0 : i32
    %dma_wait3A_713 = tpu.memref_slice %arg4[%dma_wait3A_708, %mul3A_2, %dma_wait3A_712] : memref<13x4096x128xf32, #tpu.memory_space<hbm>> -> memref<1x128x64xf32, #tpu.memory_space<hbm>>
    %dma_wait3A_714 = tpu.memref_squeeze %dma_wait3A_713 : memref<1x128x64xf32, #tpu.memory_space<hbm>> -> memref<128x64xf32, #tpu.memory_space<hbm>>
    tpu.wait_dma2 semaphore(%arg18 : memref<!tpu.dma_semaphore, #tpu.memory_space<semaphore_mem>>) src(%arg8 : memref<128x64xf32, #tpu.memory_space<vmem>>) dst(%dma_wait3A_714 : memref<128x64xf32, #tpu.memory_space<hbm>>)
    %dma_wait3A_715 = arith.constant 11 : i32
    %dma_wait3A_716 = arith.constant 64 : i32
    %dma_wait3A_717 = tpu.memref_slice %arg4[%dma_wait3A_715, %mul3A_2, %dma_wait3A_716] : memref<13x4096x128xf32, #tpu.memory_space<hbm>> -> memref<1x128x64xf32, #tpu.memory_space<hbm>>
    %dma_wait3A_718 = tpu.memref_squeeze %dma_wait3A_717 : memref<1x128x64xf32, #tpu.memory_space<hbm>> -> memref<128x64xf32, #tpu.memory_space<hbm>>
    %dma_wait3A_719 = arith.constant 64 : i32
    %dma_wait3A_720 = tpu.memref_slice %arg4[%dma_wait3A_715, %mul3A_2, %dma_wait3A_719] : memref<13x4096x128xf32, #tpu.memory_space<hbm>> -> memref<1x128x64xf32, #tpu.memory_space<hbm>>
    %dma_wait3A_721 = tpu.memref_squeeze %dma_wait3A_720 : memref<1x128x64xf32, #tpu.memory_space<hbm>> -> memref<128x64xf32, #tpu.memory_space<hbm>>
    tpu.wait_dma2 semaphore(%arg19 : memref<!tpu.dma_semaphore, #tpu.memory_space<semaphore_mem>>) src(%arg9 : memref<128x64xf32, #tpu.memory_space<vmem>>) dst(%dma_wait3A_721 : memref<128x64xf32, #tpu.memory_space<hbm>>)
    %dma_wait3A_722 = arith.constant 12 : i32
    %dma_wait3A_723 = arith.constant 0 : i32
    %dma_wait3A_724 = tpu.memref_slice %arg4[%dma_wait3A_722, %mul3A_2, %dma_wait3A_723] : memref<13x4096x128xf32, #tpu.memory_space<hbm>> -> memref<1x128x64xf32, #tpu.memory_space<hbm>>
    %dma_wait3A_725 = tpu.memref_squeeze %dma_wait3A_724 : memref<1x128x64xf32, #tpu.memory_space<hbm>> -> memref<128x64xf32, #tpu.memory_space<hbm>>
    %dma_wait3A_726 = arith.constant 0 : i32
    %dma_wait3A_727 = tpu.memref_slice %arg4[%dma_wait3A_722, %mul3A_2, %dma_wait3A_726] : memref<13x4096x128xf32, #tpu.memory_space<hbm>> -> memref<1x128x64xf32, #tpu.memory_space<hbm>>
    %dma_wait3A_728 = tpu.memref_squeeze %dma_wait3A_727 : memref<1x128x64xf32, #tpu.memory_space<hbm>> -> memref<128x64xf32, #tpu.memory_space<hbm>>
    tpu.wait_dma2 semaphore(%arg20 : memref<!tpu.dma_semaphore, #tpu.memory_space<semaphore_mem>>) src(%arg10 : memref<128x64xf32, #tpu.memory_space<vmem>>) dst(%dma_wait3A_728 : memref<128x64xf32, #tpu.memory_space<hbm>>)
    return
  }
}

module attributes {stable_mosaic.version = 14 : i64} {
  func.func @body(%arg0: i32, %arg1: memref<64x12800xf32, #tpu.memory_space<vmem>>, %arg2: memref<12800x128xf32, #tpu.memory_space<vmem>>) attributes {dimension_semantics = [#tpu.dimension_semantics<arbitrary>], iteration_bounds = array<i64: 8>, scalar_prefetch = 0 : i64, scratch_operands = 0 : i64, tpu.core_type = #tpu.core_type<tc>, window_params = [{transform_indices = @transform_0, window_bounds = array<i64: 64, 12800>}, {transform_indices = @transform_1, window_bounds = array<i64: 12800, 128>}]} {
    %get3A = arith.constant 0 : index
    %get3A_0 = arith.constant 0 : index
    %get3A_1 = vector.load %arg1[%get3A, %get3A_0] : memref<64x12800xf32, #tpu.memory_space<vmem>>, vector<64x12800xf32>
    %transpose3A = tpu.transpose %get3A_1, [1, 0] : vector<64x12800xf32> -> vector<12800x64xf32>
    %concatenate3A = tpu.concatenate %transpose3A, %transpose3A in 1 : vector<12800x64xf32>, vector<12800x64xf32> -> vector<12800x128xf32>
    %swap3A = arith.constant 0 : index
    %swap3A_2 = arith.constant 0 : index
    %swap3A_3 = vector.load %arg2[%swap3A, %swap3A_2] : memref<12800x128xf32, #tpu.memory_space<vmem>>, vector<12800x128xf32>
    tpu.vector_store %arg2[%swap3A, %swap3A_2], %concatenate3A {strides = array<i32>} : memref<12800x128xf32, #tpu.memory_space<vmem>>, vector<12800x128xf32>,
    return
  }
  func.func @transform_0(%arg0: i32) -> (i32, i32) {
    %c0_i32 = arith.constant 0 : i32
    %c0_i32_0 = arith.constant 0 : i32
    return %c0_i32, %arg0 : i32, i32
  }
  func.func @transform_1(%arg0: i32) -> (i32, i32) {
    %c0_i32 = arith.constant 0 : i32
    %c0_i32_0 = arith.constant 0 : i32
    return %arg0, %c0_i32 : i32, i32
  }
}

module attributes {stable_mosaic.version = 14 : i64} {
  func.func @body(%arg0: i32, %arg1: memref<13x1024x128xf32, #tpu.memory_space<vmem>>, %arg2: memref<13x128x1024xbf16, #tpu.memory_space<vmem>>, %arg3: memref<1x1024xf32, #tpu.memory_space<vmem>>, %arg4: memref<1024x512xbf16, #tpu.memory_space<vmem>>, %arg5: memref<1x512xf32, #tpu.memory_space<vmem>>, %arg6: memref<512x256xbf16, #tpu.memory_space<vmem>>, %arg7: memref<1x256xf32, #tpu.memory_space<vmem>>, %arg8: memref<256x1xbf16, #tpu.memory_space<vmem>>, %arg9: memref<1x1xf32, #tpu.memory_space<vmem>>, %arg10: memref<1024x1xf32, #tpu.memory_space<vmem>>) attributes {dimension_semantics = [#tpu.dimension_semantics<arbitrary>], iteration_bounds = array<i64: 4>, scalar_prefetch = 0 : i64, scratch_operands = 0 : i64, tpu.core_type = #tpu.core_type<tc>, window_params = [{transform_indices = @transform_0, window_bounds = array<i64: 13, 1024, 128>}, {pipeline_mode = #tpu.pipeline_mode<synchronous>, transform_indices = @transform_1, window_bounds = array<i64: 13, 128, 1024>}, {pipeline_mode = #tpu.pipeline_mode<synchronous>, transform_indices = @transform_2, window_bounds = array<i64: 1, 1024>}, {pipeline_mode = #tpu.pipeline_mode<synchronous>, transform_indices = @transform_3, window_bounds = array<i64: 1024, 512>}, {pipeline_mode = #tpu.pipeline_mode<synchronous>, transform_indices = @transform_4, window_bounds = array<i64: 1, 512>}, {pipeline_mode = #tpu.pipeline_mode<synchronous>, transform_indices = @transform_5, window_bounds = array<i64: 512, 256>}, {pipeline_mode = #tpu.pipeline_mode<synchronous>, transform_indices = @transform_6, window_bounds = array<i64: 1, 256>}, {pipeline_mode = #tpu.pipeline_mode<synchronous>, transform_indices = @transform_7, window_bounds = array<i64: 256, 1>}, {pipeline_mode = #tpu.pipeline_mode<synchronous>, transform_indices = @transform_8, window_bounds = array<i64: 1, 1>}, {transform_indices = @transform_9, window_bounds = array<i64: 1024, 1>}]} {
    %get3A = arith.constant 0 : index
    %get3A_0 = arith.constant 0 : index
    %get3A_1 = arith.constant 0 : index
    %get3A_2 = vector.load %arg1[%get3A, %get3A_0, %get3A_1] : memref<13x1024x128xf32, #tpu.memory_space<vmem>>, vector<13x1024x128xf32>
    %convert_element_type3A = arith.truncf %get3A_2 : vector<13x1024x128xf32> to vector<13x1024x128xbf16>
    %slice3A = vector.extract_strided_slice %convert_element_type3A {offsets = [0, 0, 0], sizes = [1, 1024, 128], strides = [1, 1, 1]} : vector<13x1024x128xbf16> to vector<1x1024x128xbf16>
    %squeeze3A = vector.shape_cast %slice3A : vector<1x1024x128xbf16> to vector<1024x128xbf16>
    %get3A_3 = arith.constant 0 : index
    %get3A_4 = arith.constant 0 : index
    %get3A_5 = arith.constant 0 : index
    %get3A_6 = vector.load %arg2[%get3A_3, %get3A_4, %get3A_5] : memref<13x128x1024xbf16, #tpu.memory_space<vmem>>, vector<1x128x1024xbf16>
    %get3A_7 = vector.shape_cast %get3A_6 : vector<1x128x1024xbf16> to vector<128x1024xbf16>
    %dot_general3A = arith.constant dense<0.000000e+00> : vector<1024x1024xf32>
    %dot_general3A_8 = tpu.matmul %squeeze3A, %get3A_7, %dot_general3A {dimension_numbers = #tpu.dot_dimension_numbers<[1], [0], [0], [1], [0, 0, 1, 1], [], []>, transpose_lhs_hint = false} : vector<1024x128xbf16>, vector<128x1024xbf16>, vector<1024x1024xf32> -> vector<1024x1024xf32>
    %slice3A_9 = vector.extract_strided_slice %convert_element_type3A {offsets = [1, 0, 0], sizes = [1, 1024, 128], strides = [1, 1, 1]} : vector<13x1024x128xbf16> to vector<1x1024x128xbf16>
    %squeeze3A_10 = vector.shape_cast %slice3A_9 : vector<1x1024x128xbf16> to vector<1024x128xbf16>
    %get3A_11 = arith.constant 1 : index
    %get3A_12 = arith.constant 0 : index
    %get3A_13 = arith.constant 0 : index
    %get3A_14 = vector.load %arg2[%get3A_11, %get3A_12, %get3A_13] : memref<13x128x1024xbf16, #tpu.memory_space<vmem>>, vector<1x128x1024xbf16>
    %get3A_15 = vector.shape_cast %get3A_14 : vector<1x128x1024xbf16> to vector<128x1024xbf16>
    %dot_general3A_16 = arith.constant dense<0.000000e+00> : vector<1024x1024xf32>
    %dot_general3A_17 = tpu.matmul %squeeze3A_10, %get3A_15, %dot_general3A_16 {dimension_numbers = #tpu.dot_dimension_numbers<[1], [0], [0], [1], [0, 0, 1, 1], [], []>, transpose_lhs_hint = false} : vector<1024x128xbf16>, vector<128x1024xbf16>, vector<1024x1024xf32> -> vector<1024x1024xf32>
    %slice3A_18 = vector.extract_strided_slice %convert_element_type3A {offsets = [2, 0, 0], sizes = [1, 1024, 128], strides = [1, 1, 1]} : vector<13x1024x128xbf16> to vector<1x1024x128xbf16>
    %squeeze3A_19 = vector.shape_cast %slice3A_18 : vector<1x1024x128xbf16> to vector<1024x128xbf16>
    %get3A_20 = arith.constant 2 : index
    %get3A_21 = arith.constant 0 : index
    %get3A_22 = arith.constant 0 : index
    %get3A_23 = vector.load %arg2[%get3A_20, %get3A_21, %get3A_22] : memref<13x128x1024xbf16, #tpu.memory_space<vmem>>, vector<1x128x1024xbf16>
    %get3A_24 = vector.shape_cast %get3A_23 : vector<1x128x1024xbf16> to vector<128x1024xbf16>
    %dot_general3A_25 = arith.constant dense<0.000000e+00> : vector<1024x1024xf32>
    %dot_general3A_26 = tpu.matmul %squeeze3A_19, %get3A_24, %dot_general3A_25 {dimension_numbers = #tpu.dot_dimension_numbers<[1], [0], [0], [1], [0, 0, 1, 1], [], []>, transpose_lhs_hint = false} : vector<1024x128xbf16>, vector<128x1024xbf16>, vector<1024x1024xf32> -> vector<1024x1024xf32>
    %slice3A_27 = vector.extract_strided_slice %convert_element_type3A {offsets = [3, 0, 0], sizes = [1, 1024, 128], strides = [1, 1, 1]} : vector<13x1024x128xbf16> to vector<1x1024x128xbf16>
    %squeeze3A_28 = vector.shape_cast %slice3A_27 : vector<1x1024x128xbf16> to vector<1024x128xbf16>
    %get3A_29 = arith.constant 3 : index
    %get3A_30 = arith.constant 0 : index
    %get3A_31 = arith.constant 0 : index
    %get3A_32 = vector.load %arg2[%get3A_29, %get3A_30, %get3A_31] : memref<13x128x1024xbf16, #tpu.memory_space<vmem>>, vector<1x128x1024xbf16>
    %get3A_33 = vector.shape_cast %get3A_32 : vector<1x128x1024xbf16> to vector<128x1024xbf16>
    %dot_general3A_34 = arith.constant dense<0.000000e+00> : vector<1024x1024xf32>
    %dot_general3A_35 = tpu.matmul %squeeze3A_28, %get3A_33, %dot_general3A_34 {dimension_numbers = #tpu.dot_dimension_numbers<[1], [0], [0], [1], [0, 0, 1, 1], [], []>, transpose_lhs_hint = false} : vector<1024x128xbf16>, vector<128x1024xbf16>, vector<1024x1024xf32> -> vector<1024x1024xf32>
    %slice3A_36 = vector.extract_strided_slice %convert_element_type3A {offsets = [4, 0, 0], sizes = [1, 1024, 128], strides = [1, 1, 1]} : vector<13x1024x128xbf16> to vector<1x1024x128xbf16>
    %squeeze3A_37 = vector.shape_cast %slice3A_36 : vector<1x1024x128xbf16> to vector<1024x128xbf16>
    %get3A_38 = arith.constant 4 : index
    %get3A_39 = arith.constant 0 : index
    %get3A_40 = arith.constant 0 : index
    %get3A_41 = vector.load %arg2[%get3A_38, %get3A_39, %get3A_40] : memref<13x128x1024xbf16, #tpu.memory_space<vmem>>, vector<1x128x1024xbf16>
    %get3A_42 = vector.shape_cast %get3A_41 : vector<1x128x1024xbf16> to vector<128x1024xbf16>
    %dot_general3A_43 = arith.constant dense<0.000000e+00> : vector<1024x1024xf32>
    %dot_general3A_44 = tpu.matmul %squeeze3A_37, %get3A_42, %dot_general3A_43 {dimension_numbers = #tpu.dot_dimension_numbers<[1], [0], [0], [1], [0, 0, 1, 1], [], []>, transpose_lhs_hint = false} : vector<1024x128xbf16>, vector<128x1024xbf16>, vector<1024x1024xf32> -> vector<1024x1024xf32>
    %slice3A_45 = vector.extract_strided_slice %convert_element_type3A {offsets = [5, 0, 0], sizes = [1, 1024, 128], strides = [1, 1, 1]} : vector<13x1024x128xbf16> to vector<1x1024x128xbf16>
    %squeeze3A_46 = vector.shape_cast %slice3A_45 : vector<1x1024x128xbf16> to vector<1024x128xbf16>
    %get3A_47 = arith.constant 5 : index
    %get3A_48 = arith.constant 0 : index
    %get3A_49 = arith.constant 0 : index
    %get3A_50 = vector.load %arg2[%get3A_47, %get3A_48, %get3A_49] : memref<13x128x1024xbf16, #tpu.memory_space<vmem>>, vector<1x128x1024xbf16>
    %get3A_51 = vector.shape_cast %get3A_50 : vector<1x128x1024xbf16> to vector<128x1024xbf16>
    %dot_general3A_52 = arith.constant dense<0.000000e+00> : vector<1024x1024xf32>
    %dot_general3A_53 = tpu.matmul %squeeze3A_46, %get3A_51, %dot_general3A_52 {dimension_numbers = #tpu.dot_dimension_numbers<[1], [0], [0], [1], [0, 0, 1, 1], [], []>, transpose_lhs_hint = false} : vector<1024x128xbf16>, vector<128x1024xbf16>, vector<1024x1024xf32> -> vector<1024x1024xf32>
    %slice3A_54 = vector.extract_strided_slice %convert_element_type3A {offsets = [6, 0, 0], sizes = [1, 1024, 128], strides = [1, 1, 1]} : vector<13x1024x128xbf16> to vector<1x1024x128xbf16>
    %squeeze3A_55 = vector.shape_cast %slice3A_54 : vector<1x1024x128xbf16> to vector<1024x128xbf16>
    %get3A_56 = arith.constant 6 : index
    %get3A_57 = arith.constant 0 : index
    %get3A_58 = arith.constant 0 : index
    %get3A_59 = vector.load %arg2[%get3A_56, %get3A_57, %get3A_58] : memref<13x128x1024xbf16, #tpu.memory_space<vmem>>, vector<1x128x1024xbf16>
    %get3A_60 = vector.shape_cast %get3A_59 : vector<1x128x1024xbf16> to vector<128x1024xbf16>
    %dot_general3A_61 = arith.constant dense<0.000000e+00> : vector<1024x1024xf32>
    %dot_general3A_62 = tpu.matmul %squeeze3A_55, %get3A_60, %dot_general3A_61 {dimension_numbers = #tpu.dot_dimension_numbers<[1], [0], [0], [1], [0, 0, 1, 1], [], []>, transpose_lhs_hint = false} : vector<1024x128xbf16>, vector<128x1024xbf16>, vector<1024x1024xf32> -> vector<1024x1024xf32>
    %slice3A_63 = vector.extract_strided_slice %convert_element_type3A {offsets = [7, 0, 0], sizes = [1, 1024, 128], strides = [1, 1, 1]} : vector<13x1024x128xbf16> to vector<1x1024x128xbf16>
    %squeeze3A_64 = vector.shape_cast %slice3A_63 : vector<1x1024x128xbf16> to vector<1024x128xbf16>
    %get3A_65 = arith.constant 7 : index
    %get3A_66 = arith.constant 0 : index
    %get3A_67 = arith.constant 0 : index
    %get3A_68 = vector.load %arg2[%get3A_65, %get3A_66, %get3A_67] : memref<13x128x1024xbf16, #tpu.memory_space<vmem>>, vector<1x128x1024xbf16>
    %get3A_69 = vector.shape_cast %get3A_68 : vector<1x128x1024xbf16> to vector<128x1024xbf16>
    %dot_general3A_70 = arith.constant dense<0.000000e+00> : vector<1024x1024xf32>
    %dot_general3A_71 = tpu.matmul %squeeze3A_64, %get3A_69, %dot_general3A_70 {dimension_numbers = #tpu.dot_dimension_numbers<[1], [0], [0], [1], [0, 0, 1, 1], [], []>, transpose_lhs_hint = false} : vector<1024x128xbf16>, vector<128x1024xbf16>, vector<1024x1024xf32> -> vector<1024x1024xf32>
    %slice3A_72 = vector.extract_strided_slice %convert_element_type3A {offsets = [8, 0, 0], sizes = [1, 1024, 128], strides = [1, 1, 1]} : vector<13x1024x128xbf16> to vector<1x1024x128xbf16>
    %squeeze3A_73 = vector.shape_cast %slice3A_72 : vector<1x1024x128xbf16> to vector<1024x128xbf16>
    %get3A_74 = arith.constant 8 : index
    %get3A_75 = arith.constant 0 : index
    %get3A_76 = arith.constant 0 : index
    %get3A_77 = vector.load %arg2[%get3A_74, %get3A_75, %get3A_76] : memref<13x128x1024xbf16, #tpu.memory_space<vmem>>, vector<1x128x1024xbf16>
    %get3A_78 = vector.shape_cast %get3A_77 : vector<1x128x1024xbf16> to vector<128x1024xbf16>
    %dot_general3A_79 = arith.constant dense<0.000000e+00> : vector<1024x1024xf32>
    %dot_general3A_80 = tpu.matmul %squeeze3A_73, %get3A_78, %dot_general3A_79 {dimension_numbers = #tpu.dot_dimension_numbers<[1], [0], [0], [1], [0, 0, 1, 1], [], []>, transpose_lhs_hint = false} : vector<1024x128xbf16>, vector<128x1024xbf16>, vector<1024x1024xf32> -> vector<1024x1024xf32>
    %slice3A_81 = vector.extract_strided_slice %convert_element_type3A {offsets = [9, 0, 0], sizes = [1, 1024, 128], strides = [1, 1, 1]} : vector<13x1024x128xbf16> to vector<1x1024x128xbf16>
    %squeeze3A_82 = vector.shape_cast %slice3A_81 : vector<1x1024x128xbf16> to vector<1024x128xbf16>
    %get3A_83 = arith.constant 9 : index
    %get3A_84 = arith.constant 0 : index
    %get3A_85 = arith.constant 0 : index
    %get3A_86 = vector.load %arg2[%get3A_83, %get3A_84, %get3A_85] : memref<13x128x1024xbf16, #tpu.memory_space<vmem>>, vector<1x128x1024xbf16>
    %get3A_87 = vector.shape_cast %get3A_86 : vector<1x128x1024xbf16> to vector<128x1024xbf16>
    %dot_general3A_88 = arith.constant dense<0.000000e+00> : vector<1024x1024xf32>
    %dot_general3A_89 = tpu.matmul %squeeze3A_82, %get3A_87, %dot_general3A_88 {dimension_numbers = #tpu.dot_dimension_numbers<[1], [0], [0], [1], [0, 0, 1, 1], [], []>, transpose_lhs_hint = false} : vector<1024x128xbf16>, vector<128x1024xbf16>, vector<1024x1024xf32> -> vector<1024x1024xf32>
    %slice3A_90 = vector.extract_strided_slice %convert_element_type3A {offsets = [10, 0, 0], sizes = [1, 1024, 128], strides = [1, 1, 1]} : vector<13x1024x128xbf16> to vector<1x1024x128xbf16>
    %squeeze3A_91 = vector.shape_cast %slice3A_90 : vector<1x1024x128xbf16> to vector<1024x128xbf16>
    %get3A_92 = arith.constant 10 : index
    %get3A_93 = arith.constant 0 : index
    %get3A_94 = arith.constant 0 : index
    %get3A_95 = vector.load %arg2[%get3A_92, %get3A_93, %get3A_94] : memref<13x128x1024xbf16, #tpu.memory_space<vmem>>, vector<1x128x1024xbf16>
    %get3A_96 = vector.shape_cast %get3A_95 : vector<1x128x1024xbf16> to vector<128x1024xbf16>
    %dot_general3A_97 = arith.constant dense<0.000000e+00> : vector<1024x1024xf32>
    %dot_general3A_98 = tpu.matmul %squeeze3A_91, %get3A_96, %dot_general3A_97 {dimension_numbers = #tpu.dot_dimension_numbers<[1], [0], [0], [1], [0, 0, 1, 1], [], []>, transpose_lhs_hint = false} : vector<1024x128xbf16>, vector<128x1024xbf16>, vector<1024x1024xf32> -> vector<1024x1024xf32>
    %slice3A_99 = vector.extract_strided_slice %convert_element_type3A {offsets = [11, 0, 0], sizes = [1, 1024, 128], strides = [1, 1, 1]} : vector<13x1024x128xbf16> to vector<1x1024x128xbf16>
    %squeeze3A_100 = vector.shape_cast %slice3A_99 : vector<1x1024x128xbf16> to vector<1024x128xbf16>
    %get3A_101 = arith.constant 11 : index
    %get3A_102 = arith.constant 0 : index
    %get3A_103 = arith.constant 0 : index
    %get3A_104 = vector.load %arg2[%get3A_101, %get3A_102, %get3A_103] : memref<13x128x1024xbf16, #tpu.memory_space<vmem>>, vector<1x128x1024xbf16>
    %get3A_105 = vector.shape_cast %get3A_104 : vector<1x128x1024xbf16> to vector<128x1024xbf16>
    %dot_general3A_106 = arith.constant dense<0.000000e+00> : vector<1024x1024xf32>
    %dot_general3A_107 = tpu.matmul %squeeze3A_100, %get3A_105, %dot_general3A_106 {dimension_numbers = #tpu.dot_dimension_numbers<[1], [0], [0], [1], [0, 0, 1, 1], [], []>, transpose_lhs_hint = false} : vector<1024x128xbf16>, vector<128x1024xbf16>, vector<1024x1024xf32> -> vector<1024x1024xf32>
    %slice3A_108 = vector.extract_strided_slice %convert_element_type3A {offsets = [12, 0, 0], sizes = [1, 1024, 128], strides = [1, 1, 1]} : vector<13x1024x128xbf16> to vector<1x1024x128xbf16>
    %squeeze3A_109 = vector.shape_cast %slice3A_108 : vector<1x1024x128xbf16> to vector<1024x128xbf16>
    %get3A_110 = arith.constant 12 : index
    %get3A_111 = arith.constant 0 : index
    %get3A_112 = arith.constant 0 : index
    %get3A_113 = vector.load %arg2[%get3A_110, %get3A_111, %get3A_112] : memref<13x128x1024xbf16, #tpu.memory_space<vmem>>, vector<1x128x1024xbf16>
    %get3A_114 = vector.shape_cast %get3A_113 : vector<1x128x1024xbf16> to vector<128x1024xbf16>
    %dot_general3A_115 = arith.constant dense<0.000000e+00> : vector<1024x1024xf32>
    %dot_general3A_116 = tpu.matmul %squeeze3A_109, %get3A_114, %dot_general3A_115 {dimension_numbers = #tpu.dot_dimension_numbers<[1], [0], [0], [1], [0, 0, 1, 1], [], []>, transpose_lhs_hint = false} : vector<1024x128xbf16>, vector<128x1024xbf16>, vector<1024x1024xf32> -> vector<1024x1024xf32>
    %add3A = arith.addf %dot_general3A_8, %dot_general3A_17 : vector<1024x1024xf32>
    %add3A_117 = arith.addf %dot_general3A_26, %dot_general3A_35 : vector<1024x1024xf32>
    %add3A_118 = arith.addf %dot_general3A_44, %dot_general3A_53 : vector<1024x1024xf32>
    %add3A_119 = arith.addf %dot_general3A_62, %dot_general3A_71 : vector<1024x1024xf32>
    %add3A_120 = arith.addf %dot_general3A_80, %dot_general3A_89 : vector<1024x1024xf32>
    %add3A_121 = arith.addf %dot_general3A_98, %dot_general3A_107 : vector<1024x1024xf32>
    %add3A_122 = arith.addf %add3A, %add3A_117 : vector<1024x1024xf32>
    %add3A_123 = arith.addf %add3A_118, %add3A_119 : vector<1024x1024xf32>
    %add3A_124 = arith.addf %add3A_120, %add3A_121 : vector<1024x1024xf32>
    %add3A_125 = arith.addf %add3A_122, %add3A_123 : vector<1024x1024xf32>
    %add3A_126 = arith.addf %add3A_124, %dot_general3A_116 : vector<1024x1024xf32>
    %add3A_127 = arith.addf %add3A_125, %add3A_126 : vector<1024x1024xf32>
    %get3A_128 = arith.constant 0 : index
    %get3A_129 = arith.constant 0 : index
    %get3A_130 = vector.load %arg3[%get3A_128, %get3A_129] : memref<1x1024xf32, #tpu.memory_space<vmem>>, vector<1x1024xf32>
    %add3A_131 = vector.broadcast %get3A_130 : vector<1x1024xf32> to vector<1024x1024xf32>
    %add3A_132 = arith.addf %add3A_127, %add3A_131 : vector<1024x1024xf32>
    %max3A = arith.constant 0.000000e+00 : f32
    %max3A_133 = vector.broadcast %max3A : f32 to vector<1024x1024xf32>
    %max3A_134 = arith.maximumf %add3A_132, %max3A_133 : vector<1024x1024xf32>
    %convert_element_type3A_135 = arith.truncf %max3A_134 : vector<1024x1024xf32> to vector<1024x1024xbf16>
    %get3A_136 = arith.constant 0 : index
    %get3A_137 = arith.constant 0 : index
    %get3A_138 = vector.load %arg4[%get3A_136, %get3A_137] : memref<1024x512xbf16, #tpu.memory_space<vmem>>, vector<1024x512xbf16>
    %dot_general3A_139 = arith.constant dense<0.000000e+00> : vector<1024x512xf32>
    %dot_general3A_140 = tpu.matmul %convert_element_type3A_135, %get3A_138, %dot_general3A_139 {dimension_numbers = #tpu.dot_dimension_numbers<[1], [0], [0], [1], [0, 0, 1, 1], [], []>, transpose_lhs_hint = false} : vector<1024x1024xbf16>, vector<1024x512xbf16>, vector<1024x512xf32> -> vector<1024x512xf32>
    %get3A_141 = arith.constant 0 : index
    %get3A_142 = arith.constant 0 : index
    %get3A_143 = vector.load %arg5[%get3A_141, %get3A_142] : memref<1x512xf32, #tpu.memory_space<vmem>>, vector<1x512xf32>
    %add3A_144 = vector.broadcast %get3A_143 : vector<1x512xf32> to vector<1024x512xf32>
    %add3A_145 = arith.addf %dot_general3A_140, %add3A_144 : vector<1024x512xf32>
    %max3A_146 = arith.constant 0.000000e+00 : f32
    %max3A_147 = vector.broadcast %max3A_146 : f32 to vector<1024x512xf32>
    %max3A_148 = arith.maximumf %add3A_145, %max3A_147 : vector<1024x512xf32>
    %convert_element_type3A_149 = arith.truncf %max3A_148 : vector<1024x512xf32> to vector<1024x512xbf16>
    %get3A_150 = arith.constant 0 : index
    %get3A_151 = arith.constant 0 : index
    %get3A_152 = vector.load %arg6[%get3A_150, %get3A_151] : memref<512x256xbf16, #tpu.memory_space<vmem>>, vector<512x256xbf16>
    %dot_general3A_153 = arith.constant dense<0.000000e+00> : vector<1024x256xf32>
    %dot_general3A_154 = tpu.matmul %convert_element_type3A_149, %get3A_152, %dot_general3A_153 {dimension_numbers = #tpu.dot_dimension_numbers<[1], [0], [0], [1], [0, 0, 1, 1], [], []>, transpose_lhs_hint = false} : vector<1024x512xbf16>, vector<512x256xbf16>, vector<1024x256xf32> -> vector<1024x256xf32>
    %get3A_155 = arith.constant 0 : index
    %get3A_156 = arith.constant 0 : index
    %get3A_157 = vector.load %arg7[%get3A_155, %get3A_156] : memref<1x256xf32, #tpu.memory_space<vmem>>, vector<1x256xf32>
    %add3A_158 = vector.broadcast %get3A_157 : vector<1x256xf32> to vector<1024x256xf32>
    %add3A_159 = arith.addf %dot_general3A_154, %add3A_158 : vector<1024x256xf32>
    %max3A_160 = arith.constant 0.000000e+00 : f32
    %max3A_161 = vector.broadcast %max3A_160 : f32 to vector<1024x256xf32>
    %max3A_162 = arith.maximumf %add3A_159, %max3A_161 : vector<1024x256xf32>
    %convert_element_type3A_163 = arith.truncf %max3A_162 : vector<1024x256xf32> to vector<1024x256xbf16>
    %get3A_164 = arith.constant 0 : index
    %get3A_165 = arith.constant 0 : index
    %get3A_166 = vector.load %arg8[%get3A_164, %get3A_165] : memref<256x1xbf16, #tpu.memory_space<vmem>>, vector<256x1xbf16>
    %dot_general3A_167 = arith.constant dense<0.000000e+00> : vector<1024x1xf32>
    %dot_general3A_168 = tpu.matmul %convert_element_type3A_163, %get3A_166, %dot_general3A_167 {dimension_numbers = #tpu.dot_dimension_numbers<[1], [0], [0], [1], [0, 0, 1, 1], [], []>, transpose_lhs_hint = false} : vector<1024x256xbf16>, vector<256x1xbf16>, vector<1024x1xf32> -> vector<1024x1xf32>
    %get3A_169 = arith.constant 0 : index
    %get3A_170 = arith.constant 0 : index
    %get3A_171 = vector.load %arg9[%get3A_169, %get3A_170] : memref<1x1xf32, #tpu.memory_space<vmem>>, vector<1x1xf32>
    %add3A_172 = vector.broadcast %get3A_171 : vector<1x1xf32> to vector<1024x1xf32>
    %add3A_173 = arith.addf %dot_general3A_168, %add3A_172 : vector<1024x1xf32>
    %swap3A = arith.constant 0 : index
    %swap3A_174 = arith.constant 0 : index
    %swap3A_175 = vector.load %arg10[%swap3A, %swap3A_174] : memref<1024x1xf32, #tpu.memory_space<vmem>>, vector<1024x1xf32>
    tpu.vector_store %arg10[%swap3A, %swap3A_174], %add3A_173 {strides = array<i32>} : memref<1024x1xf32, #tpu.memory_space<vmem>>, vector<1024x1xf32>,
    return
  }
  func.func @transform_0(%arg0: i32) -> (i32, i32, i32) {
    %c0_i32 = arith.constant 0 : i32
    %c0_i32_0 = arith.constant 0 : i32
    %c0_i32_1 = arith.constant 0 : i32
    return %c0_i32, %arg0, %c0_i32_0 : i32, i32, i32
  }
  func.func @transform_1(%arg0: i32) -> (i32, i32, i32) {
    %c0_i32 = arith.constant 0 : i32
    %c0_i32_0 = arith.constant 0 : i32
    %c0_i32_1 = arith.constant 0 : i32
    %c0_i32_2 = arith.constant 0 : i32
    return %c0_i32, %c0_i32_0, %c0_i32_1 : i32, i32, i32
  }
  func.func @transform_2(%arg0: i32) -> (i32, i32) {
    %c0_i32 = arith.constant 0 : i32
    %c0_i32_0 = arith.constant 0 : i32
    %c0_i32_1 = arith.constant 0 : i32
    return %c0_i32, %c0_i32_0 : i32, i32
  }
  func.func @transform_3(%arg0: i32) -> (i32, i32) {
    %c0_i32 = arith.constant 0 : i32
    %c0_i32_0 = arith.constant 0 : i32
    %c0_i32_1 = arith.constant 0 : i32
    return %c0_i32, %c0_i32_0 : i32, i32
  }
  func.func @transform_4(%arg0: i32) -> (i32, i32) {
    %c0_i32 = arith.constant 0 : i32
    %c0_i32_0 = arith.constant 0 : i32
    %c0_i32_1 = arith.constant 0 : i32
    return %c0_i32, %c0_i32_0 : i32, i32
  }
  func.func @transform_5(%arg0: i32) -> (i32, i32) {
    %c0_i32 = arith.constant 0 : i32
    %c0_i32_0 = arith.constant 0 : i32
    %c0_i32_1 = arith.constant 0 : i32
    return %c0_i32, %c0_i32_0 : i32, i32
  }
  func.func @transform_6(%arg0: i32) -> (i32, i32) {
    %c0_i32 = arith.constant 0 : i32
    %c0_i32_0 = arith.constant 0 : i32
    %c0_i32_1 = arith.constant 0 : i32
    return %c0_i32, %c0_i32_0 : i32, i32
  }
  func.func @transform_7(%arg0: i32) -> (i32, i32) {
    %c0_i32 = arith.constant 0 : i32
    %c0_i32_0 = arith.constant 0 : i32
    %c0_i32_1 = arith.constant 0 : i32
    return %c0_i32, %c0_i32_0 : i32, i32
  }
  func.func @transform_8(%arg0: i32) -> (i32, i32) {
    %c0_i32 = arith.constant 0 : i32
    %c0_i32_0 = arith.constant 0 : i32
    %c0_i32_1 = arith.constant 0 : i32
    return %c0_i32, %c0_i32_0 : i32, i32
  }
  func.func @transform_9(%arg0: i32) -> (i32, i32) {
    %c0_i32 = arith.constant 0 : i32
    %c0_i32_0 = arith.constant 0 : i32
    return %arg0, %c0_i32 : i32, i32
  }
}

</mosaic_0001>

<sc_bundles>
// kernel: kernel.5.cloned.1.call-start
scs
__scs_entry_jumppad:
0x0: {  	(pc) =	sbr.rel $0x88, $3  }
0x1: {  	(tag) =	ssettag $0x0;
	lr =	simm.s32 $0x1  }
0x2: {  	[smem:$0x3F97] =	sst lr;
	_ =	strace $0xD0000000  }
0x3: {  	_ = 	snop  }
0x4: {  	_ = 	snop  }
0x5: {  	_ = 	snop  }
0x6: {  	_ = 	snop  }
0x7: {  	_ = 	snop  }
__scs_overlays_trampoline_lowered:
0x8: {  	[smem:$0x3FA6] =	sst s0  }
0x9: {  	[smem:$0x3FA7] =	sst s1  }
0xa: {  	[smem:$0x3FA8] =	sst s2  }
0xb: {  	[smem:$0x3FA9] =	sst s3  }
0xc: {  	[smem:$0x3FAA] =	sst s4  }
0xd: {  	[smem:$0x3FAB] =	sst s5  }
0xe: {  	[smem:$0x3FAC] =	sst s6  }
0xf: {  	[smem:$0x3FAD] =	sst s7  }
0x10: {  	[smem:$0x3FAE] =	sst s8  }
0x11: {  	[smem:$0x3FAF] =	sst s9;
	s0 =	simm.s32 @!p0 $0x0  }
0x12: {  	s1 =	sld [smem:$0x3F95];
	s0 =	simm.s32 @p0 $0x1  }
0x13: {  	[smem:$0x3FB0] =	sst s0;
	s0 =	simm.s32 @!p1 $0x0  }
0x14: {  	s2 =	sld [smem:$0x3F94];
	s0 =	simm.s32 @p1 $0x1  }
0x15: {  	[smem:$0x3FB1] =	sst s0;
	s0 =	simm.s32 @!p2 $0x0  }
0x16: {  	s3 =	sld [smem:$0x3FDB];
	s0 =	simm.s32 @p2 $0x1  }
0x17: {  	s4 =	simm.s32 $0x1BF5;
	[smem:$0x3FB3] =	sst s0  }
0x18: {  	s0 =	sld [smem:$0x3F96];
	_ =	swait.ge [sflag:s4], $0x0  }
0x19: {  	s7 =	sld [smem:$0x3F97]  }
0x1a: {  	s8 =	sadd.s32 $0xFFFFE003, lr  }
0x1b: {  	s9 =	sadd.s32 $0xFFFFFEF7, lr;
	s5 =	simm.s32 $0xFFFFFFFF;
	p2 =	slt.u32 s8, $0xFFFFF086  }
0x1c: {  	p1 =	slt.u32 s9, $0xF7A;
	s5 =	simm.s32 @!p2 $0x0  }
0x1d: {  	s5 =	simm.s32 @p1 $0x1;
	p0 =	seq.s32 s7, s2  }
0x1e: {  	s7 =	smul.u32 @!p0 $0xF7A, s2;
	p2 =	seq.s32 @!p0 s5, $0x0  }
0x1f: {  	s9 =	smul.u32 $0xF7A, s1;
	s8 =	simm.s32 @!p0 $0x1BF5;
	p2 =	por !p2, p0  }
0x20: {  	[sflag:s8] =	ssyncset.s32 @!p0 $0xFFFFF086;
	s6 =	sadd.s32 @!p0 s3, s7;
	s7 =	simm.s32 @!p0 $0x108  }
0x21: {  	s3 =	sadd.s32 s3, s9;
	s6 =	sadd.s32 @!p0 $0x88, s6;
	s7 =	simm.s32 @p2 $0x1082  }
0x22: {  	[simem:s7], [sflag:s8] =	dma.local @!p0 [hbm:s6], $0xF7A  }
0x23: {  	s9 =	sor.u32 $0xD0000000, s2;
	s6 =	simm.s32 $0x108;
	_ =	swait.ge @!p0 [sflag:s8], $0x0  }
0x24: {  	s3 =	sadd.s32 $0x88, s3;
	s6 =	simm.s32 @!p1 $0x1082;
	[sflag:s4] =	ssyncset.s32 $0xFFFFF086  }
0x25: {  	[simem:s6], [sflag:s4] =	dma.local [hbm:s3], $0xF7A  }
0x26: {  	[smem:$0x3F97] =	sst s1;
	(tag) =	ssettag s2;
	_ =	strace s9  }
0x27: {  	s1 =	sld [smem:$0x3FA7]  }
0x28: {  	s2 =	sld [smem:$0x3FA8]  }
0x29: {  	s4 =	sld [smem:$0x3FAA]  }
0x2a: {  	p0 =	seq.s32 s5, $0x0;
	s5 =	sld [smem:$0x3FAB]  }
0x2b: {  	s6 =	sld [smem:$0x3FAC]  }
0x2c: {  	s7 =	sld [smem:$0x3FAD]  }
0x2d: {  	s3 =	simm.s32 $0x108;
	s8 =	sld [smem:$0x3FAE]  }
0x2e: {  	s3 =	simm.s32 @!p0 $0x1082;
	s9 =	sld [smem:$0x3FAF]  }
0x2f: {  	lr =	sadd.s32 s0, s3;
	s0 =	sld [smem:$0x3FA6]  }
0x30: {  	s3 =	sld [smem:$0x3FA9]  }
0x31: {  	[smem:$0x3FB2] =	sst s10  }
0x32: {  	s10 =	sld [smem:$0x3FB0];
	_ =	sdelay $0x3  }
0x33: {  	p0 =	seq.s32 s10, $0x1;
	s10 =	sld [smem:$0x3FB2];
	_ =	sdelay $0x3  }
0x34: {  	[smem:$0x3FB2] =	sst s10  }
0x35: {  	s10 =	sld [smem:$0x3FB1];
	_ =	sdelay $0x3  }
0x36: {  	p1 =	seq.s32 s10, $0x1;
	s10 =	sld [smem:$0x3FB2];
	_ =	sdelay $0x3  }
0x37: {  	[smem:$0x3FB2] =	sst s10  }
0x38: {  	s10 =	sld [smem:$0x3FB3]  }
0x39: {  	_ = 	snop;
	(pc) =	sbr.ind lr, $3  }
0x3a: {  	_ = 	snop  }
0x3b: {  	_ = 	snop  }
0x3c: {  	p2 =	seq.s32 s10, $0x1;
	s10 =	sld [smem:$0x3FB2]  }
0x3d: {  	_ =	shalt  }
0x3e: {  	_ =	shalt  }
0x3f: {  	_ =	shalt  }
0x40: {  	_ =	shalt  }
0x41: {  	_ =	shalt  }
0x42: {  	_ =	shalt  }
0x43: {  	_ =	shalt  }
0x44: {  	_ =	shalt  }
0x45: {  	_ =	shalt  }
0x46: {  	_ =	shalt  }
0x47: {  	_ =	shalt  }
0x48: {  	_ =	shalt  }
0x49: {  	_ =	shalt  }
0x4a: {  	_ =	shalt  }
0x4b: {  	_ =	shalt  }
0x4c: {  	_ =	shalt  }
0x4d: {  	_ =	shalt  }
0x4e: {  	_ =	shalt  }
0x4f: {  	_ =	shalt  }
0x50: {  	_ =	shalt  }
0x51: {  	_ =	shalt  }
0x52: {  	_ =	shalt  }
0x53: {  	_ =	shalt  }
0x54: {  	_ =	shalt  }
0x55: {  	_ =	shalt  }
0x56: {  	_ =	shalt  }
0x57: {  	_ =	shalt  }
0x58: {  	_ =	shalt  }
0x59: {  	_ =	shalt  }
0x5a: {  	_ =	shalt  }
0x5b: {  	_ =	shalt  }
0x5c: {  	_ =	shalt  }
0x5d: {  	_ =	shalt  }
0x5e: {  	_ =	shalt  }
0x5f: {  	_ =	shalt  }
0x60: {  	_ =	shalt  }
0x61: {  	_ =	shalt  }
0x62: {  	_ =	shalt  }
0x63: {  	_ =	shalt  }
0x64: {  	_ =	shalt  }
0x65: {  	_ =	shalt  }
0x66: {  	_ =	shalt  }
0x67: {  	_ =	shalt  }
0x68: {  	_ =	shalt  }
0x69: {  	_ =	shalt  }
0x6a: {  	_ =	shalt  }
0x6b: {  	_ =	shalt  }
0x6c: {  	_ =	shalt  }
0x6d: {  	_ =	shalt  }
0x6e: {  	_ =	shalt  }
0x6f: {  	_ =	shalt  }
0x70: {  	_ =	shalt  }
0x71: {  	_ =	shalt  }
0x72: {  	_ =	shalt  }
0x73: {  	_ =	shalt  }
0x74: {  	_ =	shalt  }
0x75: {  	_ =	shalt  }
0x76: {  	_ =	shalt  }
0x77: {  	_ =	shalt  }
0x78: {  	_ =	shalt  }
0x79: {  	_ =	shalt  }
0x7a: {  	_ =	shalt  }
0x7b: {  	_ =	shalt  }
0x7c: {  	_ =	shalt  }
0x7d: {  	_ =	shalt  }
0x7e: {  	_ =	shalt  }
0x7f: {  	_ =	shalt  }
0x80: {  	_ =	shalt  }
0x81: {  	_ =	shalt  }
0x82: {  	_ =	shalt  }
0x83: {  	_ =	shalt  }
0x84: {  	_ =	shalt  }
0x85: {  	_ =	shalt  }
0x86: {  	_ =	shalt  }
0x87: {  	_ =	shalt  }
.Lfunc_end0:
.L_simem_size_0:
called_computation_lowered:
.L_overlay_start_0:
0x88: {  	s2 =	sld [smem:$0x3FD9]  }
0x89: {  	s3 =	sld [smem:$0x3FFE];
	_ =	sdelay $0x1  }
0x8a: {  	s1 =	srdreg.scid  }
0x8b: {  	s0 =	sand.u32 $0x1, s1  }
0x8c: {  	s16 =	sshll.u32 s0, $0xA;
	s2 =	sadd.s32 s3, s2  }
0x8d: {  	s2 =	sadd.s32 s2, s16  }
0x8e: {  	[smem:$0x3FBE] =	sst s2  }
0x8f: {  	_ = 	snop  }
0x90: {  	(tm) =	ssettm $0x1  }
0x91: {  	s17 =	sld [smem:$0x3FFB];
	_ =	sdelay $0x3  }
0x92: {  	_ =	strace s17  }
0x93: {  	s2 =	sld [smem:$0x3FFC];
	_ =	sdelay $0x3  }
0x94: {  	_ =	strace s2  }
0x95: {  	s2 =	sld [smem:$0x3FFD];
	_ =	sdelay $0x3  }
0x96: {  	_ =	strace s2  }
0x97: {  	_ =	strace $0x8FFFFFFF  }
0x98: {  	s18 =	sld [smem:$0x3FDB];
	_ =	sdelay $0x1  }
0x99: {  	s19 =	simm.s32 $_scs_section_size  }
0x9a: {  	s4 =	simm.s32 $_size__tile_overlayer_lowered;
	s5 =	simm.s32 $_tile_overlayer_lowered  }
0x9b: {  	s22 =	simm.s32 $0x1BFF;
	s21 =	sshll.u32 s5, $0x1;
	s2 =	sadd.s32 s19, s18  }
0x9c: {  	s6 =	simm.s32 $0x0;
	s20 =	sshll.u32 s4, $0x1;
	s4 =	sadd.s32 s21, s2  }
0x9d: {  	[timem:s6], [sflag:s22] =	dma.local [hbm:s4], s20  }
0x9e: {  	_ =	swait.ge [sflag:s22], s20  }
0x9f: {  	s3 =	ssub.s32 $0x0, s20;
	[sflag:s22] =	ssyncset.done $0x0  }
0xa0: {  	[sflag:s22] =	ssyncadd.s32 s3;
	_ =	sdelay $0x1  }
0xa1: {  	s23 =	simm.s32 $0x1B8B  }
0xa2: {  	_ =	swait.ge [sflag:s23], $0x1  }
0xa3: {  	[sflag:s23] =	ssyncset.done $0x0  }
0xa4: {  	s25 =	simm.s32 $0x1B8E;
	s24 =	sld [smem:$0x3FFE];
	[sflag:s23] =	ssyncadd.s32 $0xFFFFFFFF  }
0xa5: {  	s26 =	simm.s32 $execute0_lowered;
	[smem:$0x3FD2] =	sst s25  }
0xa6: {  	s4 =	sshll.u32 s26, $0x1;
	_ =	strace $0x80000046;
	[dreg:$0x1] =	wrdreg $0xFFFFFFFF  }
0xa7: {  	s28 =	simm.s32 $_size_execute0_lowered;
	s2 =	sadd.s32 s2, s4;
	[dreg:$0x0] =	wrdreg $0x0  }
0xa8: {  	s4 =	sshll.u32 s28, $0x1;
	[dreg:$0x2] =	wrdreg s2  }
0xa9: {  	[dreg:$0x3] =	wrdreg s4  }
0xaa: {  	[dreg:$0x4] =	wrdreg $0xC0  }
0xab: {  	_ =	task [dreg:s6], $0x5FFFF  }
0xac: {  	[dreg:$0x1] =	wrdreg $0xFFFFFFFF  }
0xad: {  	[dreg:$0x0] =	wrdreg $0x60  }
0xae: {  	[dreg:$0x2] =	wrdreg s24  }
0xaf: {  	[dreg:$0x3] =	wrdreg $0x9  }
0xb0: {  	_ =	task.clear_ibuf [dreg:s6], $0x4FFFF;
	_ =	strace $0x90000046  }
0xb1: {  	s29 =	simm.s32 $0x9;
	_ =	strace $0x80000048  }
0xb2: {  	_ =	swait.ge [sflag:s29], $0x1  }
0xb3: {  	[sflag:s29] =	ssyncadd.s32 $0xFFFFFFFF  }
0xb4: {  	_ =	strace $0x90000048  }
0xb5: {  	_ =	sfence  }
0xb6: {  	s30 =	sld [smem:$0x0];
	_ =	sdelay $0x2  }
0xb7: {  	s31 =	sshll.u32 s1, $0xD;
	s1 =	sshrl.u32 s1, $0x2  }
0xb8: {  	s3 =	sand.u32 $0x4000, s31;
	s1 =	sadd.s32 s1, s30  }
0xb9: {  	s0 =	sor.u32 s3, s0;
	s1 =	sshll.u32 s1, $0x11  }
0xba: {  	s0 =	sor.u32 s1, s0  }
0xbb: {  	s0 =	sadd.s32 $0x8F2B, s0  }
0xbc: {  	[sflag:s0] =	ssyncadd.remote.s32 $0x1  }
0xbd: {  	_ =	sfence.sel $0xFFFF  }
0xbe: {  	[dreg:$0x0] =	wrdreg $0xFFFFFFFF;
	(pc) =	sbr.abs _section_cstart, $3  }
0xbf: {  	[dreg:$0x1] =	wrdreg $0xFFFFFFFF  }
0xc0: {  	_ =	task.clear_ibuf [dreg:s6], $0x2FFFF;
	_ =	strace $0x9FFFFFFF  }
0xc1: {  	(tm) =	ssettm $0x7FFFFFFF  }
tec
execute0_lowered:
.L_overlay_start_1:
0x0: {  	(tag) =	ssettag $0x1  }
0x1: {  	s0 =	srdreg.scid  }
0x2: {  	s20 =	stileid.u32;
	s1 =	sand.u32 $0x1, s0  }
0x3: {  	s4 =	sshll.u32 s20, $0x8;
	s2 =	sshll.u32 s1, $0x7  }
0x4: {  	s0 =	sor.u32 s2, s4  }
0x5: {  	s3 =	rddreg [dreg:$0x0];
	s2 =	sshrl.u32 s0, $0x3  }
0x6: {  	s30 =	simm.s32 $0x0;
	s0 =	sshll.u32 s0, $0x4;
	s2 =	sadd.s32 s2, s3  }
0x7: {  	[smem:$0x7FF] =	sst s30;
	s0 =	sadd.s32 s0, s3;
	s2 =	sadd.s32 $0x188400, s2  }
0x8: {  	_ =	strace $0x80000047;
	s5 =	sadd.s32 $0x18B800, s0;
	[dreg:$0x2] =	wrdreg s2  }
0x9: {  	s6 =	sadd.s32 $0x18B808, s0;
	[dreg:$0x3] =	wrdreg s5  }
0xa: {  	s7 =	sadd.s32 $0x19B800, s0;
	[dreg:$0x4] =	wrdreg s6  }
0xb: {  	s8 =	sadd.s32 $0x19B808, s0;
	[dreg:$0x5] =	wrdreg s7  }
0xc: {  	s9 =	sadd.s32 $0x1AB800, s0;
	[dreg:$0x6] =	wrdreg s8  }
0xd: {  	s10 =	sadd.s32 $0x1AB808, s0;
	[dreg:$0x7] =	wrdreg s9  }
0xe: {  	s11 =	sadd.s32 $0x1BB800, s0;
	[dreg:$0x8] =	wrdreg s10  }
0xf: {  	s12 =	sadd.s32 $0x1BB808, s0;
	[dreg:$0x9] =	wrdreg s11  }
0x10: {  	s13 =	sadd.s32 $0x1CB800, s0;
	[dreg:$0xa] =	wrdreg s12  }
0x11: {  	s14 =	sadd.s32 $0x1CB808, s0;
	[dreg:$0xb] =	wrdreg s13  }
0x12: {  	s15 =	sadd.s32 $0x1DB800, s0;
	[dreg:$0xc] =	wrdreg s14  }
0x13: {  	s16 =	sadd.s32 $0x1DB808, s0;
	[dreg:$0xd] =	wrdreg s15  }
0x14: {  	s17 =	sadd.s32 $0x1EB800, s0;
	[dreg:$0xe] =	wrdreg s16  }
0x15: {  	s18 =	sadd.s32 $0x1EB808, s0;
	[dreg:$0xf] =	wrdreg s17  }
0x16: {  	s19 =	sadd.s32 $0x1FB800, s0;
	[dreg:$0x10] =	wrdreg s18  }
0x17: {  	s21 =	sadd.s32 $0x1FB808, s0;
	[dreg:$0x11] =	wrdreg s19  }
0x18: {  	s22 =	sadd.s32 $0x20B800, s0;
	[dreg:$0x12] =	wrdreg s21  }
0x19: {  	s31 =	simm.s32 $0xB;
	s23 =	sadd.s32 $0x20B808, s0;
	[dreg:$0x13] =	wrdreg s22  }
0x1a: {  	s29 =	simm.s32 $0x900;
	s24 =	sadd.s32 $0x21B800, s0;
	[dreg:$0x14] =	wrdreg s23  }
0x1b: {  	s28 =	simm.s32 $0x980;
	s25 =	sadd.s32 $0x21B808, s0;
	[dreg:$0x15] =	wrdreg s24  }
0x1c: {  	p0 =	por $0x0, $0x0;
	s26 =	sadd.s32 $0x22B800, s0;
	[dreg:$0x16] =	wrdreg s25  }
0x1d: {  	s1 =	ssub.s32 $0x2, s1;
	s4 =	sadd.s32 $0x22B808, s0;
	[dreg:$0x17] =	wrdreg s26  }
0x1e: {  	[dreg:$0x18] =	wrdreg s4;
	s5 =	sadd.s32 $0x23B800, s0;
	s4 =	sadd.s32 $0x1A00, s3  }
0x1f: {  	s6 =	sadd.s32 $0x23B808, s0;
	s7 =	sadd.s32 $0x24B800, s0;
	s8 =	sshrl.u32 s1, $0x1  }
0x20: {  	s0 =	sadd.s32 $0x24B808, s0;
	s9 =	simm.s32 $0x1000;
	[dreg:$0x19] =	wrdreg s5  }
0x21: {  	s2 =	simm.s32 $0x80;
	s3 =	simm.s32 $0xD00;
	[dreg:$0x1a] =	wrdreg s6  }
0x22: {  	s10 =	simm.s32 $0x100;
	s12 =	simm.s32 $0x2D00;
	[dreg:$0x1b] =	wrdreg s7  }
0x23: {  	s11 =	simm.s32 $0x180;
	s13 =	simm.s32 $0x200;
	[dreg:$0x1c] =	wrdreg s0  }
0x24: {  	s14 =	simm.s32 $0x280;
	s15 =	simm.s32 $0x300;
	[dreg:$0x1d] =	wrdreg s9  }
0x25: {  	s16 =	simm.s32 $0x380;
	s17 =	simm.s32 $0x400;
	[dreg:$0x1e] =	wrdreg s10  }
0x26: {  	s18 =	simm.s32 $0x480;
	s19 =	simm.s32 $0x500;
	[dreg:$0x1f] =	wrdreg s11  }
0x27: {  	s21 =	simm.s32 $0x580;
	s22 =	simm.s32 $0x600;
	[smem:$0x7F1] =	sst s13  }
0x28: {  	s23 =	simm.s32 $0x680;
	s24 =	simm.s32 $0x700;
	[smem:$0x7F2] =	sst s14  }
0x29: {  	s25 =	simm.s32 $0x780;
	s26 =	simm.s32 $0x800;
	[smem:$0x7F3] =	sst s15  }
0x2a: {  	s1 =	ssub.s32 s1, s8;
	s10 =	simm.s32 $0x4D00;
	[smem:$0x7F4] =	sst s16  }
0x2b: {  	s9 =	simm.s32 $0x6D00;
	s6 =	simm.s32 $0x8D00;
	[smem:$0x7F5] =	sst s17  }
0x2c: {  	s5 =	simm.s32 $0x1;
	s7 =	simm.s32 $0x40;
	[smem:$0x7F6] =	sst s18  }
0x2d: {  	s8 =	simm.s32 $0x6;
	s16 =	simm.s32 $0x2;
	[smem:$0x7F7] =	sst s19  }
0x2e: {  	s11 =	simm.s32 $0x7;
	s17 =	simm.s32 $0x3;
	[smem:$0x7F8] =	sst s21  }
0x2f: {  	s13 =	simm.s32 $0x8;
	[smem:$0x7F9] =	sst s22;
	s1 =	smax.u32 s1, $0x1  }
0x30: {  	s18 =	simm.s32 $0x4;
	[smem:$0x7FA] =	sst s23;
	p1 =	sne.s32 s1, $0x1  }
.Ltmp0:
0x31: {  	s14 =	simm.s32 $0x9;
	[smem:$0x7FB] =	sst s24;
	(pc) =	sbr.rel @!p1 .LBB2_1-.Ltmp0, $4  }
0x32: {  	s19 =	simm.s32 $0x5;
	[smem:$0x7FC] =	sst s25;
	s15 =	simm.s32 $0xA  }
0x33: {  	[smem:$0x7FD] =	sst s26;
	s26 =	simm.s32 $0xA00;
	s25 =	simm.s32 $0xA80  }
0x34: {  	s24 =	simm.s32 $0xB00;
	s23 =	simm.s32 $0xB80;
	s22 =	simm.s32 $0xC00  }
0x35: {  	s21 =	simm.s32 $0xC80;
	s0 =	rddreg [dreg:$0x2];
	s1 =	sadd.s32 $0xFFFFFFFF, s1  }
0x36: {  	s20 =	smov.u32 s1;
	s1 =	rddreg [dreg:$0x1d]  }
0x37: {  	[tilespmem:s30], [sflag:$0xB] =	stream.strided.gather [hbm4b:s0+s2], $0xD00, s1, s2, $0x38;
	[tilespmem:$0xAD00] =	vst v63  }
0x38: {  	_ =	swait.ge [sflag:s31], $0xD00  }
0x39: {  	[sflag:s31] =	ssyncset.done $0x0  }
0x3a: {  	[sflag:s31] =	ssyncadd.s32 $0xFFFFF300  }
0x3b: {  	[tilespmem:s3], [sflag:$0x1] =	stream.indirect.gather [hbm4b:s4+s2], $0x40, s30, s2, $0xb8;
	[tilespmem:$0xAD00] =	vst v63  }
0x3c: {  	s0 =	rddreg [dreg:$0x1e]  }
0x3d: {  	[tilespmem:s12], [sflag:$0x2] =	stream.indirect.gather [hbm4b:s4+s2], $0x40, s2, s2, $0xb8;
	[tilespmem:$0xAD00] =	vst v63  }
0x3e: {  	s1 =	rddreg [dreg:$0x1f]  }
0x3f: {  	[tilespmem:s10], [sflag:$0x3] =	stream.indirect.gather [hbm4b:s4+s2], $0x40, s0, s2, $0xb8;
	[tilespmem:$0xAD00] =	vst v63  }
0x40: {  	s0 =	sld [smem:$0x7F1]  }
0x41: {  	[tilespmem:s9], [sflag:$0x4] =	stream.indirect.gather [hbm4b:s4+s2], $0x40, s1, s2, $0xb8;
	[tilespmem:$0xAD00] =	vst v63  }
0x42: {  	_ = 	snop  }
0x43: {  	[tilespmem:s6], [sflag:$0x5] =	stream.indirect.gather [hbm4b:s4+s2], $0x40, s0, s2, $0xb8;
	[tilespmem:$0xAD00] =	vst v63  }
0x44: {  	_ =	swait.ge [sflag:s5], $0x2000  }
0x45: {  	[sflag:s5] =	ssyncset.done $0x0  }
0x46: {  	s1 =	rddreg [dreg:$0x3];
	[sflag:s5] =	ssyncadd.s32 $0xFFFFE000  }
0x47: {  	[hbm4b:s1+s7] =	stream.strided.scatter [tilespmem:s3], [sflag:$0x6], $0x2000, s2, s7, $0x38;
	[tilespmem:$0xAD00] =	vst v63  }
0x48: {  	_ =	swait.ge [sflag:s8], $0x2000  }
0x49: {  	s1 =	sld [smem:$0x7F2]  }
0x4a: {  	[sflag:s8] =	ssyncset.done $0x0  }
0x4b: {  	[sflag:s8] =	ssyncadd.s32 $0xFFFFE000  }
0x4c: {  	[tilespmem:s3], [sflag:$0x1] =	stream.indirect.gather [hbm4b:s4+s2], $0x40, s1, s2, $0xb8;
	[tilespmem:$0xAD00] =	vst v63  }
0x4d: {  	_ =	swait.ge [sflag:s16], $0x2000  }
0x4e: {  	[sflag:s16] =	ssyncset.done $0x0  }
0x4f: {  	s1 =	rddreg [dreg:$0x4];
	[sflag:s16] =	ssyncadd.s32 $0xFFFFE000  }
0x50: {  	[hbm4b:s1+s7] =	stream.strided.scatter [tilespmem:s12], [sflag:$0x7], $0x2000, s2, s7, $0x38;
	[tilespmem:$0xAD00] =	vst v63  }
0x51: {  	_ =	swait.ge [sflag:s11], $0x2000  }
0x52: {  	s1 =	sld [smem:$0x7F3]  }
0x53: {  	[sflag:s11] =	ssyncset.done $0x0  }
0x54: {  	[sflag:s11] =	ssyncadd.s32 $0xFFFFE000  }
0x55: {  	[tilespmem:s12], [sflag:$0x2] =	stream.indirect.gather [hbm4b:s4+s2], $0x40, s1, s2, $0xb8;
	[tilespmem:$0xAD00] =	vst v63  }
0x56: {  	_ =	swait.ge [sflag:s17], $0x2000  }
0x57: {  	[sflag:s17] =	ssyncset.done $0x0  }
0x58: {  	s1 =	rddreg [dreg:$0x5];
	[sflag:s17] =	ssyncadd.s32 $0xFFFFE000  }
0x59: {  	[hbm4b:s1+s7] =	stream.strided.scatter [tilespmem:s10], [sflag:$0x8], $0x2000, s2, s7, $0x38;
	[tilespmem:$0xAD00] =	vst v63  }
0x5a: {  	_ =	swait.ge [sflag:s13], $0x2000  }
0x5b: {  	s1 =	sld [smem:$0x7F4]  }
0x5c: {  	[sflag:s13] =	ssyncset.done $0x0  }
0x5d: {  	[sflag:s13] =	ssyncadd.s32 $0xFFFFE000  }
0x5e: {  	[tilespmem:s10], [sflag:$0x3] =	stream.indirect.gather [hbm4b:s4+s2], $0x40, s1, s2, $0xb8;
	[tilespmem:$0xAD00] =	vst v63  }
0x5f: {  	_ =	swait.ge [sflag:s18], $0x2000  }
0x60: {  	[sflag:s18] =	ssyncset.done $0x0  }
0x61: {  	s1 =	rddreg [dreg:$0x6];
	[sflag:s18] =	ssyncadd.s32 $0xFFFFE000  }
0x62: {  	[hbm4b:s1+s7] =	stream.strided.scatter [tilespmem:s9], [sflag:$0x9], $0x2000, s2, s7, $0x38;
	[tilespmem:$0xAD00] =	vst v63  }
0x63: {  	_ =	swait.ge [sflag:s14], $0x2000  }
0x64: {  	s1 =	sld [smem:$0x7F5]  }
0x65: {  	[sflag:s14] =	ssyncset.done $0x0  }
0x66: {  	[sflag:s14] =	ssyncadd.s32 $0xFFFFE000  }
0x67: {  	[tilespmem:s9], [sflag:$0x4] =	stream.indirect.gather [hbm4b:s4+s2], $0x40, s1, s2, $0xb8;
	[tilespmem:$0xAD00] =	vst v63  }
0x68: {  	_ =	swait.ge [sflag:s19], $0x2000  }
0x69: {  	[sflag:s19] =	ssyncset.done $0x0  }
0x6a: {  	s1 =	rddreg [dreg:$0x7];
	[sflag:s19] =	ssyncadd.s32 $0xFFFFE000  }
0x6b: {  	[hbm4b:s1+s7] =	stream.strided.scatter [tilespmem:s6], [sflag:$0xA], $0x2000, s2, s7, $0x38;
	[tilespmem:$0xAD00] =	vst v63  }
0x6c: {  	_ =	swait.ge [sflag:s15], $0x2000  }
0x6d: {  	s1 =	sld [smem:$0x7F6]  }
0x6e: {  	[sflag:s15] =	ssyncset.done $0x0  }
0x6f: {  	[sflag:s15] =	ssyncadd.s32 $0xFFFFE000  }
0x70: {  	[tilespmem:s6], [sflag:$0x5] =	stream.indirect.gather [hbm4b:s4+s2], $0x40, s1, s2, $0xb8;
	[tilespmem:$0xAD00] =	vst v63  }
0x71: {  	_ =	swait.ge [sflag:s5], $0x2000  }
0x72: {  	[sflag:s5] =	ssyncset.done $0x0  }
0x73: {  	s1 =	rddreg [dreg:$0x8];
	[sflag:s5] =	ssyncadd.s32 $0xFFFFE000  }
0x74: {  	[hbm4b:s1+s7] =	stream.strided.scatter [tilespmem:s3], [sflag:$0x6], $0x2000, s2, s7, $0x38;
	[tilespmem:$0xAD00] =	vst v63  }
0x75: {  	_ =	swait.ge [sflag:s8], $0x2000  }
0x76: {  	s1 =	sld [smem:$0x7F7]  }
0x77: {  	[sflag:s8] =	ssyncset.done $0x0  }
0x78: {  	[sflag:s8] =	ssyncadd.s32 $0xFFFFE000  }
0x79: {  	[tilespmem:s3], [sflag:$0x1] =	stream.indirect.gather [hbm4b:s4+s2], $0x40, s1, s2, $0xb8;
	[tilespmem:$0xAD00] =	vst v63  }
0x7a: {  	_ =	swait.ge [sflag:s16], $0x2000  }
0x7b: {  	[sflag:s16] =	ssyncset.done $0x0  }
0x7c: {  	s1 =	rddreg [dreg:$0x9];
	[sflag:s16] =	ssyncadd.s32 $0xFFFFE000  }
0x7d: {  	[hbm4b:s1+s7] =	stream.strided.scatter [tilespmem:s12], [sflag:$0x7], $0x2000, s2, s7, $0x38;
	[tilespmem:$0xAD00] =	vst v63  }
0x7e: {  	_ =	swait.ge [sflag:s11], $0x2000  }
0x7f: {  	s1 =	sld [smem:$0x7F8]  }
0x80: {  	[sflag:s11] =	ssyncset.done $0x0  }
0x81: {  	[sflag:s11] =	ssyncadd.s32 $0xFFFFE000  }
0x82: {  	[tilespmem:s12], [sflag:$0x2] =	stream.indirect.gather [hbm4b:s4+s2], $0x40, s1, s2, $0xb8;
	[tilespmem:$0xAD00] =	vst v63  }
0x83: {  	_ =	swait.ge [sflag:s17], $0x2000  }
0x84: {  	[sflag:s17] =	ssyncset.done $0x0  }
0x85: {  	s1 =	rddreg [dreg:$0xa];
	[sflag:s17] =	ssyncadd.s32 $0xFFFFE000  }
0x86: {  	[hbm4b:s1+s7] =	stream.strided.scatter [tilespmem:s10], [sflag:$0x8], $0x2000, s2, s7, $0x38;
	[tilespmem:$0xAD00] =	vst v63  }
0x87: {  	_ =	swait.ge [sflag:s13], $0x2000  }
0x88: {  	s1 =	sld [smem:$0x7F9]  }
0x89: {  	[sflag:s13] =	ssyncset.done $0x0  }
0x8a: {  	[sflag:s13] =	ssyncadd.s32 $0xFFFFE000  }
0x8b: {  	[tilespmem:s10], [sflag:$0x3] =	stream.indirect.gather [hbm4b:s4+s2], $0x40, s1, s2, $0xb8;
	[tilespmem:$0xAD00] =	vst v63  }
0x8c: {  	_ =	swait.ge [sflag:s18], $0x2000  }
0x8d: {  	[sflag:s18] =	ssyncset.done $0x0  }
0x8e: {  	s1 =	rddreg [dreg:$0xb];
	[sflag:s18] =	ssyncadd.s32 $0xFFFFE000  }
0x8f: {  	[hbm4b:s1+s7] =	stream.strided.scatter [tilespmem:s9], [sflag:$0x9], $0x2000, s2, s7, $0x38;
	[tilespmem:$0xAD00] =	vst v63  }
0x90: {  	_ =	swait.ge [sflag:s14], $0x2000  }
0x91: {  	s1 =	sld [smem:$0x7FA]  }
0x92: {  	[sflag:s14] =	ssyncset.done $0x0  }
0x93: {  	[sflag:s14] =	ssyncadd.s32 $0xFFFFE000  }
0x94: {  	[tilespmem:s9], [sflag:$0x4] =	stream.indirect.gather [hbm4b:s4+s2], $0x40, s1, s2, $0xb8;
	[tilespmem:$0xAD00] =	vst v63  }
0x95: {  	_ =	swait.ge [sflag:s19], $0x2000  }
0x96: {  	[sflag:s19] =	ssyncset.done $0x0  }
0x97: {  	s1 =	rddreg [dreg:$0xc];
	[sflag:s19] =	ssyncadd.s32 $0xFFFFE000  }
0x98: {  	[hbm4b:s1+s7] =	stream.strided.scatter [tilespmem:s6], [sflag:$0xA], $0x2000, s2, s7, $0x38;
	[tilespmem:$0xAD00] =	vst v63  }
0x99: {  	_ =	swait.ge [sflag:s15], $0x2000  }
0x9a: {  	s1 =	sld [smem:$0x7FB]  }
0x9b: {  	[sflag:s15] =	ssyncset.done $0x0  }
0x9c: {  	[sflag:s15] =	ssyncadd.s32 $0xFFFFE000  }
0x9d: {  	[tilespmem:s6], [sflag:$0x5] =	stream.indirect.gather [hbm4b:s4+s2], $0x40, s1, s2, $0xb8;
	[tilespmem:$0xAD00] =	vst v63  }
0x9e: {  	_ =	swait.ge [sflag:s5], $0x2000  }
0x9f: {  	[sflag:s5] =	ssyncset.done $0x0  }
0xa0: {  	s1 =	rddreg [dreg:$0xd];
	[sflag:s5] =	ssyncadd.s32 $0xFFFFE000  }
0xa1: {  	[hbm4b:s1+s7] =	stream.strided.scatter [tilespmem:s3], [sflag:$0x6], $0x2000, s2, s7, $0x38;
	[tilespmem:$0xAD00] =	vst v63  }
0xa2: {  	_ =	swait.ge [sflag:s8], $0x2000  }
0xa3: {  	s1 =	sld [smem:$0x7FC]  }
0xa4: {  	[sflag:s8] =	ssyncset.done $0x0  }
0xa5: {  	[sflag:s8] =	ssyncadd.s32 $0xFFFFE000  }
0xa6: {  	[tilespmem:s3], [sflag:$0x1] =	stream.indirect.gather [hbm4b:s4+s2], $0x40, s1, s2, $0xb8;
	[tilespmem:$0xAD00] =	vst v63  }
0xa7: {  	_ =	swait.ge [sflag:s16], $0x2000  }
0xa8: {  	[sflag:s16] =	ssyncset.done $0x0  }
0xa9: {  	s1 =	rddreg [dreg:$0xe];
	[sflag:s16] =	ssyncadd.s32 $0xFFFFE000  }
0xaa: {  	[hbm4b:s1+s7] =	stream.strided.scatter [tilespmem:s12], [sflag:$0x7], $0x2000, s2, s7, $0x38;
	[tilespmem:$0xAD00] =	vst v63  }
0xab: {  	_ =	swait.ge [sflag:s11], $0x2000  }
0xac: {  	s1 =	sld [smem:$0x7FD]  }
0xad: {  	[sflag:s11] =	ssyncset.done $0x0  }
0xae: {  	[sflag:s11] =	ssyncadd.s32 $0xFFFFE000  }
0xaf: {  	[tilespmem:s12], [sflag:$0x2] =	stream.indirect.gather [hbm4b:s4+s2], $0x40, s1, s2, $0xb8;
	[tilespmem:$0xAD00] =	vst v63  }
0xb0: {  	_ =	swait.ge [sflag:s17], $0x2000  }
0xb1: {  	[sflag:s17] =	ssyncset.done $0x0  }
0xb2: {  	s1 =	rddreg [dreg:$0xf];
	[sflag:s17] =	ssyncadd.s32 $0xFFFFE000  }
0xb3: {  	[hbm4b:s1+s7] =	stream.strided.scatter [tilespmem:s10], [sflag:$0x8], $0x2000, s2, s7, $0x38;
	[tilespmem:$0xAD00] =	vst v63  }
0xb4: {  	_ =	swait.ge [sflag:s13], $0x2000  }
0xb5: {  	[sflag:s13] =	ssyncset.done $0x0  }
0xb6: {  	s1 =	simm.s32 $0x880;
	[sflag:s13] =	ssyncadd.s32 $0xFFFFE000  }
0xb7: {  	[tilespmem:s10], [sflag:$0x3] =	stream.indirect.gather [hbm4b:s4+s2], $0x40, s1, s2, $0xb8;
	[tilespmem:$0xAD00] =	vst v63  }
0xb8: {  	_ =	swait.ge [sflag:s18], $0x2000  }
0xb9: {  	[sflag:s18] =	ssyncset.done $0x0  }
0xba: {  	s1 =	rddreg [dreg:$0x10];
	[sflag:s18] =	ssyncadd.s32 $0xFFFFE000  }
0xbb: {  	[hbm4b:s1+s7] =	stream.strided.scatter [tilespmem:s9], [sflag:$0x9], $0x2000, s2, s7, $0x38;
	[tilespmem:$0xAD00] =	vst v63  }
0xbc: {  	_ =	swait.ge [sflag:s14], $0x2000  }
0xbd: {  	[sflag:s14] =	ssyncset.done $0x0  }
0xbe: {  	[sflag:s14] =	ssyncadd.s32 $0xFFFFE000  }
0xbf: {  	[tilespmem:s9], [sflag:$0x4] =	stream.indirect.gather [hbm4b:s4+s2], $0x40, s29, s2, $0xb8;
	[tilespmem:$0xAD00] =	vst v63  }
0xc0: {  	_ =	swait.ge [sflag:s19], $0x2000  }
0xc1: {  	[sflag:s19] =	ssyncset.done $0x0  }
0xc2: {  	s1 =	rddreg [dreg:$0x11];
	[sflag:s19] =	ssyncadd.s32 $0xFFFFE000  }
0xc3: {  	[hbm4b:s1+s7] =	stream.strided.scatter [tilespmem:s6], [sflag:$0xA], $0x2000, s2, s7, $0x38;
	[tilespmem:$0xAD00] =	vst v63  }
0xc4: {  	_ =	swait.ge [sflag:s15], $0x2000  }
0xc5: {  	[sflag:s15] =	ssyncset.done $0x0  }
0xc6: {  	[sflag:s15] =	ssyncadd.s32 $0xFFFFE000  }
0xc7: {  	[tilespmem:s6], [sflag:$0x5] =	stream.indirect.gather [hbm4b:s4+s2], $0x40, s28, s2, $0xb8;
	[tilespmem:$0xAD00] =	vst v63  }
0xc8: {  	_ =	swait.ge [sflag:s5], $0x2000  }
0xc9: {  	[sflag:s5] =	ssyncset.done $0x0  }
0xca: {  	s1 =	rddreg [dreg:$0x12];
	[sflag:s5] =	ssyncadd.s32 $0xFFFFE000  }
0xcb: {  	[hbm4b:s1+s7] =	stream.strided.scatter [tilespmem:s3], [sflag:$0x6], $0x2000, s2, s7, $0x38;
	[tilespmem:$0xAD00] =	vst v63  }
0xcc: {  	_ =	swait.ge [sflag:s8], $0x2000  }
0xcd: {  	[sflag:s8] =	ssyncset.done $0x0  }
0xce: {  	[sflag:s8] =	ssyncadd.s32 $0xFFFFE000  }
0xcf: {  	[tilespmem:s3], [sflag:$0x1] =	stream.indirect.gather [hbm4b:s4+s2], $0x40, s26, s2, $0xb8;
	[tilespmem:$0xAD00] =	vst v63  }
0xd0: {  	_ =	swait.ge [sflag:s16], $0x2000  }
0xd1: {  	[sflag:s16] =	ssyncset.done $0x0  }
0xd2: {  	s1 =	rddreg [dreg:$0x13];
	[sflag:s16] =	ssyncadd.s32 $0xFFFFE000  }
0xd3: {  	[hbm4b:s1+s7] =	stream.strided.scatter [tilespmem:s12], [sflag:$0x7], $0x2000, s2, s7, $0x38;
	[tilespmem:$0xAD00] =	vst v63  }
0xd4: {  	_ =	swait.ge [sflag:s11], $0x2000  }
0xd5: {  	[sflag:s11] =	ssyncset.done $0x0  }
0xd6: {  	[sflag:s11] =	ssyncadd.s32 $0xFFFFE000  }
0xd7: {  	[tilespmem:s12], [sflag:$0x2] =	stream.indirect.gather [hbm4b:s4+s2], $0x40, s25, s2, $0xb8;
	[tilespmem:$0xAD00] =	vst v63  }
0xd8: {  	_ =	swait.ge [sflag:s17], $0x2000  }
0xd9: {  	[sflag:s17] =	ssyncset.done $0x0  }
0xda: {  	s1 =	rddreg [dreg:$0x14];
	[sflag:s17] =	ssyncadd.s32 $0xFFFFE000  }
0xdb: {  	[hbm4b:s1+s7] =	stream.strided.scatter [tilespmem:s10], [sflag:$0x8], $0x2000, s2, s7, $0x38;
	[tilespmem:$0xAD00] =	vst v63  }
0xdc: {  	_ =	swait.ge [sflag:s13], $0x2000  }
0xdd: {  	[sflag:s13] =	ssyncset.done $0x0  }
0xde: {  	[sflag:s13] =	ssyncadd.s32 $0xFFFFE000  }
0xdf: {  	[tilespmem:s10], [sflag:$0x3] =	stream.indirect.gather [hbm4b:s4+s2], $0x40, s24, s2, $0xb8;
	[tilespmem:$0xAD00] =	vst v63  }
0xe0: {  	_ =	swait.ge [sflag:s18], $0x2000  }
0xe1: {  	[sflag:s18] =	ssyncset.done $0x0  }
0xe2: {  	s1 =	rddreg [dreg:$0x15];
	[sflag:s18] =	ssyncadd.s32 $0xFFFFE000  }
0xe3: {  	[hbm4b:s1+s7] =	stream.strided.scatter [tilespmem:s9], [sflag:$0x9], $0x2000, s2, s7, $0x38;
	[tilespmem:$0xAD00] =	vst v63  }
0xe4: {  	_ =	swait.ge [sflag:s14], $0x2000  }
0xe5: {  	[sflag:s14] =	ssyncset.done $0x0  }
0xe6: {  	[sflag:s14] =	ssyncadd.s32 $0xFFFFE000  }
0xe7: {  	[tilespmem:s9], [sflag:$0x4] =	stream.indirect.gather [hbm4b:s4+s2], $0x40, s23, s2, $0xb8;
	[tilespmem:$0xAD00] =	vst v63  }
0xe8: {  	_ =	swait.ge [sflag:s19], $0x2000  }
0xe9: {  	[sflag:s19] =	ssyncset.done $0x0  }
0xea: {  	s1 =	rddreg [dreg:$0x16];
	[sflag:s19] =	ssyncadd.s32 $0xFFFFE000  }
0xeb: {  	[hbm4b:s1+s7] =	stream.strided.scatter [tilespmem:s6], [sflag:$0xA], $0x2000, s2, s7, $0x38;
	[tilespmem:$0xAD00] =	vst v63  }
0xec: {  	_ =	swait.ge [sflag:s15], $0x2000  }
0xed: {  	[sflag:s15] =	ssyncset.done $0x0  }
0xee: {  	[sflag:s15] =	ssyncadd.s32 $0xFFFFE000  }
0xef: {  	[tilespmem:s6], [sflag:$0x5] =	stream.indirect.gather [hbm4b:s4+s2], $0x40, s22, s2, $0xb8;
	[tilespmem:$0xAD00] =	vst v63  }
0xf0: {  	_ =	swait.ge [sflag:s5], $0x2000  }
0xf1: {  	[sflag:s5] =	ssyncset.done $0x0  }
0xf2: {  	s1 =	rddreg [dreg:$0x17];
	[sflag:s5] =	ssyncadd.s32 $0xFFFFE000  }
0xf3: {  	[hbm4b:s1+s7] =	stream.strided.scatter [tilespmem:s3], [sflag:$0x6], $0x2000, s2, s7, $0x38;
	[tilespmem:$0xAD00] =	vst v63  }
0xf4: {  	_ =	swait.ge [sflag:s8], $0x2000  }
0xf5: {  	[sflag:s8] =	ssyncset.done $0x0  }
0xf6: {  	[sflag:s8] =	ssyncadd.s32 $0xFFFFE000  }
0xf7: {  	[tilespmem:s3], [sflag:$0x1] =	stream.indirect.gather [hbm4b:s4+s2], $0x40, s21, s2, $0xb8;
	[tilespmem:$0xAD00] =	vst v63  }
0xf8: {  	_ =	swait.ge [sflag:s16], $0x2000  }
0xf9: {  	[sflag:s16] =	ssyncset.done $0x0  }
0xfa: {  	s1 =	rddreg [dreg:$0x18];
	[sflag:s16] =	ssyncadd.s32 $0xFFFFE000  }
0xfb: {  	[hbm4b:s1+s7] =	stream.strided.scatter [tilespmem:s12], [sflag:$0x7], $0x2000, s2, s7, $0x38;
	[tilespmem:$0xAD00] =	vst v63  }
0xfc: {  	_ =	swait.ge [sflag:s17], $0x2000  }
0xfd: {  	[sflag:s17] =	ssyncset.done $0x0  }
0xfe: {  	s1 =	rddreg [dreg:$0x19];
	[sflag:s17] =	ssyncadd.s32 $0xFFFFE000  }
0xff: {  	[hbm4b:s1+s7] =	stream.strided.scatter [tilespmem:s10], [sflag:$0x8], $0x2000, s2, s7, $0x38;
	[tilespmem:$0xAD00] =	vst v63  }
0x100: {  	_ =	swait.ge [sflag:s18], $0x2000  }
0x101: {  	[sflag:s18] =	ssyncset.done $0x0  }
0x102: {  	s1 =	rddreg [dreg:$0x1a];
	[sflag:s18] =	ssyncadd.s32 $0xFFFFE000  }
0x103: {  	[hbm4b:s1+s7] =	stream.strided.scatter [tilespmem:s9], [sflag:$0x9], $0x2000, s2, s7, $0x38;
	[tilespmem:$0xAD00] =	vst v63  }
0x104: {  	_ =	swait.ge [sflag:s19], $0x2000  }
0x105: {  	[sflag:s19] =	ssyncset.done $0x0  }
0x106: {  	s1 =	rddreg [dreg:$0x1b];
	[sflag:s19] =	ssyncadd.s32 $0xFFFFE000  }
0x107: {  	[hbm4b:s1+s7] =	stream.strided.scatter [tilespmem:s6], [sflag:$0xA], $0x2000, s2, s7, $0x38;
	[tilespmem:$0xAD00] =	vst v63  }
0x108: {  	_ =	swait.ge [sflag:s5], $0x2000  }
0x109: {  	[sflag:s5] =	ssyncset.done $0x0  }
0x10a: {  	s1 =	rddreg [dreg:$0x1c];
	[sflag:s5] =	ssyncadd.s32 $0xFFFFE000  }
0x10b: {  	[hbm4b:s1+s7] =	stream.strided.scatter [tilespmem:s3], [sflag:$0x6], $0x2000, s2, s7, $0x38;
	[tilespmem:$0xAD00] =	vst v63  }
0x10c: {  	_ =	swait.ge [sflag:s8], $0x2000  }
0x10d: {  	[sflag:s8] =	ssyncset.done $0x0  }
0x10e: {  	[sflag:s8] =	ssyncadd.s32 $0xFFFFE000  }
0x10f: {  	_ =	swait.ge [sflag:s11], $0x2000  }
0x110: {  	[sflag:s11] =	ssyncset.done $0x0  }
0x111: {  	[sflag:s11] =	ssyncadd.s32 $0xFFFFE000  }
0x112: {  	_ =	swait.ge [sflag:s13], $0x2000  }
0x113: {  	[sflag:s13] =	ssyncset.done $0x0  }
0x114: {  	p1 =	sne.s32 s20, $0x1;
	[sflag:s13] =	ssyncadd.s32 $0xFFFFE000  }
.Ltmp1:
0x115: {  	_ =	swait.ge [sflag:s14], $0x2000;
	(pc) =	sbr.rel @!p1 .LBB2_3-.Ltmp1, $4  }
0x116: {  	[sflag:s14] =	ssyncset.done $0x0  }
0x117: {  	[sflag:s14] =	ssyncadd.s32 $0xFFFFE000  }
0x118: {  	p0 =	por $0x1, $0x1;
	_ =	swait.ge [sflag:s15], $0x2000  }
0x119: {  	s1 =	sadd.s32 $0xFFFFFFFF, s20;
	s0 =	rddreg [dreg:$0x2];
	[sflag:s15] =	ssyncset.done $0x0  }
.LBB2_4:
0x11a: {  	s20 =	rddreg [dreg:$0x1d];
	[sflag:s15] =	ssyncadd.s32 $0xFFFFE000  }
0x11b: {  	[tilespmem:s30], [sflag:$0xB] =	stream.strided.gather [hbm4b:s0+s2], $0xD00, s20, s2, $0x38;
	[tilespmem:$0xAD00] =	vst v63  }
0x11c: {  	_ =	swait.ge [sflag:s31], $0xD00  }
0x11d: {  	[sflag:s31] =	ssyncset.done $0x0  }
0x11e: {  	[sflag:s31] =	ssyncadd.s32 $0xFFFFF300  }
0x11f: {  	[tilespmem:s3], [sflag:$0x1] =	stream.indirect.gather [hbm4b:s4+s2], $0x40, s30, s2, $0xb8;
	[tilespmem:$0xAD00] =	vst v63  }
0x120: {  	s0 =	rddreg [dreg:$0x1e]  }
0x121: {  	[tilespmem:s12], [sflag:$0x2] =	stream.indirect.gather [hbm4b:s4+s2], $0x40, s2, s2, $0xb8;
	[tilespmem:$0xAD00] =	vst v63  }
0x122: {  	s20 =	rddreg [dreg:$0x1f]  }
0x123: {  	[tilespmem:s10], [sflag:$0x3] =	stream.indirect.gather [hbm4b:s4+s2], $0x40, s0, s2, $0xb8;
	[tilespmem:$0xAD00] =	vst v63  }
0x124: {  	s0 =	sld [smem:$0x7F1]  }
0x125: {  	[tilespmem:s9], [sflag:$0x4] =	stream.indirect.gather [hbm4b:s4+s2], $0x40, s20, s2, $0xb8;
	[tilespmem:$0xAD00] =	vst v63  }
0x126: {  	_ = 	snop  }
0x127: {  	[tilespmem:s6], [sflag:$0x5] =	stream.indirect.gather [hbm4b:s4+s2], $0x40, s0, s2, $0xb8;
	[tilespmem:$0xAD00] =	vst v63  }
0x128: {  	_ =	swait.ge [sflag:s5], $0x2000  }
0x129: {  	[sflag:s5] =	ssyncset.done $0x0  }
0x12a: {  	s20 =	rddreg [dreg:$0x3];
	[sflag:s5] =	ssyncadd.s32 $0xFFFFE000  }
0x12b: {  	[hbm4b:s20+s7] =	stream.strided.scatter [tilespmem:s3], [sflag:$0x6], $0x2000, s2, s7, $0x38;
	[tilespmem:$0xAD00] =	vst v63  }
0x12c: {  	_ =	swait.ge [sflag:s8], $0x2000  }
0x12d: {  	s20 =	sld [smem:$0x7F2]  }
0x12e: {  	[sflag:s8] =	ssyncset.done $0x0  }
0x12f: {  	[sflag:s8] =	ssyncadd.s32 $0xFFFFE000  }
0x130: {  	[tilespmem:s3], [sflag:$0x1] =	stream.indirect.gather [hbm4b:s4+s2], $0x40, s20, s2, $0xb8;
	[tilespmem:$0xAD00] =	vst v63  }
0x131: {  	_ =	swait.ge [sflag:s16], $0x2000  }
0x132: {  	[sflag:s16] =	ssyncset.done $0x0  }
0x133: {  	s20 =	rddreg [dreg:$0x4];
	[sflag:s16] =	ssyncadd.s32 $0xFFFFE000  }
0x134: {  	[hbm4b:s20+s7] =	stream.strided.scatter [tilespmem:s12], [sflag:$0x7], $0x2000, s2, s7, $0x38;
	[tilespmem:$0xAD00] =	vst v63  }
0x135: {  	_ =	swait.ge [sflag:s11], $0x2000  }
0x136: {  	s20 =	sld [smem:$0x7F3]  }
0x137: {  	[sflag:s11] =	ssyncset.done $0x0  }
0x138: {  	[sflag:s11] =	ssyncadd.s32 $0xFFFFE000  }
0x139: {  	[tilespmem:s12], [sflag:$0x2] =	stream.indirect.gather [hbm4b:s4+s2], $0x40, s20, s2, $0xb8;
	[tilespmem:$0xAD00] =	vst v63  }
0x13a: {  	_ =	swait.ge [sflag:s17], $0x2000  }
0x13b: {  	[sflag:s17] =	ssyncset.done $0x0  }
0x13c: {  	s20 =	rddreg [dreg:$0x5];
	[sflag:s17] =	ssyncadd.s32 $0xFFFFE000  }
0x13d: {  	[hbm4b:s20+s7] =	stream.strided.scatter [tilespmem:s10], [sflag:$0x8], $0x2000, s2, s7, $0x38;
	[tilespmem:$0xAD00] =	vst v63  }
0x13e: {  	_ =	swait.ge [sflag:s13], $0x2000  }
0x13f: {  	s20 =	sld [smem:$0x7F4]  }
0x140: {  	[sflag:s13] =	ssyncset.done $0x0  }
0x141: {  	[sflag:s13] =	ssyncadd.s32 $0xFFFFE000  }
0x142: {  	[tilespmem:s10], [sflag:$0x3] =	stream.indirect.gather [hbm4b:s4+s2], $0x40, s20, s2, $0xb8;
	[tilespmem:$0xAD00] =	vst v63  }
0x143: {  	_ =	swait.ge [sflag:s18], $0x2000  }
0x144: {  	[sflag:s18] =	ssyncset.done $0x0  }
0x145: {  	s20 =	rddreg [dreg:$0x6];
	[sflag:s18] =	ssyncadd.s32 $0xFFFFE000  }
0x146: {  	[hbm4b:s20+s7] =	stream.strided.scatter [tilespmem:s9], [sflag:$0x9], $0x2000, s2, s7, $0x38;
	[tilespmem:$0xAD00] =	vst v63  }
0x147: {  	_ =	swait.ge [sflag:s14], $0x2000  }
0x148: {  	s20 =	sld [smem:$0x7F5]  }
0x149: {  	[sflag:s14] =	ssyncset.done $0x0  }
0x14a: {  	[sflag:s14] =	ssyncadd.s32 $0xFFFFE000  }
0x14b: {  	[tilespmem:s9], [sflag:$0x4] =	stream.indirect.gather [hbm4b:s4+s2], $0x40, s20, s2, $0xb8;
	[tilespmem:$0xAD00] =	vst v63  }
0x14c: {  	_ =	swait.ge [sflag:s19], $0x2000  }
0x14d: {  	[sflag:s19] =	ssyncset.done $0x0  }
0x14e: {  	s20 =	rddreg [dreg:$0x7];
	[sflag:s19] =	ssyncadd.s32 $0xFFFFE000  }
0x14f: {  	[hbm4b:s20+s7] =	stream.strided.scatter [tilespmem:s6], [sflag:$0xA], $0x2000, s2, s7, $0x38;
	[tilespmem:$0xAD00] =	vst v63  }
0x150: {  	_ =	swait.ge [sflag:s15], $0x2000  }
0x151: {  	s20 =	sld [smem:$0x7F6]  }
0x152: {  	[sflag:s15] =	ssyncset.done $0x0  }
0x153: {  	[sflag:s15] =	ssyncadd.s32 $0xFFFFE000  }
0x154: {  	[tilespmem:s6], [sflag:$0x5] =	stream.indirect.gather [hbm4b:s4+s2], $0x40, s20, s2, $0xb8;
	[tilespmem:$0xAD00] =	vst v63  }
0x155: {  	_ =	swait.ge [sflag:s5], $0x2000  }
0x156: {  	[sflag:s5] =	ssyncset.done $0x0  }
0x157: {  	s20 =	rddreg [dreg:$0x8];
	[sflag:s5] =	ssyncadd.s32 $0xFFFFE000  }
0x158: {  	[hbm4b:s20+s7] =	stream.strided.scatter [tilespmem:s3], [sflag:$0x6], $0x2000, s2, s7, $0x38;
	[tilespmem:$0xAD00] =	vst v63  }
0x159: {  	_ =	swait.ge [sflag:s8], $0x2000  }
0x15a: {  	s20 =	sld [smem:$0x7F7]  }
0x15b: {  	[sflag:s8] =	ssyncset.done $0x0  }
0x15c: {  	[sflag:s8] =	ssyncadd.s32 $0xFFFFE000  }
0x15d: {  	[tilespmem:s3], [sflag:$0x1] =	stream.indirect.gather [hbm4b:s4+s2], $0x40, s20, s2, $0xb8;
	[tilespmem:$0xAD00] =	vst v63  }
0x15e: {  	_ =	swait.ge [sflag:s16], $0x2000  }
0x15f: {  	[sflag:s16] =	ssyncset.done $0x0  }
0x160: {  	s20 =	rddreg [dreg:$0x9];
	[sflag:s16] =	ssyncadd.s32 $0xFFFFE000  }
0x161: {  	[hbm4b:s20+s7] =	stream.strided.scatter [tilespmem:s12], [sflag:$0x7], $0x2000, s2, s7, $0x38;
	[tilespmem:$0xAD00] =	vst v63  }
0x162: {  	_ =	swait.ge [sflag:s11], $0x2000  }
0x163: {  	s20 =	sld [smem:$0x7F8]  }
0x164: {  	[sflag:s11] =	ssyncset.done $0x0  }
0x165: {  	[sflag:s11] =	ssyncadd.s32 $0xFFFFE000  }
0x166: {  	[tilespmem:s12], [sflag:$0x2] =	stream.indirect.gather [hbm4b:s4+s2], $0x40, s20, s2, $0xb8;
	[tilespmem:$0xAD00] =	vst v63  }
0x167: {  	_ =	swait.ge [sflag:s17], $0x2000  }
0x168: {  	[sflag:s17] =	ssyncset.done $0x0  }
0x169: {  	s20 =	rddreg [dreg:$0xa];
	[sflag:s17] =	ssyncadd.s32 $0xFFFFE000  }
0x16a: {  	[hbm4b:s20+s7] =	stream.strided.scatter [tilespmem:s10], [sflag:$0x8], $0x2000, s2, s7, $0x38;
	[tilespmem:$0xAD00] =	vst v63  }
0x16b: {  	_ =	swait.ge [sflag:s13], $0x2000  }
0x16c: {  	s20 =	sld [smem:$0x7F9]  }
0x16d: {  	[sflag:s13] =	ssyncset.done $0x0  }
0x16e: {  	[sflag:s13] =	ssyncadd.s32 $0xFFFFE000  }
0x16f: {  	[tilespmem:s10], [sflag:$0x3] =	stream.indirect.gather [hbm4b:s4+s2], $0x40, s20, s2, $0xb8;
	[tilespmem:$0xAD00] =	vst v63  }
0x170: {  	_ =	swait.ge [sflag:s18], $0x2000  }
0x171: {  	[sflag:s18] =	ssyncset.done $0x0  }
0x172: {  	s20 =	rddreg [dreg:$0xb];
	[sflag:s18] =	ssyncadd.s32 $0xFFFFE000  }
0x173: {  	[hbm4b:s20+s7] =	stream.strided.scatter [tilespmem:s9], [sflag:$0x9], $0x2000, s2, s7, $0x38;
	[tilespmem:$0xAD00] =	vst v63  }
0x174: {  	_ =	swait.ge [sflag:s14], $0x2000  }
0x175: {  	s20 =	sld [smem:$0x7FA]  }
0x176: {  	[sflag:s14] =	ssyncset.done $0x0  }
0x177: {  	[sflag:s14] =	ssyncadd.s32 $0xFFFFE000  }
0x178: {  	[tilespmem:s9], [sflag:$0x4] =	stream.indirect.gather [hbm4b:s4+s2], $0x40, s20, s2, $0xb8;
	[tilespmem:$0xAD00] =	vst v63  }
0x179: {  	_ =	swait.ge [sflag:s19], $0x2000  }
0x17a: {  	[sflag:s19] =	ssyncset.done $0x0  }
0x17b: {  	s20 =	rddreg [dreg:$0xc];
	[sflag:s19] =	ssyncadd.s32 $0xFFFFE000  }
0x17c: {  	[hbm4b:s20+s7] =	stream.strided.scatter [tilespmem:s6], [sflag:$0xA], $0x2000, s2, s7, $0x38;
	[tilespmem:$0xAD00] =	vst v63  }
0x17d: {  	_ =	swait.ge [sflag:s15], $0x2000  }
0x17e: {  	s20 =	sld [smem:$0x7FB]  }
0x17f: {  	[sflag:s15] =	ssyncset.done $0x0  }
0x180: {  	[sflag:s15] =	ssyncadd.s32 $0xFFFFE000  }
0x181: {  	[tilespmem:s6], [sflag:$0x5] =	stream.indirect.gather [hbm4b:s4+s2], $0x40, s20, s2, $0xb8;
	[tilespmem:$0xAD00] =	vst v63  }
0x182: {  	_ =	swait.ge [sflag:s5], $0x2000  }
0x183: {  	[sflag:s5] =	ssyncset.done $0x0  }
0x184: {  	s20 =	rddreg [dreg:$0xd];
	[sflag:s5] =	ssyncadd.s32 $0xFFFFE000  }
0x185: {  	[hbm4b:s20+s7] =	stream.strided.scatter [tilespmem:s3], [sflag:$0x6], $0x2000, s2, s7, $0x38;
	[tilespmem:$0xAD00] =	vst v63  }
0x186: {  	_ =	swait.ge [sflag:s8], $0x2000  }
0x187: {  	s20 =	sld [smem:$0x7FC]  }
0x188: {  	[sflag:s8] =	ssyncset.done $0x0  }
0x189: {  	[sflag:s8] =	ssyncadd.s32 $0xFFFFE000  }
0x18a: {  	[tilespmem:s3], [sflag:$0x1] =	stream.indirect.gather [hbm4b:s4+s2], $0x40, s20, s2, $0xb8;
	[tilespmem:$0xAD00] =	vst v63  }
0x18b: {  	_ =	swait.ge [sflag:s16], $0x2000  }
0x18c: {  	[sflag:s16] =	ssyncset.done $0x0  }
0x18d: {  	s20 =	rddreg [dreg:$0xe];
	[sflag:s16] =	ssyncadd.s32 $0xFFFFE000  }
0x18e: {  	[hbm4b:s20+s7] =	stream.strided.scatter [tilespmem:s12], [sflag:$0x7], $0x2000, s2, s7, $0x38;
	[tilespmem:$0xAD00] =	vst v63  }
0x18f: {  	_ =	swait.ge [sflag:s11], $0x2000  }
0x190: {  	s20 =	sld [smem:$0x7FD]  }
0x191: {  	[sflag:s11] =	ssyncset.done $0x0  }
0x192: {  	[sflag:s11] =	ssyncadd.s32 $0xFFFFE000  }
0x193: {  	[tilespmem:s12], [sflag:$0x2] =	stream.indirect.gather [hbm4b:s4+s2], $0x40, s20, s2, $0xb8;
	[tilespmem:$0xAD00] =	vst v63  }
0x194: {  	_ =	swait.ge [sflag:s17], $0x2000  }
0x195: {  	[sflag:s17] =	ssyncset.done $0x0  }
0x196: {  	s20 =	rddreg [dreg:$0xf];
	[sflag:s17] =	ssyncadd.s32 $0xFFFFE000  }
0x197: {  	[hbm4b:s20+s7] =	stream.strided.scatter [tilespmem:s10], [sflag:$0x8], $0x2000, s2, s7, $0x38;
	[tilespmem:$0xAD00] =	vst v63  }
0x198: {  	_ =	swait.ge [sflag:s13], $0x2000  }
0x199: {  	[sflag:s13] =	ssyncset.done $0x0  }
0x19a: {  	s20 =	simm.s32 $0x880;
	[sflag:s13] =	ssyncadd.s32 $0xFFFFE000  }
0x19b: {  	[tilespmem:s10], [sflag:$0x3] =	stream.indirect.gather [hbm4b:s4+s2], $0x40, s20, s2, $0xb8;
	[tilespmem:$0xAD00] =	vst v63  }
0x19c: {  	_ =	swait.ge [sflag:s18], $0x2000  }
0x19d: {  	[sflag:s18] =	ssyncset.done $0x0  }
0x19e: {  	s20 =	rddreg [dreg:$0x10];
	[sflag:s18] =	ssyncadd.s32 $0xFFFFE000  }
0x19f: {  	[hbm4b:s20+s7] =	stream.strided.scatter [tilespmem:s9], [sflag:$0x9], $0x2000, s2, s7, $0x38;
	[tilespmem:$0xAD00] =	vst v63  }
0x1a0: {  	_ =	swait.ge [sflag:s14], $0x2000  }
0x1a1: {  	[sflag:s14] =	ssyncset.done $0x0  }
0x1a2: {  	[sflag:s14] =	ssyncadd.s32 $0xFFFFE000  }
0x1a3: {  	[tilespmem:s9], [sflag:$0x4] =	stream.indirect.gather [hbm4b:s4+s2], $0x40, s29, s2, $0xb8;
	[tilespmem:$0xAD00] =	vst v63  }
0x1a4: {  	_ =	swait.ge [sflag:s19], $0x2000  }
0x1a5: {  	[sflag:s19] =	ssyncset.done $0x0  }
0x1a6: {  	s20 =	rddreg [dreg:$0x11];
	[sflag:s19] =	ssyncadd.s32 $0xFFFFE000  }
0x1a7: {  	[hbm4b:s20+s7] =	stream.strided.scatter [tilespmem:s6], [sflag:$0xA], $0x2000, s2, s7, $0x38;
	[tilespmem:$0xAD00] =	vst v63  }
0x1a8: {  	_ =	swait.ge [sflag:s15], $0x2000  }
0x1a9: {  	[sflag:s15] =	ssyncset.done $0x0  }
0x1aa: {  	[sflag:s15] =	ssyncadd.s32 $0xFFFFE000  }
0x1ab: {  	[tilespmem:s6], [sflag:$0x5] =	stream.indirect.gather [hbm4b:s4+s2], $0x40, s28, s2, $0xb8;
	[tilespmem:$0xAD00] =	vst v63  }
0x1ac: {  	_ =	swait.ge [sflag:s5], $0x2000  }
0x1ad: {  	[sflag:s5] =	ssyncset.done $0x0  }
0x1ae: {  	s20 =	rddreg [dreg:$0x12];
	[sflag:s5] =	ssyncadd.s32 $0xFFFFE000  }
0x1af: {  	[hbm4b:s20+s7] =	stream.strided.scatter [tilespmem:s3], [sflag:$0x6], $0x2000, s2, s7, $0x38;
	[tilespmem:$0xAD00] =	vst v63  }
0x1b0: {  	_ =	swait.ge [sflag:s8], $0x2000  }
0x1b1: {  	[sflag:s8] =	ssyncset.done $0x0  }
0x1b2: {  	[sflag:s8] =	ssyncadd.s32 $0xFFFFE000  }
0x1b3: {  	[tilespmem:s3], [sflag:$0x1] =	stream.indirect.gather [hbm4b:s4+s2], $0x40, s26, s2, $0xb8;
	[tilespmem:$0xAD00] =	vst v63  }
0x1b4: {  	_ =	swait.ge [sflag:s16], $0x2000  }
0x1b5: {  	[sflag:s16] =	ssyncset.done $0x0  }
0x1b6: {  	s20 =	rddreg [dreg:$0x13];
	[sflag:s16] =	ssyncadd.s32 $0xFFFFE000  }
0x1b7: {  	[hbm4b:s20+s7] =	stream.strided.scatter [tilespmem:s12], [sflag:$0x7], $0x2000, s2, s7, $0x38;
	[tilespmem:$0xAD00] =	vst v63  }
0x1b8: {  	_ =	swait.ge [sflag:s11], $0x2000  }
0x1b9: {  	[sflag:s11] =	ssyncset.done $0x0  }
0x1ba: {  	[sflag:s11] =	ssyncadd.s32 $0xFFFFE000  }
0x1bb: {  	[tilespmem:s12], [sflag:$0x2] =	stream.indirect.gather [hbm4b:s4+s2], $0x40, s25, s2, $0xb8;
	[tilespmem:$0xAD00] =	vst v63  }
0x1bc: {  	_ =	swait.ge [sflag:s17], $0x2000  }
0x1bd: {  	[sflag:s17] =	ssyncset.done $0x0  }
0x1be: {  	s20 =	rddreg [dreg:$0x14];
	[sflag:s17] =	ssyncadd.s32 $0xFFFFE000  }
0x1bf: {  	[hbm4b:s20+s7] =	stream.strided.scatter [tilespmem:s10], [sflag:$0x8], $0x2000, s2, s7, $0x38;
	[tilespmem:$0xAD00] =	vst v63  }
0x1c0: {  	_ =	swait.ge [sflag:s13], $0x2000  }
0x1c1: {  	[sflag:s13] =	ssyncset.done $0x0  }
0x1c2: {  	[sflag:s13] =	ssyncadd.s32 $0xFFFFE000  }
0x1c3: {  	[tilespmem:s10], [sflag:$0x3] =	stream.indirect.gather [hbm4b:s4+s2], $0x40, s24, s2, $0xb8;
	[tilespmem:$0xAD00] =	vst v63  }
0x1c4: {  	_ =	swait.ge [sflag:s18], $0x2000  }
0x1c5: {  	[sflag:s18] =	ssyncset.done $0x0  }
0x1c6: {  	s20 =	rddreg [dreg:$0x15];
	[sflag:s18] =	ssyncadd.s32 $0xFFFFE000  }
0x1c7: {  	[hbm4b:s20+s7] =	stream.strided.scatter [tilespmem:s9], [sflag:$0x9], $0x2000, s2, s7, $0x38;
	[tilespmem:$0xAD00] =	vst v63  }
0x1c8: {  	_ =	swait.ge [sflag:s14], $0x2000  }
0x1c9: {  	[sflag:s14] =	ssyncset.done $0x0  }
0x1ca: {  	[sflag:s14] =	ssyncadd.s32 $0xFFFFE000  }
0x1cb: {  	[tilespmem:s9], [sflag:$0x4] =	stream.indirect.gather [hbm4b:s4+s2], $0x40, s23, s2, $0xb8;
	[tilespmem:$0xAD00] =	vst v63  }
0x1cc: {  	_ =	swait.ge [sflag:s19], $0x2000  }
0x1cd: {  	[sflag:s19] =	ssyncset.done $0x0  }
0x1ce: {  	s20 =	rddreg [dreg:$0x16];
	[sflag:s19] =	ssyncadd.s32 $0xFFFFE000  }
0x1cf: {  	[hbm4b:s20+s7] =	stream.strided.scatter [tilespmem:s6], [sflag:$0xA], $0x2000, s2, s7, $0x38;
	[tilespmem:$0xAD00] =	vst v63  }
0x1d0: {  	_ =	swait.ge [sflag:s15], $0x2000  }
0x1d1: {  	[sflag:s15] =	ssyncset.done $0x0  }
0x1d2: {  	[sflag:s15] =	ssyncadd.s32 $0xFFFFE000  }
0x1d3: {  	[tilespmem:s6], [sflag:$0x5] =	stream.indirect.gather [hbm4b:s4+s2], $0x40, s22, s2, $0xb8;
	[tilespmem:$0xAD00] =	vst v63  }
0x1d4: {  	_ =	swait.ge [sflag:s5], $0x2000  }
0x1d5: {  	[sflag:s5] =	ssyncset.done $0x0  }
0x1d6: {  	s20 =	rddreg [dreg:$0x17];
	[sflag:s5] =	ssyncadd.s32 $0xFFFFE000  }
0x1d7: {  	[hbm4b:s20+s7] =	stream.strided.scatter [tilespmem:s3], [sflag:$0x6], $0x2000, s2, s7, $0x38;
	[tilespmem:$0xAD00] =	vst v63  }
0x1d8: {  	_ =	swait.ge [sflag:s8], $0x2000  }
0x1d9: {  	[sflag:s8] =	ssyncset.done $0x0  }
0x1da: {  	[sflag:s8] =	ssyncadd.s32 $0xFFFFE000  }
0x1db: {  	[tilespmem:s3], [sflag:$0x1] =	stream.indirect.gather [hbm4b:s4+s2], $0x40, s21, s2, $0xb8;
	[tilespmem:$0xAD00] =	vst v63  }
0x1dc: {  	_ =	swait.ge [sflag:s16], $0x2000  }
0x1dd: {  	[sflag:s16] =	ssyncset.done $0x0  }
0x1de: {  	s20 =	rddreg [dreg:$0x18];
	[sflag:s16] =	ssyncadd.s32 $0xFFFFE000  }
0x1df: {  	[hbm4b:s20+s7] =	stream.strided.scatter [tilespmem:s12], [sflag:$0x7], $0x2000, s2, s7, $0x38;
	[tilespmem:$0xAD00] =	vst v63  }
0x1e0: {  	_ =	swait.ge [sflag:s17], $0x2000  }
0x1e1: {  	[sflag:s17] =	ssyncset.done $0x0  }
0x1e2: {  	s20 =	rddreg [dreg:$0x19];
	[sflag:s17] =	ssyncadd.s32 $0xFFFFE000  }
0x1e3: {  	[hbm4b:s20+s7] =	stream.strided.scatter [tilespmem:s10], [sflag:$0x8], $0x2000, s2, s7, $0x38;
	[tilespmem:$0xAD00] =	vst v63  }
0x1e4: {  	_ =	swait.ge [sflag:s18], $0x2000  }
0x1e5: {  	[sflag:s18] =	ssyncset.done $0x0  }
0x1e6: {  	s20 =	rddreg [dreg:$0x1a];
	[sflag:s18] =	ssyncadd.s32 $0xFFFFE000  }
0x1e7: {  	[hbm4b:s20+s7] =	stream.strided.scatter [tilespmem:s9], [sflag:$0x9], $0x2000, s2, s7, $0x38;
	[tilespmem:$0xAD00] =	vst v63  }
0x1e8: {  	_ =	swait.ge [sflag:s19], $0x2000  }
0x1e9: {  	[sflag:s19] =	ssyncset.done $0x0  }
0x1ea: {  	s20 =	rddreg [dreg:$0x1b];
	[sflag:s19] =	ssyncadd.s32 $0xFFFFE000  }
0x1eb: {  	[hbm4b:s20+s7] =	stream.strided.scatter [tilespmem:s6], [sflag:$0xA], $0x2000, s2, s7, $0x38;
	[tilespmem:$0xAD00] =	vst v63  }
0x1ec: {  	_ =	swait.ge [sflag:s5], $0x2000  }
0x1ed: {  	[sflag:s5] =	ssyncset.done $0x0  }
0x1ee: {  	s20 =	rddreg [dreg:$0x1c];
	[sflag:s5] =	ssyncadd.s32 $0xFFFFE000  }
0x1ef: {  	[hbm4b:s20+s7] =	stream.strided.scatter [tilespmem:s3], [sflag:$0x6], $0x2000, s2, s7, $0x38;
	[tilespmem:$0xAD00] =	vst v63  }
0x1f0: {  	_ =	swait.ge [sflag:s8], $0x2000  }
0x1f1: {  	[sflag:s8] =	ssyncset.done $0x0  }
0x1f2: {  	[sflag:s8] =	ssyncadd.s32 $0xFFFFE000  }
0x1f3: {  	_ =	swait.ge [sflag:s11], $0x2000  }
0x1f4: {  	[sflag:s11] =	ssyncset.done $0x0  }
0x1f5: {  	[sflag:s11] =	ssyncadd.s32 $0xFFFFE000  }
0x1f6: {  	_ =	swait.ge [sflag:s13], $0x2000  }
0x1f7: {  	[sflag:s13] =	ssyncset.done $0x0  }
0x1f8: {  	p1 =	sne.s32 s1, $0x1;
	[sflag:s13] =	ssyncadd.s32 $0xFFFFE000  }
.Ltmp2:
0x1f9: {  	_ =	swait.ge [sflag:s14], $0x2000;
	(pc) =	sbr.rel @p1 .LBB2_4-.Ltmp2, $4  }
0x1fa: {  	[sflag:s14] =	ssyncset.done $0x0  }
0x1fb: {  	[sflag:s14] =	ssyncadd.s32 $0xFFFFE000  }
0x1fc: {  	_ =	swait.ge [sflag:s15], $0x2000  }
0x1fd: {  	s1 =	sadd.s32 $0xFFFFFFFF, s1;
	s0 =	rddreg [dreg:$0x2];
	[sflag:s15] =	ssyncset.done $0x0  }
0x1fe: {  	s21 =	simm.s32 $0x880;
	s29 =	simm.s32 $0x900;
	s28 =	simm.s32 $0x980  }
0x1ff: {  	s26 =	simm.s32 $0xA00;
	s25 =	simm.s32 $0xA80;
	s24 =	simm.s32 $0xB00  }
0x200: {  	s23 =	simm.s32 $0xB80;
	s22 =	simm.s32 $0xC00;
	s20 =	stileid.u32  }
.LBB2_6:
0x201: {  	s1 =	rddreg [dreg:$0x1d];
	[sflag:s15] =	ssyncadd.s32 @p0 $0xFFFFE000  }
0x202: {  	[tilespmem:s30], [sflag:$0xB] =	stream.strided.gather [hbm4b:s0+s2], $0xD00, s1, s2, $0x38;
	[tilespmem:$0xAD00] =	vst v63  }
0x203: {  	_ =	swait.ge [sflag:s31], $0xD00  }
0x204: {  	[sflag:s31] =	ssyncset.done $0x0  }
0x205: {  	[sflag:s31] =	ssyncadd.s32 $0xFFFFF300  }
0x206: {  	[tilespmem:s3], [sflag:$0x1] =	stream.indirect.gather [hbm4b:s4+s2], $0x40, s30, s2, $0xb8;
	[tilespmem:$0xAD00] =	vst v63  }
0x207: {  	s1 =	rddreg [dreg:$0x1e]  }
0x208: {  	[tilespmem:s12], [sflag:$0x2] =	stream.indirect.gather [hbm4b:s4+s2], $0x40, s2, s2, $0xb8;
	[tilespmem:$0xAD00] =	vst v63  }
0x209: {  	s31 =	sld [smem:$0x7F1]  }
0x20a: {  	[tilespmem:s10], [sflag:$0x3] =	stream.indirect.gather [hbm4b:s4+s2], $0x40, s1, s2, $0xb8;
	[tilespmem:$0xAD00] =	vst v63  }
0x20b: {  	s30 =	rddreg [dreg:$0x1f]  }
0x20c: {  	[tilespmem:s9], [sflag:$0x4] =	stream.indirect.gather [hbm4b:s4+s2], $0x40, s30, s2, $0xb8;
	[tilespmem:$0xAD00] =	vst v63  }
0x20d: {  	_ = 	snop  }
0x20e: {  	[tilespmem:s6], [sflag:$0x5] =	stream.indirect.gather [hbm4b:s4+s2], $0x40, s31, s2, $0xb8;
	[tilespmem:$0xAD00] =	vst v63  }
0x20f: {  	_ =	swait.ge [sflag:s5], $0x2000  }
0x210: {  	[sflag:s5] =	ssyncset.done $0x0  }
0x211: {  	s1 =	rddreg [dreg:$0x3];
	[sflag:s5] =	ssyncadd.s32 $0xFFFFE000  }
0x212: {  	[hbm4b:s1+s7] =	stream.strided.scatter [tilespmem:s3], [sflag:$0x6], $0x2000, s2, s7, $0x38;
	[tilespmem:$0xAD00] =	vst v63  }
0x213: {  	_ =	swait.ge [sflag:s8], $0x2000  }
0x214: {  	s30 =	sld [smem:$0x7F2]  }
0x215: {  	[sflag:s8] =	ssyncset.done $0x0  }
0x216: {  	[sflag:s8] =	ssyncadd.s32 $0xFFFFE000  }
0x217: {  	[tilespmem:s3], [sflag:$0x1] =	stream.indirect.gather [hbm4b:s4+s2], $0x40, s30, s2, $0xb8;
	[tilespmem:$0xAD00] =	vst v63  }
0x218: {  	_ =	swait.ge [sflag:s16], $0x2000  }
0x219: {  	[sflag:s16] =	ssyncset.done $0x0  }
0x21a: {  	s31 =	rddreg [dreg:$0x4];
	[sflag:s16] =	ssyncadd.s32 $0xFFFFE000  }
0x21b: {  	[hbm4b:s31+s7] =	stream.strided.scatter [tilespmem:s12], [sflag:$0x7], $0x2000, s2, s7, $0x38;
	[tilespmem:$0xAD00] =	vst v63  }
0x21c: {  	_ =	swait.ge [sflag:s11], $0x2000  }
0x21d: {  	s1 =	sld [smem:$0x7F3]  }
0x21e: {  	[sflag:s11] =	ssyncset.done $0x0  }
0x21f: {  	[sflag:s11] =	ssyncadd.s32 $0xFFFFE000  }
0x220: {  	[tilespmem:s12], [sflag:$0x2] =	stream.indirect.gather [hbm4b:s4+s2], $0x40, s1, s2, $0xb8;
	[tilespmem:$0xAD00] =	vst v63  }
0x221: {  	_ =	swait.ge [sflag:s17], $0x2000  }
0x222: {  	[sflag:s17] =	ssyncset.done $0x0  }
0x223: {  	s30 =	rddreg [dreg:$0x5];
	[sflag:s17] =	ssyncadd.s32 $0xFFFFE000  }
0x224: {  	[hbm4b:s30+s7] =	stream.strided.scatter [tilespmem:s10], [sflag:$0x8], $0x2000, s2, s7, $0x38;
	[tilespmem:$0xAD00] =	vst v63  }
0x225: {  	_ =	swait.ge [sflag:s13], $0x2000  }
0x226: {  	s31 =	sld [smem:$0x7F4]  }
0x227: {  	[sflag:s13] =	ssyncset.done $0x0  }
0x228: {  	[sflag:s13] =	ssyncadd.s32 $0xFFFFE000  }
0x229: {  	[tilespmem:s10], [sflag:$0x3] =	stream.indirect.gather [hbm4b:s4+s2], $0x40, s31, s2, $0xb8;
	[tilespmem:$0xAD00] =	vst v63  }
0x22a: {  	_ =	swait.ge [sflag:s18], $0x2000  }
0x22b: {  	[sflag:s18] =	ssyncset.done $0x0  }
0x22c: {  	s1 =	rddreg [dreg:$0x6];
	[sflag:s18] =	ssyncadd.s32 $0xFFFFE000  }
0x22d: {  	[hbm4b:s1+s7] =	stream.strided.scatter [tilespmem:s9], [sflag:$0x9], $0x2000, s2, s7, $0x38;
	[tilespmem:$0xAD00] =	vst v63  }
0x22e: {  	_ =	swait.ge [sflag:s14], $0x2000  }
0x22f: {  	s30 =	sld [smem:$0x7F5]  }
0x230: {  	[sflag:s14] =	ssyncset.done $0x0  }
0x231: {  	[sflag:s14] =	ssyncadd.s32 $0xFFFFE000  }
0x232: {  	[tilespmem:s9], [sflag:$0x4] =	stream.indirect.gather [hbm4b:s4+s2], $0x40, s30, s2, $0xb8;
	[tilespmem:$0xAD00] =	vst v63  }
0x233: {  	_ =	swait.ge [sflag:s19], $0x2000  }
0x234: {  	[sflag:s19] =	ssyncset.done $0x0  }
0x235: {  	s31 =	rddreg [dreg:$0x7];
	[sflag:s19] =	ssyncadd.s32 $0xFFFFE000  }
0x236: {  	[hbm4b:s31+s7] =	stream.strided.scatter [tilespmem:s6], [sflag:$0xA], $0x2000, s2, s7, $0x38;
	[tilespmem:$0xAD00] =	vst v63  }
0x237: {  	_ =	swait.ge [sflag:s15], $0x2000  }
0x238: {  	s1 =	sld [smem:$0x7F6]  }
0x239: {  	[sflag:s15] =	ssyncset.done $0x0  }
0x23a: {  	[sflag:s15] =	ssyncadd.s32 $0xFFFFE000  }
0x23b: {  	[tilespmem:s6], [sflag:$0x5] =	stream.indirect.gather [hbm4b:s4+s2], $0x40, s1, s2, $0xb8;
	[tilespmem:$0xAD00] =	vst v63  }
0x23c: {  	_ =	swait.ge [sflag:s5], $0x2000  }
0x23d: {  	[sflag:s5] =	ssyncset.done $0x0  }
0x23e: {  	s30 =	rddreg [dreg:$0x8];
	[sflag:s5] =	ssyncadd.s32 $0xFFFFE000  }
0x23f: {  	[hbm4b:s30+s7] =	stream.strided.scatter [tilespmem:s3], [sflag:$0x6], $0x2000, s2, s7, $0x38;
	[tilespmem:$0xAD00] =	vst v63  }
0x240: {  	_ =	swait.ge [sflag:s8], $0x2000  }
0x241: {  	s31 =	sld [smem:$0x7F7]  }
0x242: {  	[sflag:s8] =	ssyncset.done $0x0  }
0x243: {  	[sflag:s8] =	ssyncadd.s32 $0xFFFFE000  }
0x244: {  	[tilespmem:s3], [sflag:$0x1] =	stream.indirect.gather [hbm4b:s4+s2], $0x40, s31, s2, $0xb8;
	[tilespmem:$0xAD00] =	vst v63  }
0x245: {  	_ =	swait.ge [sflag:s16], $0x2000  }
0x246: {  	[sflag:s16] =	ssyncset.done $0x0  }
0x247: {  	s1 =	rddreg [dreg:$0x9];
	[sflag:s16] =	ssyncadd.s32 $0xFFFFE000  }
0x248: {  	[hbm4b:s1+s7] =	stream.strided.scatter [tilespmem:s12], [sflag:$0x7], $0x2000, s2, s7, $0x38;
	[tilespmem:$0xAD00] =	vst v63  }
0x249: {  	_ =	swait.ge [sflag:s11], $0x2000  }
0x24a: {  	s30 =	sld [smem:$0x7F8]  }
0x24b: {  	[sflag:s11] =	ssyncset.done $0x0  }
0x24c: {  	[sflag:s11] =	ssyncadd.s32 $0xFFFFE000  }
0x24d: {  	[tilespmem:s12], [sflag:$0x2] =	stream.indirect.gather [hbm4b:s4+s2], $0x40, s30, s2, $0xb8;
	[tilespmem:$0xAD00] =	vst v63  }
0x24e: {  	_ =	swait.ge [sflag:s17], $0x2000  }
0x24f: {  	[sflag:s17] =	ssyncset.done $0x0  }
0x250: {  	s31 =	rddreg [dreg:$0xa];
	[sflag:s17] =	ssyncadd.s32 $0xFFFFE000  }
0x251: {  	[hbm4b:s31+s7] =	stream.strided.scatter [tilespmem:s10], [sflag:$0x8], $0x2000, s2, s7, $0x38;
	[tilespmem:$0xAD00] =	vst v63  }
0x252: {  	_ =	swait.ge [sflag:s13], $0x2000  }
0x253: {  	s1 =	sld [smem:$0x7F9]  }
0x254: {  	[sflag:s13] =	ssyncset.done $0x0  }
0x255: {  	[sflag:s13] =	ssyncadd.s32 $0xFFFFE000  }
0x256: {  	[tilespmem:s10], [sflag:$0x3] =	stream.indirect.gather [hbm4b:s4+s2], $0x40, s1, s2, $0xb8;
	[tilespmem:$0xAD00] =	vst v63  }
0x257: {  	_ =	swait.ge [sflag:s18], $0x2000  }
0x258: {  	[sflag:s18] =	ssyncset.done $0x0  }
0x259: {  	s30 =	rddreg [dreg:$0xb];
	[sflag:s18] =	ssyncadd.s32 $0xFFFFE000  }
0x25a: {  	[hbm4b:s30+s7] =	stream.strided.scatter [tilespmem:s9], [sflag:$0x9], $0x2000, s2, s7, $0x38;
	[tilespmem:$0xAD00] =	vst v63  }
0x25b: {  	_ =	swait.ge [sflag:s14], $0x2000  }
0x25c: {  	s31 =	sld [smem:$0x7FA]  }
0x25d: {  	[sflag:s14] =	ssyncset.done $0x0  }
0x25e: {  	[sflag:s14] =	ssyncadd.s32 $0xFFFFE000  }
0x25f: {  	[tilespmem:s9], [sflag:$0x4] =	stream.indirect.gather [hbm4b:s4+s2], $0x40, s31, s2, $0xb8;
	[tilespmem:$0xAD00] =	vst v63  }
0x260: {  	_ =	swait.ge [sflag:s19], $0x2000  }
0x261: {  	[sflag:s19] =	ssyncset.done $0x0  }
0x262: {  	s1 =	rddreg [dreg:$0xc];
	[sflag:s19] =	ssyncadd.s32 $0xFFFFE000  }
0x263: {  	[hbm4b:s1+s7] =	stream.strided.scatter [tilespmem:s6], [sflag:$0xA], $0x2000, s2, s7, $0x38;
	[tilespmem:$0xAD00] =	vst v63  }
0x264: {  	_ =	swait.ge [sflag:s15], $0x2000  }
0x265: {  	s30 =	sld [smem:$0x7FB]  }
0x266: {  	[sflag:s15] =	ssyncset.done $0x0  }
0x267: {  	[sflag:s15] =	ssyncadd.s32 $0xFFFFE000  }
0x268: {  	[tilespmem:s6], [sflag:$0x5] =	stream.indirect.gather [hbm4b:s4+s2], $0x40, s30, s2, $0xb8;
	[tilespmem:$0xAD00] =	vst v63  }
0x269: {  	_ =	swait.ge [sflag:s5], $0x2000  }
0x26a: {  	[sflag:s5] =	ssyncset.done $0x0  }
0x26b: {  	s31 =	rddreg [dreg:$0xd];
	[sflag:s5] =	ssyncadd.s32 $0xFFFFE000  }
0x26c: {  	[hbm4b:s31+s7] =	stream.strided.scatter [tilespmem:s3], [sflag:$0x6], $0x2000, s2, s7, $0x38;
	[tilespmem:$0xAD00] =	vst v63  }
0x26d: {  	_ =	swait.ge [sflag:s8], $0x2000  }
0x26e: {  	s1 =	sld [smem:$0x7FC]  }
0x26f: {  	[sflag:s8] =	ssyncset.done $0x0  }
0x270: {  	[sflag:s8] =	ssyncadd.s32 $0xFFFFE000  }
0x271: {  	[tilespmem:s3], [sflag:$0x1] =	stream.indirect.gather [hbm4b:s4+s2], $0x40, s1, s2, $0xb8;
	[tilespmem:$0xAD00] =	vst v63  }
0x272: {  	_ =	swait.ge [sflag:s16], $0x2000  }
0x273: {  	[sflag:s16] =	ssyncset.done $0x0  }
0x274: {  	s30 =	rddreg [dreg:$0xe];
	[sflag:s16] =	ssyncadd.s32 $0xFFFFE000  }
0x275: {  	[hbm4b:s30+s7] =	stream.strided.scatter [tilespmem:s12], [sflag:$0x7], $0x2000, s2, s7, $0x38;
	[tilespmem:$0xAD00] =	vst v63  }
0x276: {  	_ =	swait.ge [sflag:s11], $0x2000  }
0x277: {  	s31 =	sld [smem:$0x7FD]  }
0x278: {  	[sflag:s11] =	ssyncset.done $0x0  }
0x279: {  	[sflag:s11] =	ssyncadd.s32 $0xFFFFE000  }
0x27a: {  	[tilespmem:s12], [sflag:$0x2] =	stream.indirect.gather [hbm4b:s4+s2], $0x40, s31, s2, $0xb8;
	[tilespmem:$0xAD00] =	vst v63  }
0x27b: {  	_ =	swait.ge [sflag:s17], $0x2000  }
0x27c: {  	[sflag:s17] =	ssyncset.done $0x0  }
0x27d: {  	s1 =	rddreg [dreg:$0xf];
	[sflag:s17] =	ssyncadd.s32 $0xFFFFE000  }
0x27e: {  	[hbm4b:s1+s7] =	stream.strided.scatter [tilespmem:s10], [sflag:$0x8], $0x2000, s2, s7, $0x38;
	[tilespmem:$0xAD00] =	vst v63  }
0x27f: {  	_ =	swait.ge [sflag:s13], $0x2000  }
0x280: {  	[sflag:s13] =	ssyncset.done $0x0  }
0x281: {  	[sflag:s13] =	ssyncadd.s32 $0xFFFFE000  }
0x282: {  	[tilespmem:s10], [sflag:$0x3] =	stream.indirect.gather [hbm4b:s4+s2], $0x40, s21, s2, $0xb8;
	[tilespmem:$0xAD00] =	vst v63  }
0x283: {  	_ =	swait.ge [sflag:s18], $0x2000  }
0x284: {  	[sflag:s18] =	ssyncset.done $0x0  }
0x285: {  	s21 =	rddreg [dreg:$0x10];
	[sflag:s18] =	ssyncadd.s32 $0xFFFFE000  }
0x286: {  	[hbm4b:s21+s7] =	stream.strided.scatter [tilespmem:s9], [sflag:$0x9], $0x2000, s2, s7, $0x38;
	[tilespmem:$0xAD00] =	vst v63  }
0x287: {  	_ =	swait.ge [sflag:s14], $0x2000  }
0x288: {  	[sflag:s14] =	ssyncset.done $0x0  }
0x289: {  	[sflag:s14] =	ssyncadd.s32 $0xFFFFE000  }
0x28a: {  	[tilespmem:s9], [sflag:$0x4] =	stream.indirect.gather [hbm4b:s4+s2], $0x40, s29, s2, $0xb8;
	[tilespmem:$0xAD00] =	vst v63  }
0x28b: {  	_ =	swait.ge [sflag:s19], $0x2000  }
0x28c: {  	[sflag:s19] =	ssyncset.done $0x0  }
0x28d: {  	s29 =	rddreg [dreg:$0x11];
	[sflag:s19] =	ssyncadd.s32 $0xFFFFE000  }
0x28e: {  	[hbm4b:s29+s7] =	stream.strided.scatter [tilespmem:s6], [sflag:$0xA], $0x2000, s2, s7, $0x38;
	[tilespmem:$0xAD00] =	vst v63  }
0x28f: {  	_ =	swait.ge [sflag:s15], $0x2000  }
0x290: {  	[sflag:s15] =	ssyncset.done $0x0  }
0x291: {  	[sflag:s15] =	ssyncadd.s32 $0xFFFFE000  }
0x292: {  	[tilespmem:s6], [sflag:$0x5] =	stream.indirect.gather [hbm4b:s4+s2], $0x40, s28, s2, $0xb8;
	[tilespmem:$0xAD00] =	vst v63  }
0x293: {  	_ =	swait.ge [sflag:s5], $0x2000  }
0x294: {  	[sflag:s5] =	ssyncset.done $0x0  }
0x295: {  	s30 =	rddreg [dreg:$0x12];
	[sflag:s5] =	ssyncadd.s32 $0xFFFFE000  }
0x296: {  	[hbm4b:s30+s7] =	stream.strided.scatter [tilespmem:s3], [sflag:$0x6], $0x2000, s2, s7, $0x38;
	[tilespmem:$0xAD00] =	vst v63  }
0x297: {  	_ =	swait.ge [sflag:s8], $0x2000  }
0x298: {  	[sflag:s8] =	ssyncset.done $0x0  }
0x299: {  	[sflag:s8] =	ssyncadd.s32 $0xFFFFE000  }
0x29a: {  	[tilespmem:s3], [sflag:$0x1] =	stream.indirect.gather [hbm4b:s4+s2], $0x40, s26, s2, $0xb8;
	[tilespmem:$0xAD00] =	vst v63  }
0x29b: {  	_ =	swait.ge [sflag:s16], $0x2000  }
0x29c: {  	[sflag:s16] =	ssyncset.done $0x0  }
0x29d: {  	s31 =	rddreg [dreg:$0x13];
	[sflag:s16] =	ssyncadd.s32 $0xFFFFE000  }
0x29e: {  	[hbm4b:s31+s7] =	stream.strided.scatter [tilespmem:s12], [sflag:$0x7], $0x2000, s2, s7, $0x38;
	[tilespmem:$0xAD00] =	vst v63  }
0x29f: {  	_ =	swait.ge [sflag:s11], $0x2000  }
0x2a0: {  	[sflag:s11] =	ssyncset.done $0x0  }
0x2a1: {  	[sflag:s11] =	ssyncadd.s32 $0xFFFFE000  }
0x2a2: {  	[tilespmem:s12], [sflag:$0x2] =	stream.indirect.gather [hbm4b:s4+s2], $0x40, s25, s2, $0xb8;
	[tilespmem:$0xAD00] =	vst v63  }
0x2a3: {  	_ =	swait.ge [sflag:s17], $0x2000  }
0x2a4: {  	[sflag:s17] =	ssyncset.done $0x0  }
0x2a5: {  	s1 =	rddreg [dreg:$0x14];
	[sflag:s17] =	ssyncadd.s32 $0xFFFFE000  }
0x2a6: {  	[hbm4b:s1+s7] =	stream.strided.scatter [tilespmem:s10], [sflag:$0x8], $0x2000, s2, s7, $0x38;
	[tilespmem:$0xAD00] =	vst v63  }
0x2a7: {  	_ =	swait.ge [sflag:s13], $0x2000  }
0x2a8: {  	[sflag:s13] =	ssyncset.done $0x0  }
0x2a9: {  	[sflag:s13] =	ssyncadd.s32 $0xFFFFE000  }
0x2aa: {  	[tilespmem:s10], [sflag:$0x3] =	stream.indirect.gather [hbm4b:s4+s2], $0x40, s24, s2, $0xb8;
	[tilespmem:$0xAD00] =	vst v63  }
0x2ab: {  	_ =	swait.ge [sflag:s18], $0x2000  }
0x2ac: {  	[sflag:s18] =	ssyncset.done $0x0  }
0x2ad: {  	s21 =	rddreg [dreg:$0x15];
	[sflag:s18] =	ssyncadd.s32 $0xFFFFE000  }
0x2ae: {  	[hbm4b:s21+s7] =	stream.strided.scatter [tilespmem:s9], [sflag:$0x9], $0x2000, s2, s7, $0x38;
	[tilespmem:$0xAD00] =	vst v63  }
0x2af: {  	_ =	swait.ge [sflag:s14], $0x2000  }
0x2b0: {  	[sflag:s14] =	ssyncset.done $0x0  }
0x2b1: {  	[sflag:s14] =	ssyncadd.s32 $0xFFFFE000  }
0x2b2: {  	[tilespmem:s9], [sflag:$0x4] =	stream.indirect.gather [hbm4b:s4+s2], $0x40, s23, s2, $0xb8;
	[tilespmem:$0xAD00] =	vst v63  }
0x2b3: {  	_ =	swait.ge [sflag:s19], $0x2000  }
0x2b4: {  	[sflag:s19] =	ssyncset.done $0x0  }
0x2b5: {  	s23 =	rddreg [dreg:$0x16];
	[sflag:s19] =	ssyncadd.s32 $0xFFFFE000  }
0x2b6: {  	[hbm4b:s23+s7] =	stream.strided.scatter [tilespmem:s6], [sflag:$0xA], $0x2000, s2, s7, $0x38;
	[tilespmem:$0xAD00] =	vst v63  }
0x2b7: {  	_ =	swait.ge [sflag:s15], $0x2000  }
0x2b8: {  	[sflag:s15] =	ssyncset.done $0x0  }
0x2b9: {  	[sflag:s15] =	ssyncadd.s32 $0xFFFFE000  }
0x2ba: {  	[tilespmem:s6], [sflag:$0x5] =	stream.indirect.gather [hbm4b:s4+s2], $0x40, s22, s2, $0xb8;
	[tilespmem:$0xAD00] =	vst v63  }
0x2bb: {  	_ =	swait.ge [sflag:s5], $0x2000  }
0x2bc: {  	[sflag:s5] =	ssyncset.done $0x0  }
0x2bd: {  	s24 =	rddreg [dreg:$0x17];
	[sflag:s5] =	ssyncadd.s32 $0xFFFFE000  }
0x2be: {  	[hbm4b:s24+s7] =	stream.strided.scatter [tilespmem:s3], [sflag:$0x6], $0x2000, s2, s7, $0x38;
	[tilespmem:$0xAD00] =	vst v63  }
0x2bf: {  	_ =	swait.ge [sflag:s8], $0x2000  }
0x2c0: {  	[sflag:s8] =	ssyncset.done $0x0  }
0x2c1: {  	s25 =	simm.s32 $0xC80;
	[sflag:s8] =	ssyncadd.s32 $0xFFFFE000  }
0x2c2: {  	[tilespmem:s3], [sflag:$0x1] =	stream.indirect.gather [hbm4b:s4+s2], $0x40, s25, s2, $0xb8;
	[tilespmem:$0xAD00] =	vst v63  }
0x2c3: {  	_ =	swait.ge [sflag:s16], $0x2000  }
0x2c4: {  	[sflag:s16] =	ssyncset.done $0x0  }
0x2c5: {  	s26 =	rddreg [dreg:$0x18];
	[sflag:s16] =	ssyncadd.s32 $0xFFFFE000  }
0x2c6: {  	[hbm4b:s26+s7] =	stream.strided.scatter [tilespmem:s12], [sflag:$0x7], $0x2000, s2, s7, $0x38;
	[tilespmem:$0xAD00] =	vst v63  }
0x2c7: {  	_ =	swait.ge [sflag:s17], $0x2000  }
0x2c8: {  	[sflag:s17] =	ssyncset.done $0x0  }
0x2c9: {  	s28 =	rddreg [dreg:$0x19];
	[sflag:s17] =	ssyncadd.s32 $0xFFFFE000  }
0x2ca: {  	[hbm4b:s28+s7] =	stream.strided.scatter [tilespmem:s10], [sflag:$0x8], $0x2000, s2, s7, $0x38;
	[tilespmem:$0xAD00] =	vst v63  }
0x2cb: {  	_ =	swait.ge [sflag:s18], $0x2000  }
0x2cc: {  	[sflag:s18] =	ssyncset.done $0x0  }
0x2cd: {  	s29 =	rddreg [dreg:$0x1a];
	[sflag:s18] =	ssyncadd.s32 $0xFFFFE000  }
0x2ce: {  	[hbm4b:s29+s7] =	stream.strided.scatter [tilespmem:s9], [sflag:$0x9], $0x2000, s2, s7, $0x38;
	[tilespmem:$0xAD00] =	vst v63  }
0x2cf: {  	_ =	swait.ge [sflag:s19], $0x2000  }
0x2d0: {  	[sflag:s19] =	ssyncset.done $0x0  }
0x2d1: {  	s30 =	rddreg [dreg:$0x1b];
	[sflag:s19] =	ssyncadd.s32 $0xFFFFE000  }
0x2d2: {  	[hbm4b:s30+s7] =	stream.strided.scatter [tilespmem:s6], [sflag:$0xA], $0x2000, s2, s7, $0x38;
	[tilespmem:$0xAD00] =	vst v63  }
0x2d3: {  	_ =	swait.ge [sflag:s5], $0x2000  }
0x2d4: {  	[sflag:s5] =	ssyncset.done $0x0  }
0x2d5: {  	s31 =	rddreg [dreg:$0x1c];
	[sflag:s5] =	ssyncadd.s32 $0xFFFFE000  }
0x2d6: {  	[hbm4b:s31+s7] =	stream.strided.scatter [tilespmem:s3], [sflag:$0x6], $0x2000, s2, s7, $0x38;
	[tilespmem:$0xAD00] =	vst v63  }
0x2d7: {  	_ =	swait.ge [sflag:s8], $0x2000  }
0x2d8: {  	[sflag:s8] =	ssyncset.done $0x0  }
0x2d9: {  	[sflag:s8] =	ssyncadd.s32 $0xFFFFE000  }
0x2da: {  	_ =	swait.ge [sflag:s11], $0x2000  }
0x2db: {  	[sflag:s11] =	ssyncset.done $0x0  }
0x2dc: {  	[sflag:s11] =	ssyncadd.s32 $0xFFFFE000  }
0x2dd: {  	_ =	swait.ge [sflag:s13], $0x2000  }
0x2de: {  	[sflag:s13] =	ssyncset.done $0x0  }
0x2df: {  	[sflag:s13] =	ssyncadd.s32 $0xFFFFE000  }
0x2e0: {  	_ =	swait.ge [sflag:s14], $0x2000  }
0x2e1: {  	[sflag:s14] =	ssyncset.done $0x0  }
0x2e2: {  	[sflag:s14] =	ssyncadd.s32 $0xFFFFE000  }
0x2e3: {  	_ =	swait.ge [sflag:s15], $0x2000  }
0x2e4: {  	[sflag:s15] =	ssyncset.done $0x0  }
0x2e5: {  	[sflag:s15] =	ssyncadd.s32 $0xFFFFE000  }
0x2e6: {  	_ =	sfence.sel $0x180000  }
0x2e7: {  	[bflag:$0x0] =	sbarrier.arrive $0xFFFF  }
0x2e8: {  	_ =	strace $0x90000047  }
0x2e9: {  	[bflag:$0x2] =	sbarrier.arrive $0xFFFF  }
0x2ea: {  	p0 =	sne.s32 s20, $0x0;
	s0 =	rddreg [dreg:$0x1]  }
0x2eb: {  	s0 =	sadd.s32 @!p0 $0x100000, s0  }
0x2ec: {  	[sflag:s0] =	ssyncadd.tile.s32 @!p0 $0x1;
	_ =	shalt  }
.LBB2_1:
.Ltmp3:
0x2ed: {  	(pc) =	sbr.rel .LBB2_6-.Ltmp3, $4  }
0x2ee: {  	_ = 	snop  }
0x2ef: {  	s21 =	simm.s32 $0x880;
	s29 =	simm.s32 $0x900  }
0x2f0: {  	s28 =	simm.s32 $0x980;
	s26 =	simm.s32 $0xA00;
	s25 =	simm.s32 $0xA80  }
0x2f1: {  	s24 =	simm.s32 $0xB00;
	s23 =	simm.s32 $0xB80;
	s22 =	simm.s32 $0xC00  }
.LBB2_3:
.Ltmp4:
0x2f2: {  	(pc) =	sbr.rel .LBB2_6-.Ltmp4, $4  }
0x2f3: {  	_ = 	snop  }
0x2f4: {  	s21 =	simm.s32 $0x880;
	s29 =	simm.s32 $0x900;
	s28 =	simm.s32 $0x980  }
0x2f5: {  	s26 =	simm.s32 $0xA00;
	s25 =	simm.s32 $0xA80;
	s24 =	simm.s32 $0xB00  }
0x2f6: {  	s23 =	simm.s32 $0xB80;
	s22 =	simm.s32 $0xC00;
	s20 =	stileid.u32  }
.Lfunc_end2:
_tile_overlayer_lowered:
.L_overlay_start_2:
0x2f7: {  	(tag) =	ssettag $0x2  }
0x2f8: {  	s0 =	rddreg [dreg:$0x0];
	s2 =	stileid.u32  }
0x2f9: {  	s1 =	rddreg [dreg:$0x1];
	p0 =	sne.s32 s2, $0x0  }
0x2fa: {  	s3 =	rddreg [dreg:$0x2];
	[bflag:$0x3] =	sbarrier.arrive $0xFFFF;
	s2 =	simm.s32 @!p0 $0x1C0B  }
0x2fb: {  	[timem:s3], [sflag:s2] =	dma.local @!p0 [hbm:s0], s1  }
0x2fc: {  	s0 =	simm.s32 @!p0 $0xB  }
0x2fd: {  	_ =	swait.ge @!p0 [sflag:s0], s1  }
0x2fe: {  	s1 =	ssub.s32 @!p0 $0x0, s1;
	[sflag:s0] =	ssyncset.done @!p0 $0x0  }
0x2ff: {  	[sflag:s0] =	ssyncadd.s32 @!p0 s1  }
0x300: {  	[bflag:$0x3] =	sbarrier.arrive $0xFFFF  }
0x301: {  	_ =	shalt  }

</sc_bundles>
